<compile_context>
chip_gen: v7x
topology: tpu7x:2x2x1
jax: 0.10.2.dev20260603
libtpu: 0.0.44.dev20260713+nightly
codegen_flags: <defaults>
</compile_context>

<pallas_src>
import functools
import math

import numpy as np

import jax
import jax.numpy as jnp
from jax import lax
from jax.experimental import pallas as pl
from jax.experimental.pallas import tpu as pltpu
from jax.experimental.pallas import tpu_sc as plsc

NE = 8
TOPK = 2
CAP_F = 1.25
LANES = 128
NC = 2
NS = 16
NW = NC * NS
SCL = 16



def _pack_bf16(a):
    h2 = a.shape[1] // 2
    ab = a.astype(jnp.bfloat16)
    lo = lax.bitcast_convert_type(ab[:, :h2], jnp.uint16).astype(jnp.uint32)
    hi = lax.bitcast_convert_type(ab[:, h2:], jnp.uint16).astype(jnp.uint32)
    return lax.bitcast_convert_type(lo | (hi << 16), jnp.int32)


def _unpack_raw_bf16(pk):
    u = lax.bitcast_convert_type(pk, jnp.uint32)
    lo = lax.bitcast_convert_type((u & 0xFFFF).astype(jnp.uint16),
                                  jnp.bfloat16)
    hi = lax.bitcast_convert_type((u >> 16).astype(jnp.uint16), jnp.bfloat16)
    return jnp.concatenate([lo, hi], axis=1)


def _unpack_bf16(pk):
    return _unpack_raw_bf16(pk).astype(jnp.float32)


def _router_body(cap, T, x_ref, rw_ref, ltri_ref, dsts_ref,
                 w0_ref, w1_ref, aux_ref, z_ref, xpk_ref):
    f32 = jnp.float32
    x = x_ref[...]
    xpk_ref[...] = _pack_bf16(x)
    logits = jnp.dot(x, rw_ref[...], preferred_element_type=f32)
    lane = lax.broadcasted_iota(jnp.int32, (T, LANES), 1)
    valid_lane = lane < NE
    lm = jnp.where(valid_lane, logits, -1e30)
    mx = jnp.max(lm, axis=1, keepdims=True)
    ex = jnp.where(valid_lane, jnp.exp(lm - mx), 0.0)
    se = jnp.sum(ex, axis=1, keepdims=True)
    probs = ex / se

    m0 = jnp.max(probs, axis=1, keepdims=True)
    i0 = jnp.min(jnp.where((probs == m0) & valid_lane, lane, NE),
                 axis=1, keepdims=True)
    sel0 = lane == i0
    p2 = jnp.where(sel0 | ~valid_lane, -1.0, probs)
    m1 = jnp.max(p2, axis=1, keepdims=True)
    i1 = jnp.min(jnp.where((p2 == m1) & valid_lane, lane, NE),
                 axis=1, keepdims=True)
    sel1 = lane == i1

    B = 128
    L = ltri_ref[...]
    mask0 = sel0.astype(f32)
    mask1 = sel1.astype(f32)
    carry0 = jnp.zeros((1, LANES), f32)
    carry1 = jnp.zeros((1, LANES), f32)
    blocks0 = []
    blocks1 = []
    for b in range(T // B):
        mb0 = mask0[b * B:(b + 1) * B, :]
        mb1 = mask1[b * B:(b + 1) * B, :]
        cb0 = jnp.dot(L, mb0, preferred_element_type=f32) + carry0
        cb1 = jnp.dot(L, mb1, preferred_element_type=f32) + carry1
        carry0 = cb0[B - 1:B, :]
        carry1 = cb1[B - 1:B, :]
        blocks0.append(cb0)
        blocks1.append(cb1)
    c0 = jnp.concatenate(blocks0, axis=0)
    c1 = jnp.concatenate(blocks1, axis=0)
    tot0 = carry0
    tot1 = carry1

    s0 = jnp.sum(jnp.where(sel0, c0 - 1.0, 0.0), axis=1, keepdims=True)
    s1 = jnp.sum(jnp.where(sel1, c1 - 1.0 + tot0, 0.0), axis=1, keepdims=True)
    s0i = s0.astype(jnp.int32)
    s1i = s1.astype(jnp.int32)
    v0 = s0i < cap
    v1 = s1i < cap
    tv0 = jnp.sum(jnp.where(sel0, probs, 0.0), axis=1, keepdims=True)
    tv1 = jnp.sum(jnp.where(sel1, probs, 0.0), axis=1, keepdims=True)

    trash = NE * cap
    d0 = jnp.where(v0, i0 * cap + s0i, trash)
    d1 = jnp.where(v1, i1 * cap + s1i, trash)
    dsts_ref[:, 0:1] = d0
    dsts_ref[:, 1:2] = d1
    ones16 = jnp.ones((1, SCL), f32)
    w0_ref[...] = jnp.where(v0, tv0, 0.0) * ones16
    w1_ref[...] = jnp.where(v1, tv1, 0.0) * ones16

    count = jnp.minimum(jnp.float32(cap), tot0 + tot1)
    mean_prob = jnp.sum(probs, axis=0, keepdims=True) / T
    aux_ref[...] = NE * jnp.sum(mean_prob * count, keepdims=True) / T
    lse = mx + jnp.log(se)
    z_ref[...] = jnp.sum(lse * lse, keepdims=True).reshape(1, 1) / T


def _router_call(x_flat, rw_pad, ltri, cap):
    T = x_flat.shape[0]
    f32 = jnp.float32
    return pl.pallas_call(
        functools.partial(_router_body, cap, T),
        out_shape=[
            jax.ShapeDtypeStruct((T, 2), jnp.int32),
            jax.ShapeDtypeStruct((T, SCL), f32),
            jax.ShapeDtypeStruct((T, SCL), f32),
            jax.ShapeDtypeStruct((1, 1), f32),
            jax.ShapeDtypeStruct((1, 1), f32),
            jax.ShapeDtypeStruct((T, x_flat.shape[1] // 2), jnp.int32),
        ],
    )(x_flat, rw_pad, ltri)



SROW = 32


def _build_slot_map(T, dstbuf, mapb, base_slot, spt, init_val, token_only):
    i32 = jnp.int32
    nr = spt // SROW
    for r in range(nr):
        for h in range(SROW // SCL):
            mapb[r, pl.ds(h * SCL, SCL)] = jnp.full((SCL,), init_val, i32)
    pos16 = lax.iota(i32, SCL)

    def step(i, c):
        v = dstbuf[pl.ds(i * SCL, SCL)]
        pos = pos16 + i * SCL
        m = (v >= base_slot) & (v < base_slot + spt)
        s = jnp.where(m, v - base_slot, 0)
        row = lax.shift_right_logical(s, 5)
        col = s & (SROW - 1)
        tok = lax.shift_right_logical(pos, 1)
        val = tok if token_only else (pos & 1) * T + tok
        plsc.store_scatter(mapb, [row, col], val, mask=m)
        return c

    lax.fori_loop(0, 2 * T // SCL, step, 0)


def _dispatch_body(T, HP, cap, x_hbm, dst_hbm, disp_hbm,
                   dstbuf, mapb, b0, b1, b2, b3, semg, semo):
    spt = NE * cap // NW
    nr = spt // SROW
    wid = lax.axis_index("s") * NC + lax.axis_index("c")
    base_slot = wid * spt
    pltpu.sync_copy(dst_hbm, dstbuf)
    _build_slot_map(T, dstbuf, mapb, base_slot, spt, 0, token_only=True)
    bufs = [b0, b1, b2, b3]

    def gather(c):
        return pltpu.async_copy(x_hbm.at[mapb.at[c]], bufs[c % 4], semg)

    gat = [None] * nr
    sto = [None] * nr
    drained = set()
    for c in range(min(2, nr)):
        gat[c] = gather(c)
    for c in range(nr):
        k = c + 2
        if k < nr:
            if k >= 4:
                sto[k - 4].wait()
                drained.add(k - 4)
            gat[k] = gather(k)
        gat[c].wait()
        sto[c] = pltpu.async_copy(
            bufs[c % 4], disp_hbm.at[pl.ds(base_slot + c * SROW, SROW)], semo)
    for c in range(nr):
        if c not in drained:
            sto[c].wait()


def _dispatch_call(xpk, dsts_flat, cap):
    T, HP = xpk.shape
    spt = NE * cap // NW
    mesh = plsc.VectorSubcoreMesh(core_axis_name="c", subcore_axis_name="s",
                                  num_cores=NC, num_subcores=NS)
    return pl.kernel(
        functools.partial(_dispatch_body, T, HP, cap),
        out_type=jax.ShapeDtypeStruct((NE * cap, HP), jnp.int32),
        mesh=mesh,
        compiler_params=pltpu.CompilerParams(needs_layout_passes=False),
        scratch_types=[
            pltpu.VMEM((2 * T,), jnp.int32),
            pltpu.VMEM((spt // SROW, SROW), jnp.int32),
            pltpu.VMEM((SROW, HP), jnp.int32),
            pltpu.VMEM((SROW, HP), jnp.int32),
            pltpu.VMEM((SROW, HP), jnp.int32),
            pltpu.VMEM((SROW, HP), jnp.int32),
            pltpu.SemaphoreType.DMA,
            pltpu.SemaphoreType.DMA,
        ],
    )(xpk, dsts_flat)



def _ffn_body(ni, xpk_ref, gw_ref, gb_ref, uw_ref, ub_ref, dw_ref, db_ref,
              out_ref, acc_ref, xs_ref):
    i = pl.program_id(1)
    f32 = jnp.float32

    @pl.when(i == 0)
    def _():
        xs_ref[...] = _unpack_raw_bf16(xpk_ref[...])

    x = xs_ref[...]
    g = jnp.dot(x, gw_ref[0], preferred_element_type=f32) + gb_ref[0]
    u = jnp.dot(x, uw_ref[0], preferred_element_type=f32) + ub_ref[0]
    h = g * (1.0 / (1.0 + jnp.exp(-g))) * u
    part = jnp.dot(h, dw_ref[0], preferred_element_type=f32)

    @pl.when(i == 0)
    def _():
        acc_ref[...] = part + db_ref[0]

    @pl.when(i > 0)
    def _():
        acc_ref[...] = acc_ref[...] + part

    @pl.when(i == ni - 1)
    def _():
        out_ref[...] = _pack_bf16(acc_ref[...])


def _ffn_call(disp_pk, gate_w, gate_b, up_w, up_b, down_w, down_b, cap):
    HP = disp_pk.shape[1]
    H = 2 * HP
    I = gate_w.shape[2]
    NI = 4
    TI = I // NI
    f32 = jnp.float32
    return pl.pallas_call(
        functools.partial(_ffn_body, NI),
        grid=(NE, NI),
        scratch_shapes=[pltpu.VMEM((cap, H), f32),
                        pltpu.VMEM((cap, H), jnp.bfloat16)],
        in_specs=[
            pl.BlockSpec((cap, HP), lambda e, i: (e, 0)),
            pl.BlockSpec((1, H, TI), lambda e, i: (e, 0, i)),
            pl.BlockSpec((1, 1, TI), lambda e, i: (e, 0, i)),
            pl.BlockSpec((1, H, TI), lambda e, i: (e, 0, i)),
            pl.BlockSpec((1, 1, TI), lambda e, i: (e, 0, i)),
            pl.BlockSpec((1, TI, H), lambda e, i: (e, i, 0)),
            pl.BlockSpec((1, 1, H), lambda e, i: (e, 0, 0)),
        ],
        out_specs=pl.BlockSpec((cap, HP), lambda e, i: (e, 0)),
        out_shape=jax.ShapeDtypeStruct((NE * cap, HP), jnp.int32),
    )(disp_pk, gate_w, gate_b[:, None, :], up_w, up_b[:, None, :],
      down_w, down_b[:, None, :])



def _combine_body(T, HP, cap, ffn_hbm, dst_hbm, g_hbm,
                  dstbuf, mapb, b0, b1, b2, b3, semg, semo):
    spt = NE * cap // NW
    nr = spt // SROW
    wid = lax.axis_index("s") * NC + lax.axis_index("c")
    base_slot = wid * spt
    pltpu.sync_copy(dst_hbm, dstbuf)
    _build_slot_map(T, dstbuf, mapb, base_slot, spt, 2 * T, token_only=False)
    bufs = [b0, b1, b2, b3]

    def load(c):
        return pltpu.async_copy(
            ffn_hbm.at[pl.ds(base_slot + c * SROW, SROW)], bufs[c % 4], semg)

    lod = [None] * nr
    sto = [None] * nr
    drained = set()
    for c in range(min(2, nr)):
        lod[c] = load(c)
    for c in range(nr):
        k = c + 2
        if k < nr:
            if k >= 4:
                sto[k - 4].wait()
                drained.add(k - 4)
            lod[k] = load(k)
        lod[c].wait()
        sto[c] = pltpu.async_copy(bufs[c % 4], g_hbm.at[mapb.at[c]], semo)
    for c in range(nr):
        if c not in drained:
            sto[c].wait()


def _combine_call(ffn_pk, dsts_flat, cap, T):
    HP = ffn_pk.shape[1]
    spt = NE * cap // NW
    mesh = plsc.VectorSubcoreMesh(core_axis_name="c", subcore_axis_name="s",
                                  num_cores=NC, num_subcores=NS)
    return pl.kernel(
        functools.partial(_combine_body, T, HP, cap),
        out_type=jax.ShapeDtypeStruct((2 * T + 8, HP), jnp.int32),
        mesh=mesh,
        compiler_params=pltpu.CompilerParams(needs_layout_passes=False),
        scratch_types=[
            pltpu.VMEM((2 * T,), jnp.int32),
            pltpu.VMEM((spt // SROW, SROW), jnp.int32),
            pltpu.VMEM((SROW, HP), jnp.int32),
            pltpu.VMEM((SROW, HP), jnp.int32),
            pltpu.VMEM((SROW, HP), jnp.int32),
            pltpu.VMEM((SROW, HP), jnp.int32),
            pltpu.SemaphoreType.DMA,
            pltpu.SemaphoreType.DMA,
        ],
    )(ffn_pk, dsts_flat)



def _wsum_body(g0_ref, g1_ref, w0_ref, w1_ref, out_ref):
    w0 = w0_ref[:, 0:1]
    w1 = w1_ref[:, 0:1]
    a0 = jnp.where(w0 > 0, _unpack_bf16(g0_ref[...]) * w0, 0.0)
    a1 = jnp.where(w1 > 0, _unpack_bf16(g1_ref[...]) * w1, 0.0)
    out_ref[...] = a0 + a1


def _wsum_call(gpk, w0x, w1x, T):
    HP = gpk.shape[1]
    H = 2 * HP
    TB = 512
    nb = T // TB
    return pl.pallas_call(
        _wsum_body,
        grid=(nb,),
        in_specs=[
            pl.BlockSpec((TB, HP), lambda t: (t, 0)),
            pl.BlockSpec((TB, HP), lambda t, n=nb: (t + n, 0)),
            pl.BlockSpec((TB, SCL), lambda t: (t, 0)),
            pl.BlockSpec((TB, SCL), lambda t: (t, 0)),
        ],
        out_specs=pl.BlockSpec((TB, H), lambda t: (t, 0)),
        out_shape=jax.ShapeDtypeStruct((T, H), jnp.float32),
    )(gpk, gpk, w0x, w1x)



def kernel(x, router_w, gate_w, gate_b, up_w, up_b, down_w, down_b):
    bsz, seq, H = x.shape
    T = bsz * seq
    cap = max(1, math.ceil(CAP_F * T / NE))
    x_flat = x.reshape(T, H)

    rw_pad = jnp.pad(router_w, ((0, 0), (0, LANES - NE)))
    ltri = jnp.asarray(np.tril(np.ones((128, 128), np.float32)))

    dsts, w0x, w1x, aux, z, xpk = _router_call(x_flat, rw_pad, ltri, cap)
    dsts_flat = dsts.reshape(-1)

    disp_pk = _dispatch_call(xpk, dsts_flat, cap)
    ffn_pk = _ffn_call(disp_pk, gate_w, gate_b, up_w, up_b, down_w, down_b,
                       cap)
    gpk = _combine_call(ffn_pk, dsts_flat, cap, T)
    out = _wsum_call(gpk, w0x, w1x, T)

    return (out.reshape(bsz, seq, H), aux.reshape(()), z.reshape(()))

# --- scband reference (transcript-rebuilt; emitter-appended) ---
"""Pipeline reference for scband-mo-efeed-forward-19731079758428 (READ-ONLY COPY).

The authoritative reference and input builder live on the scoring server;
editing this copy changes nothing except your own understanding.
"""

import jax, jax.numpy as jnp
import numpy as np
import math

HIDDEN = 1024
INNER = 4096
E = 8
TOPK = 2
CAP_F = 1.25  # module defaults to training mode


def setup_inputs(seed: int = 0) -> dict:
    key = jax.random.key(seed)
    ks = jax.random.split(key, 8)
    x = jax.random.normal(ks[0], (2, 2048, HIDDEN), dtype=jnp.float32)
    router_w = jax.random.normal(ks[1], (HIDDEN, E), dtype=jnp.float32) * (1.0 / math.sqrt(HIDDEN))
    gate_w = jax.random.normal(ks[2], (E, HIDDEN, INNER), dtype=jnp.float32) * (1.0 / math.sqrt(HIDDEN))
    gate_b = jnp.zeros((E, INNER), dtype=jnp.float32)
    up_w = jax.random.normal(ks[3], (E, HIDDEN, INNER), dtype=jnp.float32) * (1.0 / math.sqrt(HIDDEN))
    up_b = jnp.zeros((E, INNER), dtype=jnp.float32)
    down_w = jax.random.normal(ks[4], (E, INNER, HIDDEN), dtype=jnp.float32) * (1.0 / math.sqrt(INNER))
    down_b = jnp.zeros((E, HIDDEN), dtype=jnp.float32)
    return {"x": x, "router_w": router_w, "gate_w": gate_w, "gate_b": gate_b,
            "up_w": up_w, "up_b": up_b, "down_w": down_w, "down_b": down_b}


def reference(x, router_w, gate_w, gate_b, up_w, up_b, down_w, down_b):
    bsz, seq_len, hidden = x.shape
    x_flat = x.reshape(-1, hidden)
    tokens = x_flat.shape[0]
    logits = x_flat @ router_w
    probs = jax.nn.softmax(logits, axis=-1)
    top_vals, top_idx = jax.lax.top_k(probs, TOPK)
    capacity = max(1, math.ceil(CAP_F * tokens / E))
    output = jnp.zeros_like(x_flat)
    token_ids = jnp.arange(tokens)
    sentinel = TOPK * tokens
    expert_load = []
    for e in range(E):
        keys = []
        for rank in range(TOPK):
            sel = top_idx[:, rank] == e
            keys.append(jnp.where(sel, rank * tokens + token_ids, sentinel))
        key_all = jnp.concatenate(keys, axis=0)
        key_sorted = jnp.sort(key_all)[:capacity]
        valid = key_sorted < sentinel
        rank_sel = jnp.where(valid, key_sorted // tokens, 0)
        tok_sel = jnp.where(valid, key_sorted % tokens, 0)
        token_weights = top_vals[tok_sel, rank_sel] * valid.astype(top_vals.dtype)
        expert_in = x_flat[tok_sel]
        h = jax.nn.silu(expert_in @ gate_w[e] + gate_b[e]) * (expert_in @ up_w[e] + up_b[e])
        expert_out = h @ down_w[e] + down_b[e]
        scatter_idx = jnp.where(valid, tok_sel, tokens)
        output = output.at[scatter_idx].add(expert_out * token_weights[:, None], mode='drop')
        count = jnp.sum(valid.astype(jnp.int32))
        expert_load.append(count.astype(jnp.float32) / max(tokens, 1))
    load_tensor = jnp.stack(expert_load)
    mean_prob = probs.mean(axis=0)
    aux_loss = E * jnp.sum(mean_prob * load_tensor)
    z_loss = jnp.mean(jax.nn.logsumexp(logits, axis=-1) ** 2)
    return output.reshape(bsz, seq_len, hidden), aux_loss, z_loss

if __name__ == "__main__":
    import jax
    _d = setup_inputs()
    print(jax.jit(kernel)(*tuple(_d.values())))

</pallas_src>

<mosaic_0001>
#map = affine_map<(d0, d1) -> (0, 0)>
#map1 = affine_map<(d0, d1) -> (0)>
module attributes {stable_mosaic.version = 14 : i64} {
  func.func @_combine_body(%arg0: i32, %arg1: i32, %arg2: memref<5120x512xi32, #tpu.memory_space<hbm>>, %arg3: memref<8192xi32, #tpu.memory_space<hbm>>, %arg4: memref<8200x512xi32, #tpu.memory_space<hbm>>, %arg5: memref<8192xi32, #tpu.memory_space<vmem>>, %arg6: memref<5x32xi32, #tpu.memory_space<vmem>>, %arg7: memref<32x512xi32, #tpu.memory_space<vmem>>, %arg8: memref<32x512xi32, #tpu.memory_space<vmem>>, %arg9: memref<32x512xi32, #tpu.memory_space<vmem>>, %arg10: memref<32x512xi32, #tpu.memory_space<vmem>>, %arg11: memref<!tpu.dma_semaphore, #tpu.memory_space<semaphore_mem>>, %arg12: memref<!tpu.dma_semaphore, #tpu.memory_space<semaphore_mem>>) attributes {dimension_semantics = [#tpu.dimension_semantics<core_parallel>, #tpu.dimension_semantics<subcore_parallel>], iteration_bounds = array<i64: 2, 16>, scalar_prefetch = 0 : i64, scratch_operands = 8 : i64, tpu.core_type = #tpu.core_type<sc_vector_subcore>, window_params = [{transform_indices = #map}, {transform_indices = #map1}, {transform_indices = #map}]} {
    %mul3A = arith.constant 2 : i32
    %mul3A_0 = arith.muli %arg1, %mul3A : i32
    %add3A = arith.addi %mul3A_0, %arg0 : i32
    %mul3A_1 = arith.constant 160 : i32
    %mul3A_2 = arith.muli %add3A, %mul3A_1 : i32
    "tpu.region"() ({
      %run_scoped3A = tpu.sem_alloc : memref<!tpu.dma_semaphore, #tpu.memory_space<semaphore_mem>>
      tpu.enqueue_dma source(%arg3 : memref<8192xi32, #tpu.memory_space<hbm>>) target(%arg5 : memref<8192xi32, #tpu.memory_space<vmem>>) target_semaphore(%run_scoped3A : memref<!tpu.dma_semaphore, #tpu.memory_space<semaphore_mem>>)
      tpu.wait_dma2 semaphore(%run_scoped3A : memref<!tpu.dma_semaphore, #tpu.memory_space<semaphore_mem>>) src(%arg3 : memref<8192xi32, #tpu.memory_space<hbm>>) dst(%arg5 : memref<8192xi32, #tpu.memory_space<vmem>>)
      tpu.yield
    }) : () -> ()
    %broadcast_in_dim3A = arith.constant 8192 : i32
    %broadcast_in_dim3A_3 = vector.broadcast %broadcast_in_dim3A : i32 to vector<16xi32>
    %swap3A = arith.constant 0 : i32
    %swap3A_4 = arith.index_cast %swap3A : i32 to index
    %swap3A_5 = arith.constant 0 : index
    %swap3A_6 = tpu.vector_load %arg6[%swap3A_4, %swap3A_5] {strides = array<i32>} : memref<5x32xi32, #tpu.memory_space<vmem>>, vector<16xi32>,
    tpu.vector_store %arg6[%swap3A_4, %swap3A_5], %broadcast_in_dim3A_3 {strides = array<i32>} : memref<5x32xi32, #tpu.memory_space<vmem>>, vector<16xi32>,
    %broadcast_in_dim3A_7 = arith.constant 8192 : i32
    %broadcast_in_dim3A_8 = vector.broadcast %broadcast_in_dim3A_7 : i32 to vector<16xi32>
    %swap3A_9 = arith.constant 0 : i32
    %swap3A_10 = arith.index_cast %swap3A_9 : i32 to index
    %swap3A_11 = arith.constant 16 : index
    %swap3A_12 = tpu.vector_load %arg6[%swap3A_10, %swap3A_11] {strides = array<i32>} : memref<5x32xi32, #tpu.memory_space<vmem>>, vector<16xi32>,
    tpu.vector_store %arg6[%swap3A_10, %swap3A_11], %broadcast_in_dim3A_8 {strides = array<i32>} : memref<5x32xi32, #tpu.memory_space<vmem>>, vector<16xi32>,
    %broadcast_in_dim3A_13 = arith.constant 8192 : i32
    %broadcast_in_dim3A_14 = vector.broadcast %broadcast_in_dim3A_13 : i32 to vector<16xi32>
    %swap3A_15 = arith.constant 1 : i32
    %swap3A_16 = arith.index_cast %swap3A_15 : i32 to index
    %swap3A_17 = arith.constant 0 : index
    %swap3A_18 = tpu.vector_load %arg6[%swap3A_16, %swap3A_17] {strides = array<i32>} : memref<5x32xi32, #tpu.memory_space<vmem>>, vector<16xi32>,
    tpu.vector_store %arg6[%swap3A_16, %swap3A_17], %broadcast_in_dim3A_14 {strides = array<i32>} : memref<5x32xi32, #tpu.memory_space<vmem>>, vector<16xi32>,
    %broadcast_in_dim3A_19 = arith.constant 8192 : i32
    %broadcast_in_dim3A_20 = vector.broadcast %broadcast_in_dim3A_19 : i32 to vector<16xi32>
    %swap3A_21 = arith.constant 1 : i32
    %swap3A_22 = arith.index_cast %swap3A_21 : i32 to index
    %swap3A_23 = arith.constant 16 : index
    %swap3A_24 = tpu.vector_load %arg6[%swap3A_22, %swap3A_23] {strides = array<i32>} : memref<5x32xi32, #tpu.memory_space<vmem>>, vector<16xi32>,
    tpu.vector_store %arg6[%swap3A_22, %swap3A_23], %broadcast_in_dim3A_20 {strides = array<i32>} : memref<5x32xi32, #tpu.memory_space<vmem>>, vector<16xi32>,
    %broadcast_in_dim3A_25 = arith.constant 8192 : i32
    %broadcast_in_dim3A_26 = vector.broadcast %broadcast_in_dim3A_25 : i32 to vector<16xi32>
    %swap3A_27 = arith.constant 2 : i32
    %swap3A_28 = arith.index_cast %swap3A_27 : i32 to index
    %swap3A_29 = arith.constant 0 : index
    %swap3A_30 = tpu.vector_load %arg6[%swap3A_28, %swap3A_29] {strides = array<i32>} : memref<5x32xi32, #tpu.memory_space<vmem>>, vector<16xi32>,
    tpu.vector_store %arg6[%swap3A_28, %swap3A_29], %broadcast_in_dim3A_26 {strides = array<i32>} : memref<5x32xi32, #tpu.memory_space<vmem>>, vector<16xi32>,
    %broadcast_in_dim3A_31 = arith.constant 8192 : i32
    %broadcast_in_dim3A_32 = vector.broadcast %broadcast_in_dim3A_31 : i32 to vector<16xi32>
    %swap3A_33 = arith.constant 2 : i32
    %swap3A_34 = arith.index_cast %swap3A_33 : i32 to index
    %swap3A_35 = arith.constant 16 : index
    %swap3A_36 = tpu.vector_load %arg6[%swap3A_34, %swap3A_35] {strides = array<i32>} : memref<5x32xi32, #tpu.memory_space<vmem>>, vector<16xi32>,
    tpu.vector_store %arg6[%swap3A_34, %swap3A_35], %broadcast_in_dim3A_32 {strides = array<i32>} : memref<5x32xi32, #tpu.memory_space<vmem>>, vector<16xi32>,
    %broadcast_in_dim3A_37 = arith.constant 8192 : i32
    %broadcast_in_dim3A_38 = vector.broadcast %broadcast_in_dim3A_37 : i32 to vector<16xi32>
    %swap3A_39 = arith.constant 3 : i32
    %swap3A_40 = arith.index_cast %swap3A_39 : i32 to index
    %swap3A_41 = arith.constant 0 : index
    %swap3A_42 = tpu.vector_load %arg6[%swap3A_40, %swap3A_41] {strides = array<i32>} : memref<5x32xi32, #tpu.memory_space<vmem>>, vector<16xi32>,
    tpu.vector_store %arg6[%swap3A_40, %swap3A_41], %broadcast_in_dim3A_38 {strides = array<i32>} : memref<5x32xi32, #tpu.memory_space<vmem>>, vector<16xi32>,
    %broadcast_in_dim3A_43 = arith.constant 8192 : i32
    %broadcast_in_dim3A_44 = vector.broadcast %broadcast_in_dim3A_43 : i32 to vector<16xi32>
    %swap3A_45 = arith.constant 3 : i32
    %swap3A_46 = arith.index_cast %swap3A_45 : i32 to index
    %swap3A_47 = arith.constant 16 : index
    %swap3A_48 = tpu.vector_load %arg6[%swap3A_46, %swap3A_47] {strides = array<i32>} : memref<5x32xi32, #tpu.memory_space<vmem>>, vector<16xi32>,
    tpu.vector_store %arg6[%swap3A_46, %swap3A_47], %broadcast_in_dim3A_44 {strides = array<i32>} : memref<5x32xi32, #tpu.memory_space<vmem>>, vector<16xi32>,
    %broadcast_in_dim3A_49 = arith.constant 8192 : i32
    %broadcast_in_dim3A_50 = vector.broadcast %broadcast_in_dim3A_49 : i32 to vector<16xi32>
    %swap3A_51 = arith.constant 4 : i32
    %swap3A_52 = arith.index_cast %swap3A_51 : i32 to index
    %swap3A_53 = arith.constant 0 : index
    %swap3A_54 = tpu.vector_load %arg6[%swap3A_52, %swap3A_53] {strides = array<i32>} : memref<5x32xi32, #tpu.memory_space<vmem>>, vector<16xi32>,
    tpu.vector_store %arg6[%swap3A_52, %swap3A_53], %broadcast_in_dim3A_50 {strides = array<i32>} : memref<5x32xi32, #tpu.memory_space<vmem>>, vector<16xi32>,
    %broadcast_in_dim3A_55 = arith.constant 8192 : i32
    %broadcast_in_dim3A_56 = vector.broadcast %broadcast_in_dim3A_55 : i32 to vector<16xi32>
    %swap3A_57 = arith.constant 4 : i32
    %swap3A_58 = arith.index_cast %swap3A_57 : i32 to index
    %swap3A_59 = arith.constant 16 : index
    %swap3A_60 = tpu.vector_load %arg6[%swap3A_58, %swap3A_59] {strides = array<i32>} : memref<5x32xi32, #tpu.memory_space<vmem>>, vector<16xi32>,
    tpu.vector_store %arg6[%swap3A_58, %swap3A_59], %broadcast_in_dim3A_56 {strides = array<i32>} : memref<5x32xi32, #tpu.memory_space<vmem>>, vector<16xi32>,
    %iota3A = tpu.iota {dimensions = array<i32: 0>} : vector<16xi32>
    %scan3A = arith.constant 0 : i32
    %scan3A_61 = arith.constant 0 : i32
    %scan3A_62 = arith.constant 512 : i32
    %scan3A_63 = arith.addi %scan3A_61, %scan3A_62 : i32
    %scan3A_64 = arith.constant 1 : i32
    scf.for %scan3A_184 = %scan3A_61 to %scan3A_63 step %scan3A_64  : i32 {
      %mul3A_185 = arith.constant 16 : i32
      %mul3A_186 = arith.muli %scan3A_184, %mul3A_185 : i32
      %get3A = arith.index_cast %mul3A_186 : i32 to index
      %get3A_187 = tpu.vector_load %arg5[%get3A] {strides = array<i32>} : memref<8192xi32, #tpu.memory_space<vmem>>, vector<16xi32>,
      %mul3A_188 = arith.constant 16 : i32
      %mul3A_189 = arith.muli %scan3A_184, %mul3A_188 : i32
      %add3A_190 = vector.broadcast %mul3A_189 : i32 to vector<16xi32>
      %add3A_191 = arith.addi %iota3A, %add3A_190 : vector<16xi32>
      %ge3A = vector.broadcast %mul3A_2 : i32 to vector<16xi32>
      %ge3A_192 = arith.cmpi sge, %get3A_187, %ge3A : vector<16xi32>
      %add3A_193 = arith.constant 160 : i32
      %add3A_194 = arith.addi %mul3A_2, %add3A_193 : i32
      %lt3A = vector.broadcast %add3A_194 : i32 to vector<16xi32>
      %lt3A_195 = arith.cmpi slt, %get3A_187, %lt3A : vector<16xi32>
      %and3A = arith.andi %ge3A_192, %lt3A_195 : vector<16xi1>
      %sub3A = vector.broadcast %mul3A_2 : i32 to vector<16xi32>
      %sub3A_196 = arith.subi %get3A_187, %sub3A : vector<16xi32>
      %jit3A = arith.constant 0 : i32
      %broadcast_in_dim3A_197 = vector.broadcast %jit3A : i32 to vector<16xi32>
      %select_n3A = arith.select %and3A, %sub3A_196, %broadcast_in_dim3A_197 : vector<16xi1>, vector<16xi32>
      %shift_right_logical3A = arith.constant 5 : i32
      %shift_right_logical3A_198 = vector.broadcast %shift_right_logical3A : i32 to vector<16xi32>
      %shift_right_logical3A_199 = arith.shrui %select_n3A, %shift_right_logical3A_198 : vector<16xi32>
      %and3A_200 = arith.constant 31 : i32
      %and3A_201 = vector.broadcast %and3A_200 : i32 to vector<16xi32>
      %and3A_202 = arith.andi %select_n3A, %and3A_201 : vector<16xi32>
      %shift_right_logical3A_203 = arith.constant 1 : i32
      %shift_right_logical3A_204 = vector.broadcast %shift_right_logical3A_203 : i32 to vector<16xi32>
      %shift_right_logical3A_205 = arith.shrui %add3A_191, %shift_right_logical3A_204 : vector<16xi32>
      %and3A_206 = arith.constant 1 : i32
      %and3A_207 = vector.broadcast %and3A_206 : i32 to vector<16xi32>
      %and3A_208 = arith.andi %add3A_191, %and3A_207 : vector<16xi32>
      %mul3A_209 = arith.constant 4096 : i32
      %mul3A_210 = vector.broadcast %mul3A_209 : i32 to vector<16xi32>
      %mul3A_211 = arith.muli %and3A_208, %mul3A_210 : vector<16xi32>
      %add3A_212 = arith.addi %mul3A_211, %shift_right_logical3A_205 : vector<16xi32>
      tpu.vector_store_idx %arg6[%shift_right_logical3A_199, %and3A_202], %add3A_212 masked %and3A : memref<5x32xi32, #tpu.memory_space<vmem>>[vector<16xi32>, vector<16xi32>], vector<16xi32>, vector<16xi1>
    }
    %scan3A_65 = arith.constant 512 : i32
    %add3A_66 = arith.constant 0 : i32
    %add3A_67 = arith.addi %mul3A_2, %add3A_66 : i32
    %dma_start3A = arith.constant 0 : i32
    %dma_start3A_68 = tpu.memref_slice %arg2[%add3A_67, %dma_start3A] : memref<5120x512xi32, #tpu.memory_space<hbm>> -> memref<32x512xi32, #tpu.memory_space<hbm>>
    %dma_start3A_69 = arith.constant 0 : i32
    %dma_start3A_70 = tpu.memref_slice %arg2[%add3A_67, %dma_start3A_69] : memref<5120x512xi32, #tpu.memory_space<hbm>> -> memref<32x512xi32, #tpu.memory_space<hbm>>
    tpu.enqueue_dma source(%dma_start3A_70 : memref<32x512xi32, #tpu.memory_space<hbm>>) target(%arg7 : memref<32x512xi32, #tpu.memory_space<vmem>>) target_semaphore(%arg11 : memref<!tpu.dma_semaphore, #tpu.memory_space<semaphore_mem>>)
    %add3A_71 = arith.constant 32 : i32
    %add3A_72 = arith.addi %mul3A_2, %add3A_71 : i32
    %dma_start3A_73 = arith.constant 0 : i32
    %dma_start3A_74 = tpu.memref_slice %arg2[%add3A_72, %dma_start3A_73] : memref<5120x512xi32, #tpu.memory_space<hbm>> -> memref<32x512xi32, #tpu.memory_space<hbm>>
    %dma_start3A_75 = arith.constant 0 : i32
    %dma_start3A_76 = tpu.memref_slice %arg2[%add3A_72, %dma_start3A_75] : memref<5120x512xi32, #tpu.memory_space<hbm>> -> memref<32x512xi32, #tpu.memory_space<hbm>>
    tpu.enqueue_dma source(%dma_start3A_76 : memref<32x512xi32, #tpu.memory_space<hbm>>) target(%arg8 : memref<32x512xi32, #tpu.memory_space<vmem>>) target_semaphore(%arg11 : memref<!tpu.dma_semaphore, #tpu.memory_space<semaphore_mem>>)
    %add3A_77 = arith.constant 64 : i32
    %add3A_78 = arith.addi %mul3A_2, %add3A_77 : i32
    %dma_start3A_79 = arith.constant 0 : i32
    %dma_start3A_80 = tpu.memref_slice %arg2[%add3A_78, %dma_start3A_79] : memref<5120x512xi32, #tpu.memory_space<hbm>> -> memref<32x512xi32, #tpu.memory_space<hbm>>
    %dma_start3A_81 = arith.constant 0 : i32
    %dma_start3A_82 = tpu.memref_slice %arg2[%add3A_78, %dma_start3A_81] : memref<5120x512xi32, #tpu.memory_space<hbm>> -> memref<32x512xi32, #tpu.memory_space<hbm>>
    tpu.enqueue_dma source(%dma_start3A_82 : memref<32x512xi32, #tpu.memory_space<hbm>>) target(%arg9 : memref<32x512xi32, #tpu.memory_space<vmem>>) target_semaphore(%arg11 : memref<!tpu.dma_semaphore, #tpu.memory_space<semaphore_mem>>)
    %dma_wait3A = arith.constant 0 : i32
    %dma_wait3A_83 = tpu.memref_slice %arg2[%add3A_67, %dma_wait3A] : memref<5120x512xi32, #tpu.memory_space<hbm>> -> memref<32x512xi32, #tpu.memory_space<hbm>>
    %dma_wait3A_84 = arith.constant 0 : i32
    %dma_wait3A_85 = tpu.memref_slice %arg2[%add3A_67, %dma_wait3A_84] : memref<5120x512xi32, #tpu.memory_space<hbm>> -> memref<32x512xi32, #tpu.memory_space<hbm>>
    tpu.wait_dma2 semaphore(%arg11 : memref<!tpu.dma_semaphore, #tpu.memory_space<semaphore_mem>>) src(%dma_wait3A_85 : memref<32x512xi32, #tpu.memory_space<hbm>>) dst(%arg7 : memref<32x512xi32, #tpu.memory_space<vmem>>)
    %dma_start3A_86 = arith.constant 0 : i32
    %dma_start3A_87 = arith.constant 0 : i32
    %dma_start3A_88 = tpu.memref_slice %arg6[%dma_start3A_86, %dma_start3A_87] : memref<5x32xi32, #tpu.memory_space<vmem>> -> memref<1x32xi32, #tpu.memory_space<vmem>>
    %dma_start3A_89 = tpu.memref_squeeze %dma_start3A_88 : memref<1x32xi32, #tpu.memory_space<vmem>> -> memref<32xi32, #tpu.memory_space<vmem>>
    %dma_start3A_90 = arith.constant 0 : i32
    %dma_start3A_91 = arith.constant 0 : i32
    %dma_start3A_92 = tpu.memref_slice %arg4[%dma_start3A_90, %dma_start3A_91] : memref<8200x512xi32, #tpu.memory_space<hbm>> -> memref<8200x512xi32, #tpu.memory_space<hbm>>
    tpu.enqueue_indirect_dma source(%arg7 : memref<32x512xi32, #tpu.memory_space<vmem>>) target(%dma_start3A_92 : memref<8200x512xi32, #tpu.memory_space<hbm>>) offsets(%dma_start3A_89 : memref<32xi32, #tpu.memory_space<vmem>>) semaphore(%arg12 : memref<!tpu.dma_semaphore, #tpu.memory_space<semaphore_mem>>)
    %add3A_93 = arith.constant 96 : i32
    %add3A_94 = arith.addi %mul3A_2, %add3A_93 : i32
    %dma_start3A_95 = arith.constant 0 : i32
    %dma_start3A_96 = tpu.memref_slice %arg2[%add3A_94, %dma_start3A_95] : memref<5120x512xi32, #tpu.memory_space<hbm>> -> memref<32x512xi32, #tpu.memory_space<hbm>>
    %dma_start3A_97 = arith.constant 0 : i32
    %dma_start3A_98 = tpu.memref_slice %arg2[%add3A_94, %dma_start3A_97] : memref<5120x512xi32, #tpu.memory_space<hbm>> -> memref<32x512xi32, #tpu.memory_space<hbm>>
    tpu.enqueue_dma source(%dma_start3A_98 : memref<32x512xi32, #tpu.memory_space<hbm>>) target(%arg10 : memref<32x512xi32, #tpu.memory_space<vmem>>) target_semaphore(%arg11 : memref<!tpu.dma_semaphore, #tpu.memory_space<semaphore_mem>>)
    %dma_wait3A_99 = arith.constant 0 : i32
    %dma_wait3A_100 = tpu.memref_slice %arg2[%add3A_72, %dma_wait3A_99] : memref<5120x512xi32, #tpu.memory_space<hbm>> -> memref<32x512xi32, #tpu.memory_space<hbm>>
    %dma_wait3A_101 = arith.constant 0 : i32
    %dma_wait3A_102 = tpu.memref_slice %arg2[%add3A_72, %dma_wait3A_101] : memref<5120x512xi32, #tpu.memory_space<hbm>> -> memref<32x512xi32, #tpu.memory_space<hbm>>
    tpu.wait_dma2 semaphore(%arg11 : memref<!tpu.dma_semaphore, #tpu.memory_space<semaphore_mem>>) src(%dma_wait3A_102 : memref<32x512xi32, #tpu.memory_space<hbm>>) dst(%arg8 : memref<32x512xi32, #tpu.memory_space<vmem>>)
    %dma_start3A_103 = arith.constant 1 : i32
    %dma_start3A_104 = arith.constant 0 : i32
    %dma_start3A_105 = tpu.memref_slice %arg6[%dma_start3A_103, %dma_start3A_104] : memref<5x32xi32, #tpu.memory_space<vmem>> -> memref<1x32xi32, #tpu.memory_space<vmem>>
    %dma_start3A_106 = tpu.memref_squeeze %dma_start3A_105 : memref<1x32xi32, #tpu.memory_space<vmem>> -> memref<32xi32, #tpu.memory_space<vmem>>
    %dma_start3A_107 = arith.constant 0 : i32
    %dma_start3A_108 = arith.constant 0 : i32
    %dma_start3A_109 = tpu.memref_slice %arg4[%dma_start3A_107, %dma_start3A_108] : memref<8200x512xi32, #tpu.memory_space<hbm>> -> memref<8200x512xi32, #tpu.memory_space<hbm>>
    tpu.enqueue_indirect_dma source(%arg8 : memref<32x512xi32, #tpu.memory_space<vmem>>) target(%dma_start3A_109 : memref<8200x512xi32, #tpu.memory_space<hbm>>) offsets(%dma_start3A_106 : memref<32xi32, #tpu.memory_space<vmem>>) semaphore(%arg12 : memref<!tpu.dma_semaphore, #tpu.memory_space<semaphore_mem>>)
    %dma_wait3A_110 = arith.constant 0 : i32
    %dma_wait3A_111 = arith.constant 0 : i32
    %dma_wait3A_112 = tpu.memref_slice %arg6[%dma_wait3A_110, %dma_wait3A_111] : memref<5x32xi32, #tpu.memory_space<vmem>> -> memref<1x32xi32, #tpu.memory_space<vmem>>
    %dma_wait3A_113 = tpu.memref_squeeze %dma_wait3A_112 : memref<1x32xi32, #tpu.memory_space<vmem>> -> memref<32xi32, #tpu.memory_space<vmem>>
    %dma_wait3A_114 = arith.constant 0 : i32
    %dma_wait3A_115 = arith.constant 0 : i32
    %dma_wait3A_116 = tpu.memref_slice %arg4[%dma_wait3A_114, %dma_wait3A_115] : memref<8200x512xi32, #tpu.memory_space<hbm>> -> memref<8200x512xi32, #tpu.memory_space<hbm>>
    tpu.wait_indirect_dma semaphore(%arg12 : memref<!tpu.dma_semaphore, #tpu.memory_space<semaphore_mem>>) src(%arg7 : memref<32x512xi32, #tpu.memory_space<vmem>>) dst(%dma_wait3A_116 : memref<8200x512xi32, #tpu.memory_space<hbm>>)
    %add3A_117 = arith.constant 128 : i32
    %add3A_118 = arith.addi %mul3A_2, %add3A_117 : i32
    %dma_start3A_119 = arith.constant 0 : i32
    %dma_start3A_120 = tpu.memref_slice %arg2[%add3A_118, %dma_start3A_119] : memref<5120x512xi32, #tpu.memory_space<hbm>> -> memref<32x512xi32, #tpu.memory_space<hbm>>
    %dma_start3A_121 = arith.constant 0 : i32
    %dma_start3A_122 = tpu.memref_slice %arg2[%add3A_118, %dma_start3A_121] : memref<5120x512xi32, #tpu.memory_space<hbm>> -> memref<32x512xi32, #tpu.memory_space<hbm>>
    tpu.enqueue_dma source(%dma_start3A_122 : memref<32x512xi32, #tpu.memory_space<hbm>>) target(%arg7 : memref<32x512xi32, #tpu.memory_space<vmem>>) target_semaphore(%arg11 : memref<!tpu.dma_semaphore, #tpu.memory_space<semaphore_mem>>)
    %dma_wait3A_123 = arith.constant 0 : i32
    %dma_wait3A_124 = tpu.memref_slice %arg2[%add3A_78, %dma_wait3A_123] : memref<5120x512xi32, #tpu.memory_space<hbm>> -> memref<32x512xi32, #tpu.memory_space<hbm>>
    %dma_wait3A_125 = arith.constant 0 : i32
    %dma_wait3A_126 = tpu.memref_slice %arg2[%add3A_78, %dma_wait3A_125] : memref<5120x512xi32, #tpu.memory_space<hbm>> -> memref<32x512xi32, #tpu.memory_space<hbm>>
    tpu.wait_dma2 semaphore(%arg11 : memref<!tpu.dma_semaphore, #tpu.memory_space<semaphore_mem>>) src(%dma_wait3A_126 : memref<32x512xi32, #tpu.memory_space<hbm>>) dst(%arg9 : memref<32x512xi32, #tpu.memory_space<vmem>>)
    %dma_start3A_127 = arith.constant 2 : i32
    %dma_start3A_128 = arith.constant 0 : i32
    %dma_start3A_129 = tpu.memref_slice %arg6[%dma_start3A_127, %dma_start3A_128] : memref<5x32xi32, #tpu.memory_space<vmem>> -> memref<1x32xi32, #tpu.memory_space<vmem>>
    %dma_start3A_130 = tpu.memref_squeeze %dma_start3A_129 : memref<1x32xi32, #tpu.memory_space<vmem>> -> memref<32xi32, #tpu.memory_space<vmem>>
    %dma_start3A_131 = arith.constant 0 : i32
    %dma_start3A_132 = arith.constant 0 : i32
    %dma_start3A_133 = tpu.memref_slice %arg4[%dma_start3A_131, %dma_start3A_132] : memref<8200x512xi32, #tpu.memory_space<hbm>> -> memref<8200x512xi32, #tpu.memory_space<hbm>>
    tpu.enqueue_indirect_dma source(%arg9 : memref<32x512xi32, #tpu.memory_space<vmem>>) target(%dma_start3A_133 : memref<8200x512xi32, #tpu.memory_space<hbm>>) offsets(%dma_start3A_130 : memref<32xi32, #tpu.memory_space<vmem>>) semaphore(%arg12 : memref<!tpu.dma_semaphore, #tpu.memory_space<semaphore_mem>>)
    %dma_wait3A_134 = arith.constant 0 : i32
    %dma_wait3A_135 = tpu.memref_slice %arg2[%add3A_94, %dma_wait3A_134] : memref<5120x512xi32, #tpu.memory_space<hbm>> -> memref<32x512xi32, #tpu.memory_space<hbm>>
    %dma_wait3A_136 = arith.constant 0 : i32
    %dma_wait3A_137 = tpu.memref_slice %arg2[%add3A_94, %dma_wait3A_136] : memref<5120x512xi32, #tpu.memory_space<hbm>> -> memref<32x512xi32, #tpu.memory_space<hbm>>
    tpu.wait_dma2 semaphore(%arg11 : memref<!tpu.dma_semaphore, #tpu.memory_space<semaphore_mem>>) src(%dma_wait3A_137 : memref<32x512xi32, #tpu.memory_space<hbm>>) dst(%arg10 : memref<32x512xi32, #tpu.memory_space<vmem>>)
    %dma_start3A_138 = arith.constant 3 : i32
    %dma_start3A_139 = arith.constant 0 : i32
    %dma_start3A_140 = tpu.memref_slice %arg6[%dma_start3A_138, %dma_start3A_139] : memref<5x32xi32, #tpu.memory_space<vmem>> -> memref<1x32xi32, #tpu.memory_space<vmem>>
    %dma_start3A_141 = tpu.memref_squeeze %dma_start3A_140 : memref<1x32xi32, #tpu.memory_space<vmem>> -> memref<32xi32, #tpu.memory_space<vmem>>
    %dma_start3A_142 = arith.constant 0 : i32
    %dma_start3A_143 = arith.constant 0 : i32
    %dma_start3A_144 = tpu.memref_slice %arg4[%dma_start3A_142, %dma_start3A_143] : memref<8200x512xi32, #tpu.memory_space<hbm>> -> memref<8200x512xi32, #tpu.memory_space<hbm>>
    tpu.enqueue_indirect_dma source(%arg10 : memref<32x512xi32, #tpu.memory_space<vmem>>) target(%dma_start3A_144 : memref<8200x512xi32, #tpu.memory_space<hbm>>) offsets(%dma_start3A_141 : memref<32xi32, #tpu.memory_space<vmem>>) semaphore(%arg12 : memref<!tpu.dma_semaphore, #tpu.memory_space<semaphore_mem>>)
    %dma_wait3A_145 = arith.constant 0 : i32
    %dma_wait3A_146 = tpu.memref_slice %arg2[%add3A_118, %dma_wait3A_145] : memref<5120x512xi32, #tpu.memory_space<hbm>> -> memref<32x512xi32, #tpu.memory_space<hbm>>
    %dma_wait3A_147 = arith.constant 0 : i32
    %dma_wait3A_148 = tpu.memref_slice %arg2[%add3A_118, %dma_wait3A_147] : memref<5120x512xi32, #tpu.memory_space<hbm>> -> memref<32x512xi32, #tpu.memory_space<hbm>>
    tpu.wait_dma2 semaphore(%arg11 : memref<!tpu.dma_semaphore, #tpu.memory_space<semaphore_mem>>) src(%dma_wait3A_148 : memref<32x512xi32, #tpu.memory_space<hbm>>) dst(%arg7 : memref<32x512xi32, #tpu.memory_space<vmem>>)
    %dma_start3A_149 = arith.constant 4 : i32
    %dma_start3A_150 = arith.constant 0 : i32
    %dma_start3A_151 = tpu.memref_slice %arg6[%dma_start3A_149, %dma_start3A_150] : memref<5x32xi32, #tpu.memory_space<vmem>> -> memref<1x32xi32, #tpu.memory_space<vmem>>
    %dma_start3A_152 = tpu.memref_squeeze %dma_start3A_151 : memref<1x32xi32, #tpu.memory_space<vmem>> -> memref<32xi32, #tpu.memory_space<vmem>>
    %dma_start3A_153 = arith.constant 0 : i32
    %dma_start3A_154 = arith.constant 0 : i32
    %dma_start3A_155 = tpu.memref_slice %arg4[%dma_start3A_153, %dma_start3A_154] : memref<8200x512xi32, #tpu.memory_space<hbm>> -> memref<8200x512xi32, #tpu.memory_space<hbm>>
    tpu.enqueue_indirect_dma source(%arg7 : memref<32x512xi32, #tpu.memory_space<vmem>>) target(%dma_start3A_155 : memref<8200x512xi32, #tpu.memory_space<hbm>>) offsets(%dma_start3A_152 : memref<32xi32, #tpu.memory_space<vmem>>) semaphore(%arg12 : memref<!tpu.dma_semaphore, #tpu.memory_space<semaphore_mem>>)
    %dma_wait3A_156 = arith.constant 1 : i32
    %dma_wait3A_157 = arith.constant 0 : i32
    %dma_wait3A_158 = tpu.memref_slice %arg6[%dma_wait3A_156, %dma_wait3A_157] : memref<5x32xi32, #tpu.memory_space<vmem>> -> memref<1x32xi32, #tpu.memory_space<vmem>>
    %dma_wait3A_159 = tpu.memref_squeeze %dma_wait3A_158 : memref<1x32xi32, #tpu.memory_space<vmem>> -> memref<32xi32, #tpu.memory_space<vmem>>
    %dma_wait3A_160 = arith.constant 0 : i32
    %dma_wait3A_161 = arith.constant 0 : i32
    %dma_wait3A_162 = tpu.memref_slice %arg4[%dma_wait3A_160, %dma_wait3A_161] : memref<8200x512xi32, #tpu.memory_space<hbm>> -> memref<8200x512xi32, #tpu.memory_space<hbm>>
    tpu.wait_indirect_dma semaphore(%arg12 : memref<!tpu.dma_semaphore, #tpu.memory_space<semaphore_mem>>) src(%arg8 : memref<32x512xi32, #tpu.memory_space<vmem>>) dst(%dma_wait3A_162 : memref<8200x512xi32, #tpu.memory_space<hbm>>)
    %dma_wait3A_163 = arith.constant 2 : i32
    %dma_wait3A_164 = arith.constant 0 : i32
    %dma_wait3A_165 = tpu.memref_slice %arg6[%dma_wait3A_163, %dma_wait3A_164] : memref<5x32xi32, #tpu.memory_space<vmem>> -> memref<1x32xi32, #tpu.memory_space<vmem>>
    %dma_wait3A_166 = tpu.memref_squeeze %dma_wait3A_165 : memref<1x32xi32, #tpu.memory_space<vmem>> -> memref<32xi32, #tpu.memory_space<vmem>>
    %dma_wait3A_167 = arith.constant 0 : i32
    %dma_wait3A_168 = arith.constant 0 : i32
    %dma_wait3A_169 = tpu.memref_slice %arg4[%dma_wait3A_167, %dma_wait3A_168] : memref<8200x512xi32, #tpu.memory_space<hbm>> -> memref<8200x512xi32, #tpu.memory_space<hbm>>
    tpu.wait_indirect_dma semaphore(%arg12 : memref<!tpu.dma_semaphore, #tpu.memory_space<semaphore_mem>>) src(%arg9 : memref<32x512xi32, #tpu.memory_space<vmem>>) dst(%dma_wait3A_169 : memref<8200x512xi32, #tpu.memory_space<hbm>>)
    %dma_wait3A_170 = arith.constant 3 : i32
    %dma_wait3A_171 = arith.constant 0 : i32
    %dma_wait3A_172 = tpu.memref_slice %arg6[%dma_wait3A_170, %dma_wait3A_171] : memref<5x32xi32, #tpu.memory_space<vmem>> -> memref<1x32xi32, #tpu.memory_space<vmem>>
    %dma_wait3A_173 = tpu.memref_squeeze %dma_wait3A_172 : memref<1x32xi32, #tpu.memory_space<vmem>> -> memref<32xi32, #tpu.memory_space<vmem>>
    %dma_wait3A_174 = arith.constant 0 : i32
    %dma_wait3A_175 = arith.constant 0 : i32
    %dma_wait3A_176 = tpu.memref_slice %arg4[%dma_wait3A_174, %dma_wait3A_175] : memref<8200x512xi32, #tpu.memory_space<hbm>> -> memref<8200x512xi32, #tpu.memory_space<hbm>>
    tpu.wait_indirect_dma semaphore(%arg12 : memref<!tpu.dma_semaphore, #tpu.memory_space<semaphore_mem>>) src(%arg10 : memref<32x512xi32, #tpu.memory_space<vmem>>) dst(%dma_wait3A_176 : memref<8200x512xi32, #tpu.memory_space<hbm>>)
    %dma_wait3A_177 = arith.constant 4 : i32
    %dma_wait3A_178 = arith.constant 0 : i32
    %dma_wait3A_179 = tpu.memref_slice %arg6[%dma_wait3A_177, %dma_wait3A_178] : memref<5x32xi32, #tpu.memory_space<vmem>> -> memref<1x32xi32, #tpu.memory_space<vmem>>
    %dma_wait3A_180 = tpu.memref_squeeze %dma_wait3A_179 : memref<1x32xi32, #tpu.memory_space<vmem>> -> memref<32xi32, #tpu.memory_space<vmem>>
    %dma_wait3A_181 = arith.constant 0 : i32
    %dma_wait3A_182 = arith.constant 0 : i32
    %dma_wait3A_183 = tpu.memref_slice %arg4[%dma_wait3A_181, %dma_wait3A_182] : memref<8200x512xi32, #tpu.memory_space<hbm>> -> memref<8200x512xi32, #tpu.memory_space<hbm>>
    tpu.wait_indirect_dma semaphore(%arg12 : memref<!tpu.dma_semaphore, #tpu.memory_space<semaphore_mem>>) src(%arg7 : memref<32x512xi32, #tpu.memory_space<vmem>>) dst(%dma_wait3A_183 : memref<8200x512xi32, #tpu.memory_space<hbm>>)
    return
  }
}

#map = affine_map<(d0, d1) -> (0, 0)>
#map1 = affine_map<(d0, d1) -> (0)>
module attributes {stable_mosaic.version = 14 : i64} {
  func.func @_dispatch_body(%arg0: i32, %arg1: i32, %arg2: memref<4096x512xi32, #tpu.memory_space<hbm>>, %arg3: memref<8192xi32, #tpu.memory_space<hbm>>, %arg4: memref<5120x512xi32, #tpu.memory_space<hbm>>, %arg5: memref<8192xi32, #tpu.memory_space<vmem>>, %arg6: memref<5x32xi32, #tpu.memory_space<vmem>>, %arg7: memref<32x512xi32, #tpu.memory_space<vmem>>, %arg8: memref<32x512xi32, #tpu.memory_space<vmem>>, %arg9: memref<32x512xi32, #tpu.memory_space<vmem>>, %arg10: memref<32x512xi32, #tpu.memory_space<vmem>>, %arg11: memref<!tpu.dma_semaphore, #tpu.memory_space<semaphore_mem>>, %arg12: memref<!tpu.dma_semaphore, #tpu.memory_space<semaphore_mem>>) attributes {dimension_semantics = [#tpu.dimension_semantics<core_parallel>, #tpu.dimension_semantics<subcore_parallel>], iteration_bounds = array<i64: 2, 16>, scalar_prefetch = 0 : i64, scratch_operands = 8 : i64, tpu.core_type = #tpu.core_type<sc_vector_subcore>, window_params = [{transform_indices = #map}, {transform_indices = #map1}, {transform_indices = #map}]} {
    %mul3A = arith.constant 2 : i32
    %mul3A_0 = arith.muli %arg1, %mul3A : i32
    %add3A = arith.addi %mul3A_0, %arg0 : i32
    %mul3A_1 = arith.constant 160 : i32
    %mul3A_2 = arith.muli %add3A, %mul3A_1 : i32
    "tpu.region"() ({
      %run_scoped3A = tpu.sem_alloc : memref<!tpu.dma_semaphore, #tpu.memory_space<semaphore_mem>>
      tpu.enqueue_dma source(%arg3 : memref<8192xi32, #tpu.memory_space<hbm>>) target(%arg5 : memref<8192xi32, #tpu.memory_space<vmem>>) target_semaphore(%run_scoped3A : memref<!tpu.dma_semaphore, #tpu.memory_space<semaphore_mem>>)
      tpu.wait_dma2 semaphore(%run_scoped3A : memref<!tpu.dma_semaphore, #tpu.memory_space<semaphore_mem>>) src(%arg3 : memref<8192xi32, #tpu.memory_space<hbm>>) dst(%arg5 : memref<8192xi32, #tpu.memory_space<vmem>>)
      tpu.yield
    }) : () -> ()
    %broadcast_in_dim3A = arith.constant 0 : i32
    %broadcast_in_dim3A_3 = vector.broadcast %broadcast_in_dim3A : i32 to vector<16xi32>
    %swap3A = arith.constant 0 : i32
    %swap3A_4 = arith.index_cast %swap3A : i32 to index
    %swap3A_5 = arith.constant 0 : index
    %swap3A_6 = tpu.vector_load %arg6[%swap3A_4, %swap3A_5] {strides = array<i32>} : memref<5x32xi32, #tpu.memory_space<vmem>>, vector<16xi32>,
    tpu.vector_store %arg6[%swap3A_4, %swap3A_5], %broadcast_in_dim3A_3 {strides = array<i32>} : memref<5x32xi32, #tpu.memory_space<vmem>>, vector<16xi32>,
    %broadcast_in_dim3A_7 = arith.constant 0 : i32
    %broadcast_in_dim3A_8 = vector.broadcast %broadcast_in_dim3A_7 : i32 to vector<16xi32>
    %swap3A_9 = arith.constant 0 : i32
    %swap3A_10 = arith.index_cast %swap3A_9 : i32 to index
    %swap3A_11 = arith.constant 16 : index
    %swap3A_12 = tpu.vector_load %arg6[%swap3A_10, %swap3A_11] {strides = array<i32>} : memref<5x32xi32, #tpu.memory_space<vmem>>, vector<16xi32>,
    tpu.vector_store %arg6[%swap3A_10, %swap3A_11], %broadcast_in_dim3A_8 {strides = array<i32>} : memref<5x32xi32, #tpu.memory_space<vmem>>, vector<16xi32>,
    %broadcast_in_dim3A_13 = arith.constant 0 : i32
    %broadcast_in_dim3A_14 = vector.broadcast %broadcast_in_dim3A_13 : i32 to vector<16xi32>
    %swap3A_15 = arith.constant 1 : i32
    %swap3A_16 = arith.index_cast %swap3A_15 : i32 to index
    %swap3A_17 = arith.constant 0 : index
    %swap3A_18 = tpu.vector_load %arg6[%swap3A_16, %swap3A_17] {strides = array<i32>} : memref<5x32xi32, #tpu.memory_space<vmem>>, vector<16xi32>,
    tpu.vector_store %arg6[%swap3A_16, %swap3A_17], %broadcast_in_dim3A_14 {strides = array<i32>} : memref<5x32xi32, #tpu.memory_space<vmem>>, vector<16xi32>,
    %broadcast_in_dim3A_19 = arith.constant 0 : i32
    %broadcast_in_dim3A_20 = vector.broadcast %broadcast_in_dim3A_19 : i32 to vector<16xi32>
    %swap3A_21 = arith.constant 1 : i32
    %swap3A_22 = arith.index_cast %swap3A_21 : i32 to index
    %swap3A_23 = arith.constant 16 : index
    %swap3A_24 = tpu.vector_load %arg6[%swap3A_22, %swap3A_23] {strides = array<i32>} : memref<5x32xi32, #tpu.memory_space<vmem>>, vector<16xi32>,
    tpu.vector_store %arg6[%swap3A_22, %swap3A_23], %broadcast_in_dim3A_20 {strides = array<i32>} : memref<5x32xi32, #tpu.memory_space<vmem>>, vector<16xi32>,
    %broadcast_in_dim3A_25 = arith.constant 0 : i32
    %broadcast_in_dim3A_26 = vector.broadcast %broadcast_in_dim3A_25 : i32 to vector<16xi32>
    %swap3A_27 = arith.constant 2 : i32
    %swap3A_28 = arith.index_cast %swap3A_27 : i32 to index
    %swap3A_29 = arith.constant 0 : index
    %swap3A_30 = tpu.vector_load %arg6[%swap3A_28, %swap3A_29] {strides = array<i32>} : memref<5x32xi32, #tpu.memory_space<vmem>>, vector<16xi32>,
    tpu.vector_store %arg6[%swap3A_28, %swap3A_29], %broadcast_in_dim3A_26 {strides = array<i32>} : memref<5x32xi32, #tpu.memory_space<vmem>>, vector<16xi32>,
    %broadcast_in_dim3A_31 = arith.constant 0 : i32
    %broadcast_in_dim3A_32 = vector.broadcast %broadcast_in_dim3A_31 : i32 to vector<16xi32>
    %swap3A_33 = arith.constant 2 : i32
    %swap3A_34 = arith.index_cast %swap3A_33 : i32 to index
    %swap3A_35 = arith.constant 16 : index
    %swap3A_36 = tpu.vector_load %arg6[%swap3A_34, %swap3A_35] {strides = array<i32>} : memref<5x32xi32, #tpu.memory_space<vmem>>, vector<16xi32>,
    tpu.vector_store %arg6[%swap3A_34, %swap3A_35], %broadcast_in_dim3A_32 {strides = array<i32>} : memref<5x32xi32, #tpu.memory_space<vmem>>, vector<16xi32>,
    %broadcast_in_dim3A_37 = arith.constant 0 : i32
    %broadcast_in_dim3A_38 = vector.broadcast %broadcast_in_dim3A_37 : i32 to vector<16xi32>
    %swap3A_39 = arith.constant 3 : i32
    %swap3A_40 = arith.index_cast %swap3A_39 : i32 to index
    %swap3A_41 = arith.constant 0 : index
    %swap3A_42 = tpu.vector_load %arg6[%swap3A_40, %swap3A_41] {strides = array<i32>} : memref<5x32xi32, #tpu.memory_space<vmem>>, vector<16xi32>,
    tpu.vector_store %arg6[%swap3A_40, %swap3A_41], %broadcast_in_dim3A_38 {strides = array<i32>} : memref<5x32xi32, #tpu.memory_space<vmem>>, vector<16xi32>,
    %broadcast_in_dim3A_43 = arith.constant 0 : i32
    %broadcast_in_dim3A_44 = vector.broadcast %broadcast_in_dim3A_43 : i32 to vector<16xi32>
    %swap3A_45 = arith.constant 3 : i32
    %swap3A_46 = arith.index_cast %swap3A_45 : i32 to index
    %swap3A_47 = arith.constant 16 : index
    %swap3A_48 = tpu.vector_load %arg6[%swap3A_46, %swap3A_47] {strides = array<i32>} : memref<5x32xi32, #tpu.memory_space<vmem>>, vector<16xi32>,
    tpu.vector_store %arg6[%swap3A_46, %swap3A_47], %broadcast_in_dim3A_44 {strides = array<i32>} : memref<5x32xi32, #tpu.memory_space<vmem>>, vector<16xi32>,
    %broadcast_in_dim3A_49 = arith.constant 0 : i32
    %broadcast_in_dim3A_50 = vector.broadcast %broadcast_in_dim3A_49 : i32 to vector<16xi32>
    %swap3A_51 = arith.constant 4 : i32
    %swap3A_52 = arith.index_cast %swap3A_51 : i32 to index
    %swap3A_53 = arith.constant 0 : index
    %swap3A_54 = tpu.vector_load %arg6[%swap3A_52, %swap3A_53] {strides = array<i32>} : memref<5x32xi32, #tpu.memory_space<vmem>>, vector<16xi32>,
    tpu.vector_store %arg6[%swap3A_52, %swap3A_53], %broadcast_in_dim3A_50 {strides = array<i32>} : memref<5x32xi32, #tpu.memory_space<vmem>>, vector<16xi32>,
    %broadcast_in_dim3A_55 = arith.constant 0 : i32
    %broadcast_in_dim3A_56 = vector.broadcast %broadcast_in_dim3A_55 : i32 to vector<16xi32>
    %swap3A_57 = arith.constant 4 : i32
    %swap3A_58 = arith.index_cast %swap3A_57 : i32 to index
    %swap3A_59 = arith.constant 16 : index
    %swap3A_60 = tpu.vector_load %arg6[%swap3A_58, %swap3A_59] {strides = array<i32>} : memref<5x32xi32, #tpu.memory_space<vmem>>, vector<16xi32>,
    tpu.vector_store %arg6[%swap3A_58, %swap3A_59], %broadcast_in_dim3A_56 {strides = array<i32>} : memref<5x32xi32, #tpu.memory_space<vmem>>, vector<16xi32>,
    %iota3A = tpu.iota {dimensions = array<i32: 0>} : vector<16xi32>
    %scan3A = arith.constant 0 : i32
    %scan3A_61 = arith.constant 0 : i32
    %scan3A_62 = arith.constant 512 : i32
    %scan3A_63 = arith.addi %scan3A_61, %scan3A_62 : i32
    %scan3A_64 = arith.constant 1 : i32
    scf.for %scan3A_184 = %scan3A_61 to %scan3A_63 step %scan3A_64  : i32 {
      %mul3A_185 = arith.constant 16 : i32
      %mul3A_186 = arith.muli %scan3A_184, %mul3A_185 : i32
      %get3A = arith.index_cast %mul3A_186 : i32 to index
      %get3A_187 = tpu.vector_load %arg5[%get3A] {strides = array<i32>} : memref<8192xi32, #tpu.memory_space<vmem>>, vector<16xi32>,
      %mul3A_188 = arith.constant 16 : i32
      %mul3A_189 = arith.muli %scan3A_184, %mul3A_188 : i32
      %add3A_190 = vector.broadcast %mul3A_189 : i32 to vector<16xi32>
      %add3A_191 = arith.addi %iota3A, %add3A_190 : vector<16xi32>
      %ge3A = vector.broadcast %mul3A_2 : i32 to vector<16xi32>
      %ge3A_192 = arith.cmpi sge, %get3A_187, %ge3A : vector<16xi32>
      %add3A_193 = arith.constant 160 : i32
      %add3A_194 = arith.addi %mul3A_2, %add3A_193 : i32
      %lt3A = vector.broadcast %add3A_194 : i32 to vector<16xi32>
      %lt3A_195 = arith.cmpi slt, %get3A_187, %lt3A : vector<16xi32>
      %and3A = arith.andi %ge3A_192, %lt3A_195 : vector<16xi1>
      %sub3A = vector.broadcast %mul3A_2 : i32 to vector<16xi32>
      %sub3A_196 = arith.subi %get3A_187, %sub3A : vector<16xi32>
      %jit3A = arith.constant 0 : i32
      %broadcast_in_dim3A_197 = vector.broadcast %jit3A : i32 to vector<16xi32>
      %select_n3A = arith.select %and3A, %sub3A_196, %broadcast_in_dim3A_197 : vector<16xi1>, vector<16xi32>
      %shift_right_logical3A = arith.constant 5 : i32
      %shift_right_logical3A_198 = vector.broadcast %shift_right_logical3A : i32 to vector<16xi32>
      %shift_right_logical3A_199 = arith.shrui %select_n3A, %shift_right_logical3A_198 : vector<16xi32>
      %and3A_200 = arith.constant 31 : i32
      %and3A_201 = vector.broadcast %and3A_200 : i32 to vector<16xi32>
      %and3A_202 = arith.andi %select_n3A, %and3A_201 : vector<16xi32>
      %shift_right_logical3A_203 = arith.constant 1 : i32
      %shift_right_logical3A_204 = vector.broadcast %shift_right_logical3A_203 : i32 to vector<16xi32>
      %shift_right_logical3A_205 = arith.shrui %add3A_191, %shift_right_logical3A_204 : vector<16xi32>
      tpu.vector_store_idx %arg6[%shift_right_logical3A_199, %and3A_202], %shift_right_logical3A_205 masked %and3A : memref<5x32xi32, #tpu.memory_space<vmem>>[vector<16xi32>, vector<16xi32>], vector<16xi32>, vector<16xi1>
    }
    %scan3A_65 = arith.constant 512 : i32
    %dma_start3A = arith.constant 0 : i32
    %dma_start3A_66 = arith.constant 0 : i32
    %dma_start3A_67 = tpu.memref_slice %arg6[%dma_start3A, %dma_start3A_66] : memref<5x32xi32, #tpu.memory_space<vmem>> -> memref<1x32xi32, #tpu.memory_space<vmem>>
    %dma_start3A_68 = tpu.memref_squeeze %dma_start3A_67 : memref<1x32xi32, #tpu.memory_space<vmem>> -> memref<32xi32, #tpu.memory_space<vmem>>
    %dma_start3A_69 = arith.constant 0 : i32
    %dma_start3A_70 = arith.constant 0 : i32
    %dma_start3A_71 = tpu.memref_slice %arg2[%dma_start3A_69, %dma_start3A_70] : memref<4096x512xi32, #tpu.memory_space<hbm>> -> memref<4096x512xi32, #tpu.memory_space<hbm>>
    tpu.enqueue_indirect_dma source(%dma_start3A_71 : memref<4096x512xi32, #tpu.memory_space<hbm>>) target(%arg7 : memref<32x512xi32, #tpu.memory_space<vmem>>) offsets(%dma_start3A_68 : memref<32xi32, #tpu.memory_space<vmem>>) semaphore(%arg11 : memref<!tpu.dma_semaphore, #tpu.memory_space<semaphore_mem>>)
    %dma_start3A_72 = arith.constant 1 : i32
    %dma_start3A_73 = arith.constant 0 : i32
    %dma_start3A_74 = tpu.memref_slice %arg6[%dma_start3A_72, %dma_start3A_73] : memref<5x32xi32, #tpu.memory_space<vmem>> -> memref<1x32xi32, #tpu.memory_space<vmem>>
    %dma_start3A_75 = tpu.memref_squeeze %dma_start3A_74 : memref<1x32xi32, #tpu.memory_space<vmem>> -> memref<32xi32, #tpu.memory_space<vmem>>
    %dma_start3A_76 = arith.constant 0 : i32
    %dma_start3A_77 = arith.constant 0 : i32
    %dma_start3A_78 = tpu.memref_slice %arg2[%dma_start3A_76, %dma_start3A_77] : memref<4096x512xi32, #tpu.memory_space<hbm>> -> memref<4096x512xi32, #tpu.memory_space<hbm>>
    tpu.enqueue_indirect_dma source(%dma_start3A_78 : memref<4096x512xi32, #tpu.memory_space<hbm>>) target(%arg8 : memref<32x512xi32, #tpu.memory_space<vmem>>) offsets(%dma_start3A_75 : memref<32xi32, #tpu.memory_space<vmem>>) semaphore(%arg11 : memref<!tpu.dma_semaphore, #tpu.memory_space<semaphore_mem>>)
    %dma_start3A_79 = arith.constant 2 : i32
    %dma_start3A_80 = arith.constant 0 : i32
    %dma_start3A_81 = tpu.memref_slice %arg6[%dma_start3A_79, %dma_start3A_80] : memref<5x32xi32, #tpu.memory_space<vmem>> -> memref<1x32xi32, #tpu.memory_space<vmem>>
    %dma_start3A_82 = tpu.memref_squeeze %dma_start3A_81 : memref<1x32xi32, #tpu.memory_space<vmem>> -> memref<32xi32, #tpu.memory_space<vmem>>
    %dma_start3A_83 = arith.constant 0 : i32
    %dma_start3A_84 = arith.constant 0 : i32
    %dma_start3A_85 = tpu.memref_slice %arg2[%dma_start3A_83, %dma_start3A_84] : memref<4096x512xi32, #tpu.memory_space<hbm>> -> memref<4096x512xi32, #tpu.memory_space<hbm>>
    tpu.enqueue_indirect_dma source(%dma_start3A_85 : memref<4096x512xi32, #tpu.memory_space<hbm>>) target(%arg9 : memref<32x512xi32, #tpu.memory_space<vmem>>) offsets(%dma_start3A_82 : memref<32xi32, #tpu.memory_space<vmem>>) semaphore(%arg11 : memref<!tpu.dma_semaphore, #tpu.memory_space<semaphore_mem>>)
    %dma_wait3A = arith.constant 0 : i32
    %dma_wait3A_86 = arith.constant 0 : i32
    %dma_wait3A_87 = tpu.memref_slice %arg6[%dma_wait3A, %dma_wait3A_86] : memref<5x32xi32, #tpu.memory_space<vmem>> -> memref<1x32xi32, #tpu.memory_space<vmem>>
    %dma_wait3A_88 = tpu.memref_squeeze %dma_wait3A_87 : memref<1x32xi32, #tpu.memory_space<vmem>> -> memref<32xi32, #tpu.memory_space<vmem>>
    %dma_wait3A_89 = arith.constant 0 : i32
    %dma_wait3A_90 = arith.constant 0 : i32
    %dma_wait3A_91 = tpu.memref_slice %arg2[%dma_wait3A_89, %dma_wait3A_90] : memref<4096x512xi32, #tpu.memory_space<hbm>> -> memref<4096x512xi32, #tpu.memory_space<hbm>>
    tpu.wait_indirect_dma semaphore(%arg11 : memref<!tpu.dma_semaphore, #tpu.memory_space<semaphore_mem>>) src(%dma_wait3A_91 : memref<4096x512xi32, #tpu.memory_space<hbm>>) dst(%arg7 : memref<32x512xi32, #tpu.memory_space<vmem>>)
    %add3A_92 = arith.constant 0 : i32
    %add3A_93 = arith.addi %mul3A_2, %add3A_92 : i32
    %dma_start3A_94 = arith.constant 0 : i32
    %dma_start3A_95 = tpu.memref_slice %arg4[%add3A_93, %dma_start3A_94] : memref<5120x512xi32, #tpu.memory_space<hbm>> -> memref<32x512xi32, #tpu.memory_space<hbm>>
    %dma_start3A_96 = arith.constant 0 : i32
    %dma_start3A_97 = tpu.memref_slice %arg4[%add3A_93, %dma_start3A_96] : memref<5120x512xi32, #tpu.memory_space<hbm>> -> memref<32x512xi32, #tpu.memory_space<hbm>>
    tpu.enqueue_dma source(%arg7 : memref<32x512xi32, #tpu.memory_space<vmem>>) target(%dma_start3A_97 : memref<32x512xi32, #tpu.memory_space<hbm>>) target_semaphore(%arg12 : memref<!tpu.dma_semaphore, #tpu.memory_space<semaphore_mem>>)
    %dma_start3A_98 = arith.constant 3 : i32
    %dma_start3A_99 = arith.constant 0 : i32
    %dma_start3A_100 = tpu.memref_slice %arg6[%dma_start3A_98, %dma_start3A_99] : memref<5x32xi32, #tpu.memory_space<vmem>> -> memref<1x32xi32, #tpu.memory_space<vmem>>
    %dma_start3A_101 = tpu.memref_squeeze %dma_start3A_100 : memref<1x32xi32, #tpu.memory_space<vmem>> -> memref<32xi32, #tpu.memory_space<vmem>>
    %dma_start3A_102 = arith.constant 0 : i32
    %dma_start3A_103 = arith.constant 0 : i32
    %dma_start3A_104 = tpu.memref_slice %arg2[%dma_start3A_102, %dma_start3A_103] : memref<4096x512xi32, #tpu.memory_space<hbm>> -> memref<4096x512xi32, #tpu.memory_space<hbm>>
    tpu.enqueue_indirect_dma source(%dma_start3A_104 : memref<4096x512xi32, #tpu.memory_space<hbm>>) target(%arg10 : memref<32x512xi32, #tpu.memory_space<vmem>>) offsets(%dma_start3A_101 : memref<32xi32, #tpu.memory_space<vmem>>) semaphore(%arg11 : memref<!tpu.dma_semaphore, #tpu.memory_space<semaphore_mem>>)
    %dma_wait3A_105 = arith.constant 1 : i32
    %dma_wait3A_106 = arith.constant 0 : i32
    %dma_wait3A_107 = tpu.memref_slice %arg6[%dma_wait3A_105, %dma_wait3A_106] : memref<5x32xi32, #tpu.memory_space<vmem>> -> memref<1x32xi32, #tpu.memory_space<vmem>>
    %dma_wait3A_108 = tpu.memref_squeeze %dma_wait3A_107 : memref<1x32xi32, #tpu.memory_space<vmem>> -> memref<32xi32, #tpu.memory_space<vmem>>
    %dma_wait3A_109 = arith.constant 0 : i32
    %dma_wait3A_110 = arith.constant 0 : i32
    %dma_wait3A_111 = tpu.memref_slice %arg2[%dma_wait3A_109, %dma_wait3A_110] : memref<4096x512xi32, #tpu.memory_space<hbm>> -> memref<4096x512xi32, #tpu.memory_space<hbm>>
    tpu.wait_indirect_dma semaphore(%arg11 : memref<!tpu.dma_semaphore, #tpu.memory_space<semaphore_mem>>) src(%dma_wait3A_111 : memref<4096x512xi32, #tpu.memory_space<hbm>>) dst(%arg8 : memref<32x512xi32, #tpu.memory_space<vmem>>)
    %add3A_112 = arith.constant 32 : i32
    %add3A_113 = arith.addi %mul3A_2, %add3A_112 : i32
    %dma_start3A_114 = arith.constant 0 : i32
    %dma_start3A_115 = tpu.memref_slice %arg4[%add3A_113, %dma_start3A_114] : memref<5120x512xi32, #tpu.memory_space<hbm>> -> memref<32x512xi32, #tpu.memory_space<hbm>>
    %dma_start3A_116 = arith.constant 0 : i32
    %dma_start3A_117 = tpu.memref_slice %arg4[%add3A_113, %dma_start3A_116] : memref<5120x512xi32, #tpu.memory_space<hbm>> -> memref<32x512xi32, #tpu.memory_space<hbm>>
    tpu.enqueue_dma source(%arg8 : memref<32x512xi32, #tpu.memory_space<vmem>>) target(%dma_start3A_117 : memref<32x512xi32, #tpu.memory_space<hbm>>) target_semaphore(%arg12 : memref<!tpu.dma_semaphore, #tpu.memory_space<semaphore_mem>>)
    %dma_wait3A_118 = arith.constant 0 : i32
    %dma_wait3A_119 = tpu.memref_slice %arg4[%add3A_93, %dma_wait3A_118] : memref<5120x512xi32, #tpu.memory_space<hbm>> -> memref<32x512xi32, #tpu.memory_space<hbm>>
    %dma_wait3A_120 = arith.constant 0 : i32
    %dma_wait3A_121 = tpu.memref_slice %arg4[%add3A_93, %dma_wait3A_120] : memref<5120x512xi32, #tpu.memory_space<hbm>> -> memref<32x512xi32, #tpu.memory_space<hbm>>
    tpu.wait_dma2 semaphore(%arg12 : memref<!tpu.dma_semaphore, #tpu.memory_space<semaphore_mem>>) src(%arg7 : memref<32x512xi32, #tpu.memory_space<vmem>>) dst(%dma_wait3A_121 : memref<32x512xi32, #tpu.memory_space<hbm>>)
    %dma_start3A_122 = arith.constant 4 : i32
    %dma_start3A_123 = arith.constant 0 : i32
    %dma_start3A_124 = tpu.memref_slice %arg6[%dma_start3A_122, %dma_start3A_123] : memref<5x32xi32, #tpu.memory_space<vmem>> -> memref<1x32xi32, #tpu.memory_space<vmem>>
    %dma_start3A_125 = tpu.memref_squeeze %dma_start3A_124 : memref<1x32xi32, #tpu.memory_space<vmem>> -> memref<32xi32, #tpu.memory_space<vmem>>
    %dma_start3A_126 = arith.constant 0 : i32
    %dma_start3A_127 = arith.constant 0 : i32
    %dma_start3A_128 = tpu.memref_slice %arg2[%dma_start3A_126, %dma_start3A_127] : memref<4096x512xi32, #tpu.memory_space<hbm>> -> memref<4096x512xi32, #tpu.memory_space<hbm>>
    tpu.enqueue_indirect_dma source(%dma_start3A_128 : memref<4096x512xi32, #tpu.memory_space<hbm>>) target(%arg7 : memref<32x512xi32, #tpu.memory_space<vmem>>) offsets(%dma_start3A_125 : memref<32xi32, #tpu.memory_space<vmem>>) semaphore(%arg11 : memref<!tpu.dma_semaphore, #tpu.memory_space<semaphore_mem>>)
    %dma_wait3A_129 = arith.constant 2 : i32
    %dma_wait3A_130 = arith.constant 0 : i32
    %dma_wait3A_131 = tpu.memref_slice %arg6[%dma_wait3A_129, %dma_wait3A_130] : memref<5x32xi32, #tpu.memory_space<vmem>> -> memref<1x32xi32, #tpu.memory_space<vmem>>
    %dma_wait3A_132 = tpu.memref_squeeze %dma_wait3A_131 : memref<1x32xi32, #tpu.memory_space<vmem>> -> memref<32xi32, #tpu.memory_space<vmem>>
    %dma_wait3A_133 = arith.constant 0 : i32
    %dma_wait3A_134 = arith.constant 0 : i32
    %dma_wait3A_135 = tpu.memref_slice %arg2[%dma_wait3A_133, %dma_wait3A_134] : memref<4096x512xi32, #tpu.memory_space<hbm>> -> memref<4096x512xi32, #tpu.memory_space<hbm>>
    tpu.wait_indirect_dma semaphore(%arg11 : memref<!tpu.dma_semaphore, #tpu.memory_space<semaphore_mem>>) src(%dma_wait3A_135 : memref<4096x512xi32, #tpu.memory_space<hbm>>) dst(%arg9 : memref<32x512xi32, #tpu.memory_space<vmem>>)
    %add3A_136 = arith.constant 64 : i32
    %add3A_137 = arith.addi %mul3A_2, %add3A_136 : i32
    %dma_start3A_138 = arith.constant 0 : i32
    %dma_start3A_139 = tpu.memref_slice %arg4[%add3A_137, %dma_start3A_138] : memref<5120x512xi32, #tpu.memory_space<hbm>> -> memref<32x512xi32, #tpu.memory_space<hbm>>
    %dma_start3A_140 = arith.constant 0 : i32
    %dma_start3A_141 = tpu.memref_slice %arg4[%add3A_137, %dma_start3A_140] : memref<5120x512xi32, #tpu.memory_space<hbm>> -> memref<32x512xi32, #tpu.memory_space<hbm>>
    tpu.enqueue_dma source(%arg9 : memref<32x512xi32, #tpu.memory_space<vmem>>) target(%dma_start3A_141 : memref<32x512xi32, #tpu.memory_space<hbm>>) target_semaphore(%arg12 : memref<!tpu.dma_semaphore, #tpu.memory_space<semaphore_mem>>)
    %dma_wait3A_142 = arith.constant 3 : i32
    %dma_wait3A_143 = arith.constant 0 : i32
    %dma_wait3A_144 = tpu.memref_slice %arg6[%dma_wait3A_142, %dma_wait3A_143] : memref<5x32xi32, #tpu.memory_space<vmem>> -> memref<1x32xi32, #tpu.memory_space<vmem>>
    %dma_wait3A_145 = tpu.memref_squeeze %dma_wait3A_144 : memref<1x32xi32, #tpu.memory_space<vmem>> -> memref<32xi32, #tpu.memory_space<vmem>>
    %dma_wait3A_146 = arith.constant 0 : i32
    %dma_wait3A_147 = arith.constant 0 : i32
    %dma_wait3A_148 = tpu.memref_slice %arg2[%dma_wait3A_146, %dma_wait3A_147] : memref<4096x512xi32, #tpu.memory_space<hbm>> -> memref<4096x512xi32, #tpu.memory_space<hbm>>
    tpu.wait_indirect_dma semaphore(%arg11 : memref<!tpu.dma_semaphore, #tpu.memory_space<semaphore_mem>>) src(%dma_wait3A_148 : memref<4096x512xi32, #tpu.memory_space<hbm>>) dst(%arg10 : memref<32x512xi32, #tpu.memory_space<vmem>>)
    %add3A_149 = arith.constant 96 : i32
    %add3A_150 = arith.addi %mul3A_2, %add3A_149 : i32
    %dma_start3A_151 = arith.constant 0 : i32
    %dma_start3A_152 = tpu.memref_slice %arg4[%add3A_150, %dma_start3A_151] : memref<5120x512xi32, #tpu.memory_space<hbm>> -> memref<32x512xi32, #tpu.memory_space<hbm>>
    %dma_start3A_153 = arith.constant 0 : i32
    %dma_start3A_154 = tpu.memref_slice %arg4[%add3A_150, %dma_start3A_153] : memref<5120x512xi32, #tpu.memory_space<hbm>> -> memref<32x512xi32, #tpu.memory_space<hbm>>
    tpu.enqueue_dma source(%arg10 : memref<32x512xi32, #tpu.memory_space<vmem>>) target(%dma_start3A_154 : memref<32x512xi32, #tpu.memory_space<hbm>>) target_semaphore(%arg12 : memref<!tpu.dma_semaphore, #tpu.memory_space<semaphore_mem>>)
    %dma_wait3A_155 = arith.constant 4 : i32
    %dma_wait3A_156 = arith.constant 0 : i32
    %dma_wait3A_157 = tpu.memref_slice %arg6[%dma_wait3A_155, %dma_wait3A_156] : memref<5x32xi32, #tpu.memory_space<vmem>> -> memref<1x32xi32, #tpu.memory_space<vmem>>
    %dma_wait3A_158 = tpu.memref_squeeze %dma_wait3A_157 : memref<1x32xi32, #tpu.memory_space<vmem>> -> memref<32xi32, #tpu.memory_space<vmem>>
    %dma_wait3A_159 = arith.constant 0 : i32
    %dma_wait3A_160 = arith.constant 0 : i32
    %dma_wait3A_161 = tpu.memref_slice %arg2[%dma_wait3A_159, %dma_wait3A_160] : memref<4096x512xi32, #tpu.memory_space<hbm>> -> memref<4096x512xi32, #tpu.memory_space<hbm>>
    tpu.wait_indirect_dma semaphore(%arg11 : memref<!tpu.dma_semaphore, #tpu.memory_space<semaphore_mem>>) src(%dma_wait3A_161 : memref<4096x512xi32, #tpu.memory_space<hbm>>) dst(%arg7 : memref<32x512xi32, #tpu.memory_space<vmem>>)
    %add3A_162 = arith.constant 128 : i32
    %add3A_163 = arith.addi %mul3A_2, %add3A_162 : i32
    %dma_start3A_164 = arith.constant 0 : i32
    %dma_start3A_165 = tpu.memref_slice %arg4[%add3A_163, %dma_start3A_164] : memref<5120x512xi32, #tpu.memory_space<hbm>> -> memref<32x512xi32, #tpu.memory_space<hbm>>
    %dma_start3A_166 = arith.constant 0 : i32
    %dma_start3A_167 = tpu.memref_slice %arg4[%add3A_163, %dma_start3A_166] : memref<5120x512xi32, #tpu.memory_space<hbm>> -> memref<32x512xi32, #tpu.memory_space<hbm>>
    tpu.enqueue_dma source(%arg7 : memref<32x512xi32, #tpu.memory_space<vmem>>) target(%dma_start3A_167 : memref<32x512xi32, #tpu.memory_space<hbm>>) target_semaphore(%arg12 : memref<!tpu.dma_semaphore, #tpu.memory_space<semaphore_mem>>)
    %dma_wait3A_168 = arith.constant 0 : i32
    %dma_wait3A_169 = tpu.memref_slice %arg4[%add3A_113, %dma_wait3A_168] : memref<5120x512xi32, #tpu.memory_space<hbm>> -> memref<32x512xi32, #tpu.memory_space<hbm>>
    %dma_wait3A_170 = arith.constant 0 : i32
    %dma_wait3A_171 = tpu.memref_slice %arg4[%add3A_113, %dma_wait3A_170] : memref<5120x512xi32, #tpu.memory_space<hbm>> -> memref<32x512xi32, #tpu.memory_space<hbm>>
    tpu.wait_dma2 semaphore(%arg12 : memref<!tpu.dma_semaphore, #tpu.memory_space<semaphore_mem>>) src(%arg8 : memref<32x512xi32, #tpu.memory_space<vmem>>) dst(%dma_wait3A_171 : memref<32x512xi32, #tpu.memory_space<hbm>>)
    %dma_wait3A_172 = arith.constant 0 : i32
    %dma_wait3A_173 = tpu.memref_slice %arg4[%add3A_137, %dma_wait3A_172] : memref<5120x512xi32, #tpu.memory_space<hbm>> -> memref<32x512xi32, #tpu.memory_space<hbm>>
    %dma_wait3A_174 = arith.constant 0 : i32
    %dma_wait3A_175 = tpu.memref_slice %arg4[%add3A_137, %dma_wait3A_174] : memref<5120x512xi32, #tpu.memory_space<hbm>> -> memref<32x512xi32, #tpu.memory_space<hbm>>
    tpu.wait_dma2 semaphore(%arg12 : memref<!tpu.dma_semaphore, #tpu.memory_space<semaphore_mem>>) src(%arg9 : memref<32x512xi32, #tpu.memory_space<vmem>>) dst(%dma_wait3A_175 : memref<32x512xi32, #tpu.memory_space<hbm>>)
    %dma_wait3A_176 = arith.constant 0 : i32
    %dma_wait3A_177 = tpu.memref_slice %arg4[%add3A_150, %dma_wait3A_176] : memref<5120x512xi32, #tpu.memory_space<hbm>> -> memref<32x512xi32, #tpu.memory_space<hbm>>
    %dma_wait3A_178 = arith.constant 0 : i32
    %dma_wait3A_179 = tpu.memref_slice %arg4[%add3A_150, %dma_wait3A_178] : memref<5120x512xi32, #tpu.memory_space<hbm>> -> memref<32x512xi32, #tpu.memory_space<hbm>>
    tpu.wait_dma2 semaphore(%arg12 : memref<!tpu.dma_semaphore, #tpu.memory_space<semaphore_mem>>) src(%arg10 : memref<32x512xi32, #tpu.memory_space<vmem>>) dst(%dma_wait3A_179 : memref<32x512xi32, #tpu.memory_space<hbm>>)
    %dma_wait3A_180 = arith.constant 0 : i32
    %dma_wait3A_181 = tpu.memref_slice %arg4[%add3A_163, %dma_wait3A_180] : memref<5120x512xi32, #tpu.memory_space<hbm>> -> memref<32x512xi32, #tpu.memory_space<hbm>>
    %dma_wait3A_182 = arith.constant 0 : i32
    %dma_wait3A_183 = tpu.memref_slice %arg4[%add3A_163, %dma_wait3A_182] : memref<5120x512xi32, #tpu.memory_space<hbm>> -> memref<32x512xi32, #tpu.memory_space<hbm>>
    tpu.wait_dma2 semaphore(%arg12 : memref<!tpu.dma_semaphore, #tpu.memory_space<semaphore_mem>>) src(%arg7 : memref<32x512xi32, #tpu.memory_space<vmem>>) dst(%dma_wait3A_183 : memref<32x512xi32, #tpu.memory_space<hbm>>)
    return
  }
}

module attributes {stable_mosaic.version = 14 : i64} {
  func.func @_router_body(%arg0: memref<4096x1024xf32, #tpu.memory_space<vmem>>, %arg1: memref<1024x128xf32, #tpu.memory_space<vmem>>, %arg2: memref<128x128xf32, #tpu.memory_space<vmem>>, %arg3: memref<4096x2xi32, #tpu.memory_space<vmem>>, %arg4: memref<4096x16xf32, #tpu.memory_space<vmem>>, %arg5: memref<4096x16xf32, #tpu.memory_space<vmem>>, %arg6: memref<1x1xf32, #tpu.memory_space<vmem>>, %arg7: memref<1x1xf32, #tpu.memory_space<vmem>>, %arg8: memref<4096x512xi32, #tpu.memory_space<vmem>>) attributes {dimension_semantics = [], scalar_prefetch = 0 : i64, scratch_operands = 0 : i64, tpu.core_type = #tpu.core_type<tc>} {
    %get3A = arith.constant 0 : index
    %get3A_0 = arith.constant 0 : index
    %get3A_1 = vector.load %arg0[%get3A, %get3A_0] : memref<4096x1024xf32, #tpu.memory_space<vmem>>, vector<4096x1024xf32>
    %convert_element_type3A = arith.truncf %get3A_1 : vector<4096x1024xf32> to vector<4096x1024xbf16>
    %slice3A = vector.extract_strided_slice %convert_element_type3A {offsets = [0, 0], sizes = [4096, 512], strides = [1, 1]} : vector<4096x1024xbf16> to vector<4096x512xbf16>
    %bitcast_convert_type3A = tpu.bitcast %slice3A : vector<4096x512xbf16> -> vector<4096x512xi16>
    %convert_element_type3A_2 = arith.extui %bitcast_convert_type3A : vector<4096x512xi16> to vector<4096x512xi32>
    %slice3A_3 = vector.extract_strided_slice %convert_element_type3A {offsets = [0, 512], sizes = [4096, 512], strides = [1, 1]} : vector<4096x1024xbf16> to vector<4096x512xbf16>
    %bitcast_convert_type3A_4 = tpu.bitcast %slice3A_3 : vector<4096x512xbf16> -> vector<4096x512xi16>
    %convert_element_type3A_5 = arith.extui %bitcast_convert_type3A_4 : vector<4096x512xi16> to vector<4096x512xi32>
    %shift_left3A = arith.constant 16 : i32
    %shift_left3A_6 = vector.broadcast %shift_left3A : i32 to vector<4096x512xi32>
    %shift_left3A_7 = arith.shli %convert_element_type3A_5, %shift_left3A_6 : vector<4096x512xi32>
    %or3A = arith.ori %convert_element_type3A_2, %shift_left3A_7 : vector<4096x512xi32>
    %bitcast_convert_type3A_8 = tpu.bitcast %or3A : vector<4096x512xi32> -> vector<4096x512xi32>
    %swap3A = arith.constant 0 : index
    %swap3A_9 = arith.constant 0 : index
    %swap3A_10 = vector.load %arg8[%swap3A, %swap3A_9] : memref<4096x512xi32, #tpu.memory_space<vmem>>, vector<4096x512xi32>
    tpu.vector_store %arg8[%swap3A, %swap3A_9], %bitcast_convert_type3A_8 {strides = array<i32>} : memref<4096x512xi32, #tpu.memory_space<vmem>>, vector<4096x512xi32>,
    %get3A_11 = arith.constant 0 : index
    %get3A_12 = arith.constant 0 : index
    %get3A_13 = vector.load %arg1[%get3A_11, %get3A_12] : memref<1024x128xf32, #tpu.memory_space<vmem>>, vector<1024x128xf32>
    %dot_general3A = arith.constant dense<0.000000e+00> : vector<4096x128xf32>
    %dot_general3A_14 = tpu.matmul %get3A_1, %get3A_13, %dot_general3A {dimension_numbers = #tpu.dot_dimension_numbers<[1], [0], [0], [1], [0, 0, 1, 1], [], []>, transpose_lhs_hint = false} : vector<4096x1024xf32>, vector<1024x128xf32>, vector<4096x128xf32> -> vector<4096x128xf32>
    %iota3A = tpu.iota {dimensions = array<i32: 1>} : vector<4096x128xi32>
    %lt3A = arith.constant 8 : i32
    %lt3A_15 = vector.broadcast %lt3A : i32 to vector<4096x128xi32>
    %lt3A_16 = arith.cmpi slt, %iota3A, %lt3A_15 : vector<4096x128xi32>
    %jit3A = arith.constant -1.000000e+30 : f32
    %broadcast_in_dim3A = vector.broadcast %jit3A : f32 to vector<4096x128xf32>
    %select_n3A = arith.select %lt3A_16, %dot_general3A_14, %broadcast_in_dim3A : vector<4096x128xi1>, vector<4096x128xf32>
    %reduce_max3A = arith.constant dense<0xFF800000> : vector<4096xf32>
    %reduce_max3A_17 = vector.multi_reduction <maximumf>, %select_n3A, %reduce_max3A [1] : vector<4096x128xf32> to vector<4096xf32>
    %broadcast_in_dim3A_18 = vector.shape_cast %reduce_max3A_17 : vector<4096xf32> to vector<4096x1xf32>
    %sub3A = vector.broadcast %broadcast_in_dim3A_18 : vector<4096x1xf32> to vector<4096x128xf32>
    %sub3A_19 = arith.subf %select_n3A, %sub3A : vector<4096x128xf32>
    %exp3A = math.exp %sub3A_19 : vector<4096x128xf32>
    %jit3A_20 = arith.constant 0.000000e+00 : f32
    %broadcast_in_dim3A_21 = vector.broadcast %jit3A_20 : f32 to vector<4096x128xf32>
    %select_n3A_22 = arith.select %lt3A_16, %exp3A, %broadcast_in_dim3A_21 : vector<4096x128xi1>, vector<4096x128xf32>
    %reduce_sum3A = arith.constant dense<0.000000e+00> : vector<4096xf32>
    %reduce_sum3A_23 = vector.multi_reduction <add>, %select_n3A_22, %reduce_sum3A [1] : vector<4096x128xf32> to vector<4096xf32>
    %broadcast_in_dim3A_24 = vector.shape_cast %reduce_sum3A_23 : vector<4096xf32> to vector<4096x1xf32>
    %div3A = vector.broadcast %broadcast_in_dim3A_24 : vector<4096x1xf32> to vector<4096x128xf32>
    %div3A_25 = arith.divf %select_n3A_22, %div3A : vector<4096x128xf32>
    %reduce_max3A_26 = arith.constant dense<0xFF800000> : vector<4096xf32>
    %reduce_max3A_27 = vector.multi_reduction <maximumf>, %div3A_25, %reduce_max3A_26 [1] : vector<4096x128xf32> to vector<4096xf32>
    %broadcast_in_dim3A_28 = vector.shape_cast %reduce_max3A_27 : vector<4096xf32> to vector<4096x1xf32>
    %eq3A = vector.broadcast %broadcast_in_dim3A_28 : vector<4096x1xf32> to vector<4096x128xf32>
    %eq3A_29 = arith.cmpf oeq, %div3A_25, %eq3A : vector<4096x128xf32>
    %and3A = arith.andi %eq3A_29, %lt3A_16 : vector<4096x128xi1>
    %jit3A_30 = arith.constant 8 : i32
    %broadcast_in_dim3A_31 = vector.broadcast %jit3A_30 : i32 to vector<4096x128xi32>
    %select_n3A_32 = arith.select %and3A, %iota3A, %broadcast_in_dim3A_31 : vector<4096x128xi1>, vector<4096x128xi32>
    %reduce_min3A = arith.constant dense<2147483647> : vector<4096xi32>
    %reduce_min3A_33 = vector.multi_reduction <minsi>, %select_n3A_32, %reduce_min3A [1] : vector<4096x128xi32> to vector<4096xi32>
    %broadcast_in_dim3A_34 = vector.shape_cast %reduce_min3A_33 : vector<4096xi32> to vector<4096x1xi32>
    %eq3A_35 = vector.broadcast %broadcast_in_dim3A_34 : vector<4096x1xi32> to vector<4096x128xi32>
    %eq3A_36 = arith.cmpi eq, %iota3A, %eq3A_35 : vector<4096x128xi32>
    %not3A = arith.constant dense<true> : vector<4096x128xi1>
    %not3A_37 = arith.xori %lt3A_16, %not3A : vector<4096x128xi1>
    %or3A_38 = arith.ori %eq3A_36, %not3A_37 : vector<4096x128xi1>
    %jit3A_39 = arith.constant -1.000000e+00 : f32
    %broadcast_in_dim3A_40 = vector.broadcast %jit3A_39 : f32 to vector<4096x128xf32>
    %select_n3A_41 = arith.select %or3A_38, %broadcast_in_dim3A_40, %div3A_25 : vector<4096x128xi1>, vector<4096x128xf32>
    %reduce_max3A_42 = arith.constant dense<0xFF800000> : vector<4096xf32>
    %reduce_max3A_43 = vector.multi_reduction <maximumf>, %select_n3A_41, %reduce_max3A_42 [1] : vector<4096x128xf32> to vector<4096xf32>
    %broadcast_in_dim3A_44 = vector.shape_cast %reduce_max3A_43 : vector<4096xf32> to vector<4096x1xf32>
    %eq3A_45 = vector.broadcast %broadcast_in_dim3A_44 : vector<4096x1xf32> to vector<4096x128xf32>
    %eq3A_46 = arith.cmpf oeq, %select_n3A_41, %eq3A_45 : vector<4096x128xf32>
    %and3A_47 = arith.andi %eq3A_46, %lt3A_16 : vector<4096x128xi1>
    %jit3A_48 = arith.constant 8 : i32
    %broadcast_in_dim3A_49 = vector.broadcast %jit3A_48 : i32 to vector<4096x128xi32>
    %select_n3A_50 = arith.select %and3A_47, %iota3A, %broadcast_in_dim3A_49 : vector<4096x128xi1>, vector<4096x128xi32>
    %reduce_min3A_51 = arith.constant dense<2147483647> : vector<4096xi32>
    %reduce_min3A_52 = vector.multi_reduction <minsi>, %select_n3A_50, %reduce_min3A_51 [1] : vector<4096x128xi32> to vector<4096xi32>
    %broadcast_in_dim3A_53 = vector.shape_cast %reduce_min3A_52 : vector<4096xi32> to vector<4096x1xi32>
    %eq3A_54 = vector.broadcast %broadcast_in_dim3A_53 : vector<4096x1xi32> to vector<4096x128xi32>
    %eq3A_55 = arith.cmpi eq, %iota3A, %eq3A_54 : vector<4096x128xi32>
    %get3A_56 = arith.constant 0 : index
    %get3A_57 = arith.constant 0 : index
    %get3A_58 = vector.load %arg2[%get3A_56, %get3A_57] : memref<128x128xf32, #tpu.memory_space<vmem>>, vector<128x128xf32>
    %convert_element_type3A_59 = arith.extui %eq3A_36 : vector<4096x128xi1> to vector<4096x128xi32>
    %convert_element_type3A_60 = arith.sitofp %convert_element_type3A_59 : vector<4096x128xi32> to vector<4096x128xf32>
    %convert_element_type3A_61 = arith.extui %eq3A_55 : vector<4096x128xi1> to vector<4096x128xi32>
    %convert_element_type3A_62 = arith.sitofp %convert_element_type3A_61 : vector<4096x128xi32> to vector<4096x128xf32>
    %broadcast_in_dim3A_63 = arith.constant 0.000000e+00 : f32
    %broadcast_in_dim3A_64 = vector.broadcast %broadcast_in_dim3A_63 : f32 to vector<1x128xf32>
    %broadcast_in_dim3A_65 = arith.constant 0.000000e+00 : f32
    %broadcast_in_dim3A_66 = vector.broadcast %broadcast_in_dim3A_65 : f32 to vector<1x128xf32>
    %slice3A_67 = vector.extract_strided_slice %convert_element_type3A_60 {offsets = [0, 0], sizes = [128, 128], strides = [1, 1]} : vector<4096x128xf32> to vector<128x128xf32>
    %slice3A_68 = vector.extract_strided_slice %convert_element_type3A_62 {offsets = [0, 0], sizes = [128, 128], strides = [1, 1]} : vector<4096x128xf32> to vector<128x128xf32>
    %dot_general3A_69 = arith.constant dense<0.000000e+00> : vector<128x128xf32>
    %dot_general3A_70 = tpu.matmul %get3A_58, %slice3A_67, %dot_general3A_69 {dimension_numbers = #tpu.dot_dimension_numbers<[1], [0], [0], [1], [0, 0, 1, 1], [], []>, transpose_lhs_hint = false} : vector<128x128xf32>, vector<128x128xf32>, vector<128x128xf32> -> vector<128x128xf32>
    %add3A = vector.broadcast %broadcast_in_dim3A_64 : vector<1x128xf32> to vector<128x128xf32>
    %add3A_71 = arith.addf %dot_general3A_70, %add3A : vector<128x128xf32>
    %dot_general3A_72 = arith.constant dense<0.000000e+00> : vector<128x128xf32>
    %dot_general3A_73 = tpu.matmul %get3A_58, %slice3A_68, %dot_general3A_72 {dimension_numbers = #tpu.dot_dimension_numbers<[1], [0], [0], [1], [0, 0, 1, 1], [], []>, transpose_lhs_hint = false} : vector<128x128xf32>, vector<128x128xf32>, vector<128x128xf32> -> vector<128x128xf32>
    %add3A_74 = vector.broadcast %broadcast_in_dim3A_66 : vector<1x128xf32> to vector<128x128xf32>
    %add3A_75 = arith.addf %dot_general3A_73, %add3A_74 : vector<128x128xf32>
    %slice3A_76 = vector.extract_strided_slice %add3A_71 {offsets = [127, 0], sizes = [1, 128], strides = [1, 1]} : vector<128x128xf32> to vector<1x128xf32>
    %slice3A_77 = vector.extract_strided_slice %add3A_75 {offsets = [127, 0], sizes = [1, 128], strides = [1, 1]} : vector<128x128xf32> to vector<1x128xf32>
    %slice3A_78 = vector.extract_strided_slice %convert_element_type3A_60 {offsets = [128, 0], sizes = [128, 128], strides = [1, 1]} : vector<4096x128xf32> to vector<128x128xf32>
    %slice3A_79 = vector.extract_strided_slice %convert_element_type3A_62 {offsets = [128, 0], sizes = [128, 128], strides = [1, 1]} : vector<4096x128xf32> to vector<128x128xf32>
    %dot_general3A_80 = arith.constant dense<0.000000e+00> : vector<128x128xf32>
    %dot_general3A_81 = tpu.matmul %get3A_58, %slice3A_78, %dot_general3A_80 {dimension_numbers = #tpu.dot_dimension_numbers<[1], [0], [0], [1], [0, 0, 1, 1], [], []>, transpose_lhs_hint = false} : vector<128x128xf32>, vector<128x128xf32>, vector<128x128xf32> -> vector<128x128xf32>
    %add3A_82 = vector.broadcast %slice3A_76 : vector<1x128xf32> to vector<128x128xf32>
    %add3A_83 = arith.addf %dot_general3A_81, %add3A_82 : vector<128x128xf32>
    %dot_general3A_84 = arith.constant dense<0.000000e+00> : vector<128x128xf32>
    %dot_general3A_85 = tpu.matmul %get3A_58, %slice3A_79, %dot_general3A_84 {dimension_numbers = #tpu.dot_dimension_numbers<[1], [0], [0], [1], [0, 0, 1, 1], [], []>, transpose_lhs_hint = false} : vector<128x128xf32>, vector<128x128xf32>, vector<128x128xf32> -> vector<128x128xf32>
    %add3A_86 = vector.broadcast %slice3A_77 : vector<1x128xf32> to vector<128x128xf32>
    %add3A_87 = arith.addf %dot_general3A_85, %add3A_86 : vector<128x128xf32>
    %slice3A_88 = vector.extract_strided_slice %add3A_83 {offsets = [127, 0], sizes = [1, 128], strides = [1, 1]} : vector<128x128xf32> to vector<1x128xf32>
    %slice3A_89 = vector.extract_strided_slice %add3A_87 {offsets = [127, 0], sizes = [1, 128], strides = [1, 1]} : vector<128x128xf32> to vector<1x128xf32>
    %slice3A_90 = vector.extract_strided_slice %convert_element_type3A_60 {offsets = [256, 0], sizes = [128, 128], strides = [1, 1]} : vector<4096x128xf32> to vector<128x128xf32>
    %slice3A_91 = vector.extract_strided_slice %convert_element_type3A_62 {offsets = [256, 0], sizes = [128, 128], strides = [1, 1]} : vector<4096x128xf32> to vector<128x128xf32>
    %dot_general3A_92 = arith.constant dense<0.000000e+00> : vector<128x128xf32>
    %dot_general3A_93 = tpu.matmul %get3A_58, %slice3A_90, %dot_general3A_92 {dimension_numbers = #tpu.dot_dimension_numbers<[1], [0], [0], [1], [0, 0, 1, 1], [], []>, transpose_lhs_hint = false} : vector<128x128xf32>, vector<128x128xf32>, vector<128x128xf32> -> vector<128x128xf32>
    %add3A_94 = vector.broadcast %slice3A_88 : vector<1x128xf32> to vector<128x128xf32>
    %add3A_95 = arith.addf %dot_general3A_93, %add3A_94 : vector<128x128xf32>
    %dot_general3A_96 = arith.constant dense<0.000000e+00> : vector<128x128xf32>
    %dot_general3A_97 = tpu.matmul %get3A_58, %slice3A_91, %dot_general3A_96 {dimension_numbers = #tpu.dot_dimension_numbers<[1], [0], [0], [1], [0, 0, 1, 1], [], []>, transpose_lhs_hint = false} : vector<128x128xf32>, vector<128x128xf32>, vector<128x128xf32> -> vector<128x128xf32>
    %add3A_98 = vector.broadcast %slice3A_89 : vector<1x128xf32> to vector<128x128xf32>
    %add3A_99 = arith.addf %dot_general3A_97, %add3A_98 : vector<128x128xf32>
    %slice3A_100 = vector.extract_strided_slice %add3A_95 {offsets = [127, 0], sizes = [1, 128], strides = [1, 1]} : vector<128x128xf32> to vector<1x128xf32>
    %slice3A_101 = vector.extract_strided_slice %add3A_99 {offsets = [127, 0], sizes = [1, 128], strides = [1, 1]} : vector<128x128xf32> to vector<1x128xf32>
    %slice3A_102 = vector.extract_strided_slice %convert_element_type3A_60 {offsets = [384, 0], sizes = [128, 128], strides = [1, 1]} : vector<4096x128xf32> to vector<128x128xf32>
    %slice3A_103 = vector.extract_strided_slice %convert_element_type3A_62 {offsets = [384, 0], sizes = [128, 128], strides = [1, 1]} : vector<4096x128xf32> to vector<128x128xf32>
    %dot_general3A_104 = arith.constant dense<0.000000e+00> : vector<128x128xf32>
    %dot_general3A_105 = tpu.matmul %get3A_58, %slice3A_102, %dot_general3A_104 {dimension_numbers = #tpu.dot_dimension_numbers<[1], [0], [0], [1], [0, 0, 1, 1], [], []>, transpose_lhs_hint = false} : vector<128x128xf32>, vector<128x128xf32>, vector<128x128xf32> -> vector<128x128xf32>
    %add3A_106 = vector.broadcast %slice3A_100 : vector<1x128xf32> to vector<128x128xf32>
    %add3A_107 = arith.addf %dot_general3A_105, %add3A_106 : vector<128x128xf32>
    %dot_general3A_108 = arith.constant dense<0.000000e+00> : vector<128x128xf32>
    %dot_general3A_109 = tpu.matmul %get3A_58, %slice3A_103, %dot_general3A_108 {dimension_numbers = #tpu.dot_dimension_numbers<[1], [0], [0], [1], [0, 0, 1, 1], [], []>, transpose_lhs_hint = false} : vector<128x128xf32>, vector<128x128xf32>, vector<128x128xf32> -> vector<128x128xf32>
    %add3A_110 = vector.broadcast %slice3A_101 : vector<1x128xf32> to vector<128x128xf32>
    %add3A_111 = arith.addf %dot_general3A_109, %add3A_110 : vector<128x128xf32>
    %slice3A_112 = vector.extract_strided_slice %add3A_107 {offsets = [127, 0], sizes = [1, 128], strides = [1, 1]} : vector<128x128xf32> to vector<1x128xf32>
    %slice3A_113 = vector.extract_strided_slice %add3A_111 {offsets = [127, 0], sizes = [1, 128], strides = [1, 1]} : vector<128x128xf32> to vector<1x128xf32>
    %slice3A_114 = vector.extract_strided_slice %convert_element_type3A_60 {offsets = [512, 0], sizes = [128, 128], strides = [1, 1]} : vector<4096x128xf32> to vector<128x128xf32>
    %slice3A_115 = vector.extract_strided_slice %convert_element_type3A_62 {offsets = [512, 0], sizes = [128, 128], strides = [1, 1]} : vector<4096x128xf32> to vector<128x128xf32>
    %dot_general3A_116 = arith.constant dense<0.000000e+00> : vector<128x128xf32>
    %dot_general3A_117 = tpu.matmul %get3A_58, %slice3A_114, %dot_general3A_116 {dimension_numbers = #tpu.dot_dimension_numbers<[1], [0], [0], [1], [0, 0, 1, 1], [], []>, transpose_lhs_hint = false} : vector<128x128xf32>, vector<128x128xf32>, vector<128x128xf32> -> vector<128x128xf32>
    %add3A_118 = vector.broadcast %slice3A_112 : vector<1x128xf32> to vector<128x128xf32>
    %add3A_119 = arith.addf %dot_general3A_117, %add3A_118 : vector<128x128xf32>
    %dot_general3A_120 = arith.constant dense<0.000000e+00> : vector<128x128xf32>
    %dot_general3A_121 = tpu.matmul %get3A_58, %slice3A_115, %dot_general3A_120 {dimension_numbers = #tpu.dot_dimension_numbers<[1], [0], [0], [1], [0, 0, 1, 1], [], []>, transpose_lhs_hint = false} : vector<128x128xf32>, vector<128x128xf32>, vector<128x128xf32> -> vector<128x128xf32>
    %add3A_122 = vector.broadcast %slice3A_113 : vector<1x128xf32> to vector<128x128xf32>
    %add3A_123 = arith.addf %dot_general3A_121, %add3A_122 : vector<128x128xf32>
    %slice3A_124 = vector.extract_strided_slice %add3A_119 {offsets = [127, 0], sizes = [1, 128], strides = [1, 1]} : vector<128x128xf32> to vector<1x128xf32>
    %slice3A_125 = vector.extract_strided_slice %add3A_123 {offsets = [127, 0], sizes = [1, 128], strides = [1, 1]} : vector<128x128xf32> to vector<1x128xf32>
    %slice3A_126 = vector.extract_strided_slice %convert_element_type3A_60 {offsets = [640, 0], sizes = [128, 128], strides = [1, 1]} : vector<4096x128xf32> to vector<128x128xf32>
    %slice3A_127 = vector.extract_strided_slice %convert_element_type3A_62 {offsets = [640, 0], sizes = [128, 128], strides = [1, 1]} : vector<4096x128xf32> to vector<128x128xf32>
    %dot_general3A_128 = arith.constant dense<0.000000e+00> : vector<128x128xf32>
    %dot_general3A_129 = tpu.matmul %get3A_58, %slice3A_126, %dot_general3A_128 {dimension_numbers = #tpu.dot_dimension_numbers<[1], [0], [0], [1], [0, 0, 1, 1], [], []>, transpose_lhs_hint = false} : vector<128x128xf32>, vector<128x128xf32>, vector<128x128xf32> -> vector<128x128xf32>
    %add3A_130 = vector.broadcast %slice3A_124 : vector<1x128xf32> to vector<128x128xf32>
    %add3A_131 = arith.addf %dot_general3A_129, %add3A_130 : vector<128x128xf32>
    %dot_general3A_132 = arith.constant dense<0.000000e+00> : vector<128x128xf32>
    %dot_general3A_133 = tpu.matmul %get3A_58, %slice3A_127, %dot_general3A_132 {dimension_numbers = #tpu.dot_dimension_numbers<[1], [0], [0], [1], [0, 0, 1, 1], [], []>, transpose_lhs_hint = false} : vector<128x128xf32>, vector<128x128xf32>, vector<128x128xf32> -> vector<128x128xf32>
    %add3A_134 = vector.broadcast %slice3A_125 : vector<1x128xf32> to vector<128x128xf32>
    %add3A_135 = arith.addf %dot_general3A_133, %add3A_134 : vector<128x128xf32>
    %slice3A_136 = vector.extract_strided_slice %add3A_131 {offsets = [127, 0], sizes = [1, 128], strides = [1, 1]} : vector<128x128xf32> to vector<1x128xf32>
    %slice3A_137 = vector.extract_strided_slice %add3A_135 {offsets = [127, 0], sizes = [1, 128], strides = [1, 1]} : vector<128x128xf32> to vector<1x128xf32>
    %slice3A_138 = vector.extract_strided_slice %convert_element_type3A_60 {offsets = [768, 0], sizes = [128, 128], strides = [1, 1]} : vector<4096x128xf32> to vector<128x128xf32>
    %slice3A_139 = vector.extract_strided_slice %convert_element_type3A_62 {offsets = [768, 0], sizes = [128, 128], strides = [1, 1]} : vector<4096x128xf32> to vector<128x128xf32>
    %dot_general3A_140 = arith.constant dense<0.000000e+00> : vector<128x128xf32>
    %dot_general3A_141 = tpu.matmul %get3A_58, %slice3A_138, %dot_general3A_140 {dimension_numbers = #tpu.dot_dimension_numbers<[1], [0], [0], [1], [0, 0, 1, 1], [], []>, transpose_lhs_hint = false} : vector<128x128xf32>, vector<128x128xf32>, vector<128x128xf32> -> vector<128x128xf32>
    %add3A_142 = vector.broadcast %slice3A_136 : vector<1x128xf32> to vector<128x128xf32>
    %add3A_143 = arith.addf %dot_general3A_141, %add3A_142 : vector<128x128xf32>
    %dot_general3A_144 = arith.constant dense<0.000000e+00> : vector<128x128xf32>
    %dot_general3A_145 = tpu.matmul %get3A_58, %slice3A_139, %dot_general3A_144 {dimension_numbers = #tpu.dot_dimension_numbers<[1], [0], [0], [1], [0, 0, 1, 1], [], []>, transpose_lhs_hint = false} : vector<128x128xf32>, vector<128x128xf32>, vector<128x128xf32> -> vector<128x128xf32>
    %add3A_146 = vector.broadcast %slice3A_137 : vector<1x128xf32> to vector<128x128xf32>
    %add3A_147 = arith.addf %dot_general3A_145, %add3A_146 : vector<128x128xf32>
    %slice3A_148 = vector.extract_strided_slice %add3A_143 {offsets = [127, 0], sizes = [1, 128], strides = [1, 1]} : vector<128x128xf32> to vector<1x128xf32>
    %slice3A_149 = vector.extract_strided_slice %add3A_147 {offsets = [127, 0], sizes = [1, 128], strides = [1, 1]} : vector<128x128xf32> to vector<1x128xf32>
    %slice3A_150 = vector.extract_strided_slice %convert_element_type3A_60 {offsets = [896, 0], sizes = [128, 128], strides = [1, 1]} : vector<4096x128xf32> to vector<128x128xf32>
    %slice3A_151 = vector.extract_strided_slice %convert_element_type3A_62 {offsets = [896, 0], sizes = [128, 128], strides = [1, 1]} : vector<4096x128xf32> to vector<128x128xf32>
    %dot_general3A_152 = arith.constant dense<0.000000e+00> : vector<128x128xf32>
    %dot_general3A_153 = tpu.matmul %get3A_58, %slice3A_150, %dot_general3A_152 {dimension_numbers = #tpu.dot_dimension_numbers<[1], [0], [0], [1], [0, 0, 1, 1], [], []>, transpose_lhs_hint = false} : vector<128x128xf32>, vector<128x128xf32>, vector<128x128xf32> -> vector<128x128xf32>
    %add3A_154 = vector.broadcast %slice3A_148 : vector<1x128xf32> to vector<128x128xf32>
    %add3A_155 = arith.addf %dot_general3A_153, %add3A_154 : vector<128x128xf32>
    %dot_general3A_156 = arith.constant dense<0.000000e+00> : vector<128x128xf32>
    %dot_general3A_157 = tpu.matmul %get3A_58, %slice3A_151, %dot_general3A_156 {dimension_numbers = #tpu.dot_dimension_numbers<[1], [0], [0], [1], [0, 0, 1, 1], [], []>, transpose_lhs_hint = false} : vector<128x128xf32>, vector<128x128xf32>, vector<128x128xf32> -> vector<128x128xf32>
    %add3A_158 = vector.broadcast %slice3A_149 : vector<1x128xf32> to vector<128x128xf32>
    %add3A_159 = arith.addf %dot_general3A_157, %add3A_158 : vector<128x128xf32>
    %slice3A_160 = vector.extract_strided_slice %add3A_155 {offsets = [127, 0], sizes = [1, 128], strides = [1, 1]} : vector<128x128xf32> to vector<1x128xf32>
    %slice3A_161 = vector.extract_strided_slice %add3A_159 {offsets = [127, 0], sizes = [1, 128], strides = [1, 1]} : vector<128x128xf32> to vector<1x128xf32>
    %slice3A_162 = vector.extract_strided_slice %convert_element_type3A_60 {offsets = [1024, 0], sizes = [128, 128], strides = [1, 1]} : vector<4096x128xf32> to vector<128x128xf32>
    %slice3A_163 = vector.extract_strided_slice %convert_element_type3A_62 {offsets = [1024, 0], sizes = [128, 128], strides = [1, 1]} : vector<4096x128xf32> to vector<128x128xf32>
    %dot_general3A_164 = arith.constant dense<0.000000e+00> : vector<128x128xf32>
    %dot_general3A_165 = tpu.matmul %get3A_58, %slice3A_162, %dot_general3A_164 {dimension_numbers = #tpu.dot_dimension_numbers<[1], [0], [0], [1], [0, 0, 1, 1], [], []>, transpose_lhs_hint = false} : vector<128x128xf32>, vector<128x128xf32>, vector<128x128xf32> -> vector<128x128xf32>
    %add3A_166 = vector.broadcast %slice3A_160 : vector<1x128xf32> to vector<128x128xf32>
    %add3A_167 = arith.addf %dot_general3A_165, %add3A_166 : vector<128x128xf32>
    %dot_general3A_168 = arith.constant dense<0.000000e+00> : vector<128x128xf32>
    %dot_general3A_169 = tpu.matmul %get3A_58, %slice3A_163, %dot_general3A_168 {dimension_numbers = #tpu.dot_dimension_numbers<[1], [0], [0], [1], [0, 0, 1, 1], [], []>, transpose_lhs_hint = false} : vector<128x128xf32>, vector<128x128xf32>, vector<128x128xf32> -> vector<128x128xf32>
    %add3A_170 = vector.broadcast %slice3A_161 : vector<1x128xf32> to vector<128x128xf32>
    %add3A_171 = arith.addf %dot_general3A_169, %add3A_170 : vector<128x128xf32>
    %slice3A_172 = vector.extract_strided_slice %add3A_167 {offsets = [127, 0], sizes = [1, 128], strides = [1, 1]} : vector<128x128xf32> to vector<1x128xf32>
    %slice3A_173 = vector.extract_strided_slice %add3A_171 {offsets = [127, 0], sizes = [1, 128], strides = [1, 1]} : vector<128x128xf32> to vector<1x128xf32>
    %slice3A_174 = vector.extract_strided_slice %convert_element_type3A_60 {offsets = [1152, 0], sizes = [128, 128], strides = [1, 1]} : vector<4096x128xf32> to vector<128x128xf32>
    %slice3A_175 = vector.extract_strided_slice %convert_element_type3A_62 {offsets = [1152, 0], sizes = [128, 128], strides = [1, 1]} : vector<4096x128xf32> to vector<128x128xf32>
    %dot_general3A_176 = arith.constant dense<0.000000e+00> : vector<128x128xf32>
    %dot_general3A_177 = tpu.matmul %get3A_58, %slice3A_174, %dot_general3A_176 {dimension_numbers = #tpu.dot_dimension_numbers<[1], [0], [0], [1], [0, 0, 1, 1], [], []>, transpose_lhs_hint = false} : vector<128x128xf32>, vector<128x128xf32>, vector<128x128xf32> -> vector<128x128xf32>
    %add3A_178 = vector.broadcast %slice3A_172 : vector<1x128xf32> to vector<128x128xf32>
    %add3A_179 = arith.addf %dot_general3A_177, %add3A_178 : vector<128x128xf32>
    %dot_general3A_180 = arith.constant dense<0.000000e+00> : vector<128x128xf32>
    %dot_general3A_181 = tpu.matmul %get3A_58, %slice3A_175, %dot_general3A_180 {dimension_numbers = #tpu.dot_dimension_numbers<[1], [0], [0], [1], [0, 0, 1, 1], [], []>, transpose_lhs_hint = false} : vector<128x128xf32>, vector<128x128xf32>, vector<128x128xf32> -> vector<128x128xf32>
    %add3A_182 = vector.broadcast %slice3A_173 : vector<1x128xf32> to vector<128x128xf32>
    %add3A_183 = arith.addf %dot_general3A_181, %add3A_182 : vector<128x128xf32>
    %slice3A_184 = vector.extract_strided_slice %add3A_179 {offsets = [127, 0], sizes = [1, 128], strides = [1, 1]} : vector<128x128xf32> to vector<1x128xf32>
    %slice3A_185 = vector.extract_strided_slice %add3A_183 {offsets = [127, 0], sizes = [1, 128], strides = [1, 1]} : vector<128x128xf32> to vector<1x128xf32>
    %slice3A_186 = vector.extract_strided_slice %convert_element_type3A_60 {offsets = [1280, 0], sizes = [128, 128], strides = [1, 1]} : vector<4096x128xf32> to vector<128x128xf32>
    %slice3A_187 = vector.extract_strided_slice %convert_element_type3A_62 {offsets = [1280, 0], sizes = [128, 128], strides = [1, 1]} : vector<4096x128xf32> to vector<128x128xf32>
    %dot_general3A_188 = arith.constant dense<0.000000e+00> : vector<128x128xf32>
    %dot_general3A_189 = tpu.matmul %get3A_58, %slice3A_186, %dot_general3A_188 {dimension_numbers = #tpu.dot_dimension_numbers<[1], [0], [0], [1], [0, 0, 1, 1], [], []>, transpose_lhs_hint = false} : vector<128x128xf32>, vector<128x128xf32>, vector<128x128xf32> -> vector<128x128xf32>
    %add3A_190 = vector.broadcast %slice3A_184 : vector<1x128xf32> to vector<128x128xf32>
    %add3A_191 = arith.addf %dot_general3A_189, %add3A_190 : vector<128x128xf32>
    %dot_general3A_192 = arith.constant dense<0.000000e+00> : vector<128x128xf32>
    %dot_general3A_193 = tpu.matmul %get3A_58, %slice3A_187, %dot_general3A_192 {dimension_numbers = #tpu.dot_dimension_numbers<[1], [0], [0], [1], [0, 0, 1, 1], [], []>, transpose_lhs_hint = false} : vector<128x128xf32>, vector<128x128xf32>, vector<128x128xf32> -> vector<128x128xf32>
    %add3A_194 = vector.broadcast %slice3A_185 : vector<1x128xf32> to vector<128x128xf32>
    %add3A_195 = arith.addf %dot_general3A_193, %add3A_194 : vector<128x128xf32>
    %slice3A_196 = vector.extract_strided_slice %add3A_191 {offsets = [127, 0], sizes = [1, 128], strides = [1, 1]} : vector<128x128xf32> to vector<1x128xf32>
    %slice3A_197 = vector.extract_strided_slice %add3A_195 {offsets = [127, 0], sizes = [1, 128], strides = [1, 1]} : vector<128x128xf32> to vector<1x128xf32>
    %slice3A_198 = vector.extract_strided_slice %convert_element_type3A_60 {offsets = [1408, 0], sizes = [128, 128], strides = [1, 1]} : vector<4096x128xf32> to vector<128x128xf32>
    %slice3A_199 = vector.extract_strided_slice %convert_element_type3A_62 {offsets = [1408, 0], sizes = [128, 128], strides = [1, 1]} : vector<4096x128xf32> to vector<128x128xf32>
    %dot_general3A_200 = arith.constant dense<0.000000e+00> : vector<128x128xf32>
    %dot_general3A_201 = tpu.matmul %get3A_58, %slice3A_198, %dot_general3A_200 {dimension_numbers = #tpu.dot_dimension_numbers<[1], [0], [0], [1], [0, 0, 1, 1], [], []>, transpose_lhs_hint = false} : vector<128x128xf32>, vector<128x128xf32>, vector<128x128xf32> -> vector<128x128xf32>
    %add3A_202 = vector.broadcast %slice3A_196 : vector<1x128xf32> to vector<128x128xf32>
    %add3A_203 = arith.addf %dot_general3A_201, %add3A_202 : vector<128x128xf32>
    %dot_general3A_204 = arith.constant dense<0.000000e+00> : vector<128x128xf32>
    %dot_general3A_205 = tpu.matmul %get3A_58, %slice3A_199, %dot_general3A_204 {dimension_numbers = #tpu.dot_dimension_numbers<[1], [0], [0], [1], [0, 0, 1, 1], [], []>, transpose_lhs_hint = false} : vector<128x128xf32>, vector<128x128xf32>, vector<128x128xf32> -> vector<128x128xf32>
    %add3A_206 = vector.broadcast %slice3A_197 : vector<1x128xf32> to vector<128x128xf32>
    %add3A_207 = arith.addf %dot_general3A_205, %add3A_206 : vector<128x128xf32>
    %slice3A_208 = vector.extract_strided_slice %add3A_203 {offsets = [127, 0], sizes = [1, 128], strides = [1, 1]} : vector<128x128xf32> to vector<1x128xf32>
    %slice3A_209 = vector.extract_strided_slice %add3A_207 {offsets = [127, 0], sizes = [1, 128], strides = [1, 1]} : vector<128x128xf32> to vector<1x128xf32>
    %slice3A_210 = vector.extract_strided_slice %convert_element_type3A_60 {offsets = [1536, 0], sizes = [128, 128], strides = [1, 1]} : vector<4096x128xf32> to vector<128x128xf32>
    %slice3A_211 = vector.extract_strided_slice %convert_element_type3A_62 {offsets = [1536, 0], sizes = [128, 128], strides = [1, 1]} : vector<4096x128xf32> to vector<128x128xf32>
    %dot_general3A_212 = arith.constant dense<0.000000e+00> : vector<128x128xf32>
    %dot_general3A_213 = tpu.matmul %get3A_58, %slice3A_210, %dot_general3A_212 {dimension_numbers = #tpu.dot_dimension_numbers<[1], [0], [0], [1], [0, 0, 1, 1], [], []>, transpose_lhs_hint = false} : vector<128x128xf32>, vector<128x128xf32>, vector<128x128xf32> -> vector<128x128xf32>
    %add3A_214 = vector.broadcast %slice3A_208 : vector<1x128xf32> to vector<128x128xf32>
    %add3A_215 = arith.addf %dot_general3A_213, %add3A_214 : vector<128x128xf32>
    %dot_general3A_216 = arith.constant dense<0.000000e+00> : vector<128x128xf32>
    %dot_general3A_217 = tpu.matmul %get3A_58, %slice3A_211, %dot_general3A_216 {dimension_numbers = #tpu.dot_dimension_numbers<[1], [0], [0], [1], [0, 0, 1, 1], [], []>, transpose_lhs_hint = false} : vector<128x128xf32>, vector<128x128xf32>, vector<128x128xf32> -> vector<128x128xf32>
    %add3A_218 = vector.broadcast %slice3A_209 : vector<1x128xf32> to vector<128x128xf32>
    %add3A_219 = arith.addf %dot_general3A_217, %add3A_218 : vector<128x128xf32>
    %slice3A_220 = vector.extract_strided_slice %add3A_215 {offsets = [127, 0], sizes = [1, 128], strides = [1, 1]} : vector<128x128xf32> to vector<1x128xf32>
    %slice3A_221 = vector.extract_strided_slice %add3A_219 {offsets = [127, 0], sizes = [1, 128], strides = [1, 1]} : vector<128x128xf32> to vector<1x128xf32>
    %slice3A_222 = vector.extract_strided_slice %convert_element_type3A_60 {offsets = [1664, 0], sizes = [128, 128], strides = [1, 1]} : vector<4096x128xf32> to vector<128x128xf32>
    %slice3A_223 = vector.extract_strided_slice %convert_element_type3A_62 {offsets = [1664, 0], sizes = [128, 128], strides = [1, 1]} : vector<4096x128xf32> to vector<128x128xf32>
    %dot_general3A_224 = arith.constant dense<0.000000e+00> : vector<128x128xf32>
    %dot_general3A_225 = tpu.matmul %get3A_58, %slice3A_222, %dot_general3A_224 {dimension_numbers = #tpu.dot_dimension_numbers<[1], [0], [0], [1], [0, 0, 1, 1], [], []>, transpose_lhs_hint = false} : vector<128x128xf32>, vector<128x128xf32>, vector<128x128xf32> -> vector<128x128xf32>
    %add3A_226 = vector.broadcast %slice3A_220 : vector<1x128xf32> to vector<128x128xf32>
    %add3A_227 = arith.addf %dot_general3A_225, %add3A_226 : vector<128x128xf32>
    %dot_general3A_228 = arith.constant dense<0.000000e+00> : vector<128x128xf32>
    %dot_general3A_229 = tpu.matmul %get3A_58, %slice3A_223, %dot_general3A_228 {dimension_numbers = #tpu.dot_dimension_numbers<[1], [0], [0], [1], [0, 0, 1, 1], [], []>, transpose_lhs_hint = false} : vector<128x128xf32>, vector<128x128xf32>, vector<128x128xf32> -> vector<128x128xf32>
    %add3A_230 = vector.broadcast %slice3A_221 : vector<1x128xf32> to vector<128x128xf32>
    %add3A_231 = arith.addf %dot_general3A_229, %add3A_230 : vector<128x128xf32>
    %slice3A_232 = vector.extract_strided_slice %add3A_227 {offsets = [127, 0], sizes = [1, 128], strides = [1, 1]} : vector<128x128xf32> to vector<1x128xf32>
    %slice3A_233 = vector.extract_strided_slice %add3A_231 {offsets = [127, 0], sizes = [1, 128], strides = [1, 1]} : vector<128x128xf32> to vector<1x128xf32>
    %slice3A_234 = vector.extract_strided_slice %convert_element_type3A_60 {offsets = [1792, 0], sizes = [128, 128], strides = [1, 1]} : vector<4096x128xf32> to vector<128x128xf32>
    %slice3A_235 = vector.extract_strided_slice %convert_element_type3A_62 {offsets = [1792, 0], sizes = [128, 128], strides = [1, 1]} : vector<4096x128xf32> to vector<128x128xf32>
    %dot_general3A_236 = arith.constant dense<0.000000e+00> : vector<128x128xf32>
    %dot_general3A_237 = tpu.matmul %get3A_58, %slice3A_234, %dot_general3A_236 {dimension_numbers = #tpu.dot_dimension_numbers<[1], [0], [0], [1], [0, 0, 1, 1], [], []>, transpose_lhs_hint = false} : vector<128x128xf32>, vector<128x128xf32>, vector<128x128xf32> -> vector<128x128xf32>
    %add3A_238 = vector.broadcast %slice3A_232 : vector<1x128xf32> to vector<128x128xf32>
    %add3A_239 = arith.addf %dot_general3A_237, %add3A_238 : vector<128x128xf32>
    %dot_general3A_240 = arith.constant dense<0.000000e+00> : vector<128x128xf32>
    %dot_general3A_241 = tpu.matmul %get3A_58, %slice3A_235, %dot_general3A_240 {dimension_numbers = #tpu.dot_dimension_numbers<[1], [0], [0], [1], [0, 0, 1, 1], [], []>, transpose_lhs_hint = false} : vector<128x128xf32>, vector<128x128xf32>, vector<128x128xf32> -> vector<128x128xf32>
    %add3A_242 = vector.broadcast %slice3A_233 : vector<1x128xf32> to vector<128x128xf32>
    %add3A_243 = arith.addf %dot_general3A_241, %add3A_242 : vector<128x128xf32>
    %slice3A_244 = vector.extract_strided_slice %add3A_239 {offsets = [127, 0], sizes = [1, 128], strides = [1, 1]} : vector<128x128xf32> to vector<1x128xf32>
    %slice3A_245 = vector.extract_strided_slice %add3A_243 {offsets = [127, 0], sizes = [1, 128], strides = [1, 1]} : vector<128x128xf32> to vector<1x128xf32>
    %slice3A_246 = vector.extract_strided_slice %convert_element_type3A_60 {offsets = [1920, 0], sizes = [128, 128], strides = [1, 1]} : vector<4096x128xf32> to vector<128x128xf32>
    %slice3A_247 = vector.extract_strided_slice %convert_element_type3A_62 {offsets = [1920, 0], sizes = [128, 128], strides = [1, 1]} : vector<4096x128xf32> to vector<128x128xf32>
    %dot_general3A_248 = arith.constant dense<0.000000e+00> : vector<128x128xf32>
    %dot_general3A_249 = tpu.matmul %get3A_58, %slice3A_246, %dot_general3A_248 {dimension_numbers = #tpu.dot_dimension_numbers<[1], [0], [0], [1], [0, 0, 1, 1], [], []>, transpose_lhs_hint = false} : vector<128x128xf32>, vector<128x128xf32>, vector<128x128xf32> -> vector<128x128xf32>
    %add3A_250 = vector.broadcast %slice3A_244 : vector<1x128xf32> to vector<128x128xf32>
    %add3A_251 = arith.addf %dot_general3A_249, %add3A_250 : vector<128x128xf32>
    %dot_general3A_252 = arith.constant dense<0.000000e+00> : vector<128x128xf32>
    %dot_general3A_253 = tpu.matmul %get3A_58, %slice3A_247, %dot_general3A_252 {dimension_numbers = #tpu.dot_dimension_numbers<[1], [0], [0], [1], [0, 0, 1, 1], [], []>, transpose_lhs_hint = false} : vector<128x128xf32>, vector<128x128xf32>, vector<128x128xf32> -> vector<128x128xf32>
    %add3A_254 = vector.broadcast %slice3A_245 : vector<1x128xf32> to vector<128x128xf32>
    %add3A_255 = arith.addf %dot_general3A_253, %add3A_254 : vector<128x128xf32>
    %slice3A_256 = vector.extract_strided_slice %add3A_251 {offsets = [127, 0], sizes = [1, 128], strides = [1, 1]} : vector<128x128xf32> to vector<1x128xf32>
    %slice3A_257 = vector.extract_strided_slice %add3A_255 {offsets = [127, 0], sizes = [1, 128], strides = [1, 1]} : vector<128x128xf32> to vector<1x128xf32>
    %slice3A_258 = vector.extract_strided_slice %convert_element_type3A_60 {offsets = [2048, 0], sizes = [128, 128], strides = [1, 1]} : vector<4096x128xf32> to vector<128x128xf32>
    %slice3A_259 = vector.extract_strided_slice %convert_element_type3A_62 {offsets = [2048, 0], sizes = [128, 128], strides = [1, 1]} : vector<4096x128xf32> to vector<128x128xf32>
    %dot_general3A_260 = arith.constant dense<0.000000e+00> : vector<128x128xf32>
    %dot_general3A_261 = tpu.matmul %get3A_58, %slice3A_258, %dot_general3A_260 {dimension_numbers = #tpu.dot_dimension_numbers<[1], [0], [0], [1], [0, 0, 1, 1], [], []>, transpose_lhs_hint = false} : vector<128x128xf32>, vector<128x128xf32>, vector<128x128xf32> -> vector<128x128xf32>
    %add3A_262 = vector.broadcast %slice3A_256 : vector<1x128xf32> to vector<128x128xf32>
    %add3A_263 = arith.addf %dot_general3A_261, %add3A_262 : vector<128x128xf32>
    %dot_general3A_264 = arith.constant dense<0.000000e+00> : vector<128x128xf32>
    %dot_general3A_265 = tpu.matmul %get3A_58, %slice3A_259, %dot_general3A_264 {dimension_numbers = #tpu.dot_dimension_numbers<[1], [0], [0], [1], [0, 0, 1, 1], [], []>, transpose_lhs_hint = false} : vector<128x128xf32>, vector<128x128xf32>, vector<128x128xf32> -> vector<128x128xf32>
    %add3A_266 = vector.broadcast %slice3A_257 : vector<1x128xf32> to vector<128x128xf32>
    %add3A_267 = arith.addf %dot_general3A_265, %add3A_266 : vector<128x128xf32>
    %slice3A_268 = vector.extract_strided_slice %add3A_263 {offsets = [127, 0], sizes = [1, 128], strides = [1, 1]} : vector<128x128xf32> to vector<1x128xf32>
    %slice3A_269 = vector.extract_strided_slice %add3A_267 {offsets = [127, 0], sizes = [1, 128], strides = [1, 1]} : vector<128x128xf32> to vector<1x128xf32>
    %slice3A_270 = vector.extract_strided_slice %convert_element_type3A_60 {offsets = [2176, 0], sizes = [128, 128], strides = [1, 1]} : vector<4096x128xf32> to vector<128x128xf32>
    %slice3A_271 = vector.extract_strided_slice %convert_element_type3A_62 {offsets = [2176, 0], sizes = [128, 128], strides = [1, 1]} : vector<4096x128xf32> to vector<128x128xf32>
    %dot_general3A_272 = arith.constant dense<0.000000e+00> : vector<128x128xf32>
    %dot_general3A_273 = tpu.matmul %get3A_58, %slice3A_270, %dot_general3A_272 {dimension_numbers = #tpu.dot_dimension_numbers<[1], [0], [0], [1], [0, 0, 1, 1], [], []>, transpose_lhs_hint = false} : vector<128x128xf32>, vector<128x128xf32>, vector<128x128xf32> -> vector<128x128xf32>
    %add3A_274 = vector.broadcast %slice3A_268 : vector<1x128xf32> to vector<128x128xf32>
    %add3A_275 = arith.addf %dot_general3A_273, %add3A_274 : vector<128x128xf32>
    %dot_general3A_276 = arith.constant dense<0.000000e+00> : vector<128x128xf32>
    %dot_general3A_277 = tpu.matmul %get3A_58, %slice3A_271, %dot_general3A_276 {dimension_numbers = #tpu.dot_dimension_numbers<[1], [0], [0], [1], [0, 0, 1, 1], [], []>, transpose_lhs_hint = false} : vector<128x128xf32>, vector<128x128xf32>, vector<128x128xf32> -> vector<128x128xf32>
    %add3A_278 = vector.broadcast %slice3A_269 : vector<1x128xf32> to vector<128x128xf32>
    %add3A_279 = arith.addf %dot_general3A_277, %add3A_278 : vector<128x128xf32>
    %slice3A_280 = vector.extract_strided_slice %add3A_275 {offsets = [127, 0], sizes = [1, 128], strides = [1, 1]} : vector<128x128xf32> to vector<1x128xf32>
    %slice3A_281 = vector.extract_strided_slice %add3A_279 {offsets = [127, 0], sizes = [1, 128], strides = [1, 1]} : vector<128x128xf32> to vector<1x128xf32>
    %slice3A_282 = vector.extract_strided_slice %convert_element_type3A_60 {offsets = [2304, 0], sizes = [128, 128], strides = [1, 1]} : vector<4096x128xf32> to vector<128x128xf32>
    %slice3A_283 = vector.extract_strided_slice %convert_element_type3A_62 {offsets = [2304, 0], sizes = [128, 128], strides = [1, 1]} : vector<4096x128xf32> to vector<128x128xf32>
    %dot_general3A_284 = arith.constant dense<0.000000e+00> : vector<128x128xf32>
    %dot_general3A_285 = tpu.matmul %get3A_58, %slice3A_282, %dot_general3A_284 {dimension_numbers = #tpu.dot_dimension_numbers<[1], [0], [0], [1], [0, 0, 1, 1], [], []>, transpose_lhs_hint = false} : vector<128x128xf32>, vector<128x128xf32>, vector<128x128xf32> -> vector<128x128xf32>
    %add3A_286 = vector.broadcast %slice3A_280 : vector<1x128xf32> to vector<128x128xf32>
    %add3A_287 = arith.addf %dot_general3A_285, %add3A_286 : vector<128x128xf32>
    %dot_general3A_288 = arith.constant dense<0.000000e+00> : vector<128x128xf32>
    %dot_general3A_289 = tpu.matmul %get3A_58, %slice3A_283, %dot_general3A_288 {dimension_numbers = #tpu.dot_dimension_numbers<[1], [0], [0], [1], [0, 0, 1, 1], [], []>, transpose_lhs_hint = false} : vector<128x128xf32>, vector<128x128xf32>, vector<128x128xf32> -> vector<128x128xf32>
    %add3A_290 = vector.broadcast %slice3A_281 : vector<1x128xf32> to vector<128x128xf32>
    %add3A_291 = arith.addf %dot_general3A_289, %add3A_290 : vector<128x128xf32>
    %slice3A_292 = vector.extract_strided_slice %add3A_287 {offsets = [127, 0], sizes = [1, 128], strides = [1, 1]} : vector<128x128xf32> to vector<1x128xf32>
    %slice3A_293 = vector.extract_strided_slice %add3A_291 {offsets = [127, 0], sizes = [1, 128], strides = [1, 1]} : vector<128x128xf32> to vector<1x128xf32>
    %slice3A_294 = vector.extract_strided_slice %convert_element_type3A_60 {offsets = [2432, 0], sizes = [128, 128], strides = [1, 1]} : vector<4096x128xf32> to vector<128x128xf32>
    %slice3A_295 = vector.extract_strided_slice %convert_element_type3A_62 {offsets = [2432, 0], sizes = [128, 128], strides = [1, 1]} : vector<4096x128xf32> to vector<128x128xf32>
    %dot_general3A_296 = arith.constant dense<0.000000e+00> : vector<128x128xf32>
    %dot_general3A_297 = tpu.matmul %get3A_58, %slice3A_294, %dot_general3A_296 {dimension_numbers = #tpu.dot_dimension_numbers<[1], [0], [0], [1], [0, 0, 1, 1], [], []>, transpose_lhs_hint = false} : vector<128x128xf32>, vector<128x128xf32>, vector<128x128xf32> -> vector<128x128xf32>
    %add3A_298 = vector.broadcast %slice3A_292 : vector<1x128xf32> to vector<128x128xf32>
    %add3A_299 = arith.addf %dot_general3A_297, %add3A_298 : vector<128x128xf32>
    %dot_general3A_300 = arith.constant dense<0.000000e+00> : vector<128x128xf32>
    %dot_general3A_301 = tpu.matmul %get3A_58, %slice3A_295, %dot_general3A_300 {dimension_numbers = #tpu.dot_dimension_numbers<[1], [0], [0], [1], [0, 0, 1, 1], [], []>, transpose_lhs_hint = false} : vector<128x128xf32>, vector<128x128xf32>, vector<128x128xf32> -> vector<128x128xf32>
    %add3A_302 = vector.broadcast %slice3A_293 : vector<1x128xf32> to vector<128x128xf32>
    %add3A_303 = arith.addf %dot_general3A_301, %add3A_302 : vector<128x128xf32>
    %slice3A_304 = vector.extract_strided_slice %add3A_299 {offsets = [127, 0], sizes = [1, 128], strides = [1, 1]} : vector<128x128xf32> to vector<1x128xf32>
    %slice3A_305 = vector.extract_strided_slice %add3A_303 {offsets = [127, 0], sizes = [1, 128], strides = [1, 1]} : vector<128x128xf32> to vector<1x128xf32>
    %slice3A_306 = vector.extract_strided_slice %convert_element_type3A_60 {offsets = [2560, 0], sizes = [128, 128], strides = [1, 1]} : vector<4096x128xf32> to vector<128x128xf32>
    %slice3A_307 = vector.extract_strided_slice %convert_element_type3A_62 {offsets = [2560, 0], sizes = [128, 128], strides = [1, 1]} : vector<4096x128xf32> to vector<128x128xf32>
    %dot_general3A_308 = arith.constant dense<0.000000e+00> : vector<128x128xf32>
    %dot_general3A_309 = tpu.matmul %get3A_58, %slice3A_306, %dot_general3A_308 {dimension_numbers = #tpu.dot_dimension_numbers<[1], [0], [0], [1], [0, 0, 1, 1], [], []>, transpose_lhs_hint = false} : vector<128x128xf32>, vector<128x128xf32>, vector<128x128xf32> -> vector<128x128xf32>
    %add3A_310 = vector.broadcast %slice3A_304 : vector<1x128xf32> to vector<128x128xf32>
    %add3A_311 = arith.addf %dot_general3A_309, %add3A_310 : vector<128x128xf32>
    %dot_general3A_312 = arith.constant dense<0.000000e+00> : vector<128x128xf32>
    %dot_general3A_313 = tpu.matmul %get3A_58, %slice3A_307, %dot_general3A_312 {dimension_numbers = #tpu.dot_dimension_numbers<[1], [0], [0], [1], [0, 0, 1, 1], [], []>, transpose_lhs_hint = false} : vector<128x128xf32>, vector<128x128xf32>, vector<128x128xf32> -> vector<128x128xf32>
    %add3A_314 = vector.broadcast %slice3A_305 : vector<1x128xf32> to vector<128x128xf32>
    %add3A_315 = arith.addf %dot_general3A_313, %add3A_314 : vector<128x128xf32>
    %slice3A_316 = vector.extract_strided_slice %add3A_311 {offsets = [127, 0], sizes = [1, 128], strides = [1, 1]} : vector<128x128xf32> to vector<1x128xf32>
    %slice3A_317 = vector.extract_strided_slice %add3A_315 {offsets = [127, 0], sizes = [1, 128], strides = [1, 1]} : vector<128x128xf32> to vector<1x128xf32>
    %slice3A_318 = vector.extract_strided_slice %convert_element_type3A_60 {offsets = [2688, 0], sizes = [128, 128], strides = [1, 1]} : vector<4096x128xf32> to vector<128x128xf32>
    %slice3A_319 = vector.extract_strided_slice %convert_element_type3A_62 {offsets = [2688, 0], sizes = [128, 128], strides = [1, 1]} : vector<4096x128xf32> to vector<128x128xf32>
    %dot_general3A_320 = arith.constant dense<0.000000e+00> : vector<128x128xf32>
    %dot_general3A_321 = tpu.matmul %get3A_58, %slice3A_318, %dot_general3A_320 {dimension_numbers = #tpu.dot_dimension_numbers<[1], [0], [0], [1], [0, 0, 1, 1], [], []>, transpose_lhs_hint = false} : vector<128x128xf32>, vector<128x128xf32>, vector<128x128xf32> -> vector<128x128xf32>
    %add3A_322 = vector.broadcast %slice3A_316 : vector<1x128xf32> to vector<128x128xf32>
    %add3A_323 = arith.addf %dot_general3A_321, %add3A_322 : vector<128x128xf32>
    %dot_general3A_324 = arith.constant dense<0.000000e+00> : vector<128x128xf32>
    %dot_general3A_325 = tpu.matmul %get3A_58, %slice3A_319, %dot_general3A_324 {dimension_numbers = #tpu.dot_dimension_numbers<[1], [0], [0], [1], [0, 0, 1, 1], [], []>, transpose_lhs_hint = false} : vector<128x128xf32>, vector<128x128xf32>, vector<128x128xf32> -> vector<128x128xf32>
    %add3A_326 = vector.broadcast %slice3A_317 : vector<1x128xf32> to vector<128x128xf32>
    %add3A_327 = arith.addf %dot_general3A_325, %add3A_326 : vector<128x128xf32>
    %slice3A_328 = vector.extract_strided_slice %add3A_323 {offsets = [127, 0], sizes = [1, 128], strides = [1, 1]} : vector<128x128xf32> to vector<1x128xf32>
    %slice3A_329 = vector.extract_strided_slice %add3A_327 {offsets = [127, 0], sizes = [1, 128], strides = [1, 1]} : vector<128x128xf32> to vector<1x128xf32>
    %slice3A_330 = vector.extract_strided_slice %convert_element_type3A_60 {offsets = [2816, 0], sizes = [128, 128], strides = [1, 1]} : vector<4096x128xf32> to vector<128x128xf32>
    %slice3A_331 = vector.extract_strided_slice %convert_element_type3A_62 {offsets = [2816, 0], sizes = [128, 128], strides = [1, 1]} : vector<4096x128xf32> to vector<128x128xf32>
    %dot_general3A_332 = arith.constant dense<0.000000e+00> : vector<128x128xf32>
    %dot_general3A_333 = tpu.matmul %get3A_58, %slice3A_330, %dot_general3A_332 {dimension_numbers = #tpu.dot_dimension_numbers<[1], [0], [0], [1], [0, 0, 1, 1], [], []>, transpose_lhs_hint = false} : vector<128x128xf32>, vector<128x128xf32>, vector<128x128xf32> -> vector<128x128xf32>
    %add3A_334 = vector.broadcast %slice3A_328 : vector<1x128xf32> to vector<128x128xf32>
    %add3A_335 = arith.addf %dot_general3A_333, %add3A_334 : vector<128x128xf32>
    %dot_general3A_336 = arith.constant dense<0.000000e+00> : vector<128x128xf32>
    %dot_general3A_337 = tpu.matmul %get3A_58, %slice3A_331, %dot_general3A_336 {dimension_numbers = #tpu.dot_dimension_numbers<[1], [0], [0], [1], [0, 0, 1, 1], [], []>, transpose_lhs_hint = false} : vector<128x128xf32>, vector<128x128xf32>, vector<128x128xf32> -> vector<128x128xf32>
    %add3A_338 = vector.broadcast %slice3A_329 : vector<1x128xf32> to vector<128x128xf32>
    %add3A_339 = arith.addf %dot_general3A_337, %add3A_338 : vector<128x128xf32>
    %slice3A_340 = vector.extract_strided_slice %add3A_335 {offsets = [127, 0], sizes = [1, 128], strides = [1, 1]} : vector<128x128xf32> to vector<1x128xf32>
    %slice3A_341 = vector.extract_strided_slice %add3A_339 {offsets = [127, 0], sizes = [1, 128], strides = [1, 1]} : vector<128x128xf32> to vector<1x128xf32>
    %slice3A_342 = vector.extract_strided_slice %convert_element_type3A_60 {offsets = [2944, 0], sizes = [128, 128], strides = [1, 1]} : vector<4096x128xf32> to vector<128x128xf32>
    %slice3A_343 = vector.extract_strided_slice %convert_element_type3A_62 {offsets = [2944, 0], sizes = [128, 128], strides = [1, 1]} : vector<4096x128xf32> to vector<128x128xf32>
    %dot_general3A_344 = arith.constant dense<0.000000e+00> : vector<128x128xf32>
    %dot_general3A_345 = tpu.matmul %get3A_58, %slice3A_342, %dot_general3A_344 {dimension_numbers = #tpu.dot_dimension_numbers<[1], [0], [0], [1], [0, 0, 1, 1], [], []>, transpose_lhs_hint = false} : vector<128x128xf32>, vector<128x128xf32>, vector<128x128xf32> -> vector<128x128xf32>
    %add3A_346 = vector.broadcast %slice3A_340 : vector<1x128xf32> to vector<128x128xf32>
    %add3A_347 = arith.addf %dot_general3A_345, %add3A_346 : vector<128x128xf32>
    %dot_general3A_348 = arith.constant dense<0.000000e+00> : vector<128x128xf32>
    %dot_general3A_349 = tpu.matmul %get3A_58, %slice3A_343, %dot_general3A_348 {dimension_numbers = #tpu.dot_dimension_numbers<[1], [0], [0], [1], [0, 0, 1, 1], [], []>, transpose_lhs_hint = false} : vector<128x128xf32>, vector<128x128xf32>, vector<128x128xf32> -> vector<128x128xf32>
    %add3A_350 = vector.broadcast %slice3A_341 : vector<1x128xf32> to vector<128x128xf32>
    %add3A_351 = arith.addf %dot_general3A_349, %add3A_350 : vector<128x128xf32>
    %slice3A_352 = vector.extract_strided_slice %add3A_347 {offsets = [127, 0], sizes = [1, 128], strides = [1, 1]} : vector<128x128xf32> to vector<1x128xf32>
    %slice3A_353 = vector.extract_strided_slice %add3A_351 {offsets = [127, 0], sizes = [1, 128], strides = [1, 1]} : vector<128x128xf32> to vector<1x128xf32>
    %slice3A_354 = vector.extract_strided_slice %convert_element_type3A_60 {offsets = [3072, 0], sizes = [128, 128], strides = [1, 1]} : vector<4096x128xf32> to vector<128x128xf32>
    %slice3A_355 = vector.extract_strided_slice %convert_element_type3A_62 {offsets = [3072, 0], sizes = [128, 128], strides = [1, 1]} : vector<4096x128xf32> to vector<128x128xf32>
    %dot_general3A_356 = arith.constant dense<0.000000e+00> : vector<128x128xf32>
    %dot_general3A_357 = tpu.matmul %get3A_58, %slice3A_354, %dot_general3A_356 {dimension_numbers = #tpu.dot_dimension_numbers<[1], [0], [0], [1], [0, 0, 1, 1], [], []>, transpose_lhs_hint = false} : vector<128x128xf32>, vector<128x128xf32>, vector<128x128xf32> -> vector<128x128xf32>
    %add3A_358 = vector.broadcast %slice3A_352 : vector<1x128xf32> to vector<128x128xf32>
    %add3A_359 = arith.addf %dot_general3A_357, %add3A_358 : vector<128x128xf32>
    %dot_general3A_360 = arith.constant dense<0.000000e+00> : vector<128x128xf32>
    %dot_general3A_361 = tpu.matmul %get3A_58, %slice3A_355, %dot_general3A_360 {dimension_numbers = #tpu.dot_dimension_numbers<[1], [0], [0], [1], [0, 0, 1, 1], [], []>, transpose_lhs_hint = false} : vector<128x128xf32>, vector<128x128xf32>, vector<128x128xf32> -> vector<128x128xf32>
    %add3A_362 = vector.broadcast %slice3A_353 : vector<1x128xf32> to vector<128x128xf32>
    %add3A_363 = arith.addf %dot_general3A_361, %add3A_362 : vector<128x128xf32>
    %slice3A_364 = vector.extract_strided_slice %add3A_359 {offsets = [127, 0], sizes = [1, 128], strides = [1, 1]} : vector<128x128xf32> to vector<1x128xf32>
    %slice3A_365 = vector.extract_strided_slice %add3A_363 {offsets = [127, 0], sizes = [1, 128], strides = [1, 1]} : vector<128x128xf32> to vector<1x128xf32>
    %slice3A_366 = vector.extract_strided_slice %convert_element_type3A_60 {offsets = [3200, 0], sizes = [128, 128], strides = [1, 1]} : vector<4096x128xf32> to vector<128x128xf32>
    %slice3A_367 = vector.extract_strided_slice %convert_element_type3A_62 {offsets = [3200, 0], sizes = [128, 128], strides = [1, 1]} : vector<4096x128xf32> to vector<128x128xf32>
    %dot_general3A_368 = arith.constant dense<0.000000e+00> : vector<128x128xf32>
    %dot_general3A_369 = tpu.matmul %get3A_58, %slice3A_366, %dot_general3A_368 {dimension_numbers = #tpu.dot_dimension_numbers<[1], [0], [0], [1], [0, 0, 1, 1], [], []>, transpose_lhs_hint = false} : vector<128x128xf32>, vector<128x128xf32>, vector<128x128xf32> -> vector<128x128xf32>
    %add3A_370 = vector.broadcast %slice3A_364 : vector<1x128xf32> to vector<128x128xf32>
    %add3A_371 = arith.addf %dot_general3A_369, %add3A_370 : vector<128x128xf32>
    %dot_general3A_372 = arith.constant dense<0.000000e+00> : vector<128x128xf32>
    %dot_general3A_373 = tpu.matmul %get3A_58, %slice3A_367, %dot_general3A_372 {dimension_numbers = #tpu.dot_dimension_numbers<[1], [0], [0], [1], [0, 0, 1, 1], [], []>, transpose_lhs_hint = false} : vector<128x128xf32>, vector<128x128xf32>, vector<128x128xf32> -> vector<128x128xf32>
    %add3A_374 = vector.broadcast %slice3A_365 : vector<1x128xf32> to vector<128x128xf32>
    %add3A_375 = arith.addf %dot_general3A_373, %add3A_374 : vector<128x128xf32>
    %slice3A_376 = vector.extract_strided_slice %add3A_371 {offsets = [127, 0], sizes = [1, 128], strides = [1, 1]} : vector<128x128xf32> to vector<1x128xf32>
    %slice3A_377 = vector.extract_strided_slice %add3A_375 {offsets = [127, 0], sizes = [1, 128], strides = [1, 1]} : vector<128x128xf32> to vector<1x128xf32>
    %slice3A_378 = vector.extract_strided_slice %convert_element_type3A_60 {offsets = [3328, 0], sizes = [128, 128], strides = [1, 1]} : vector<4096x128xf32> to vector<128x128xf32>
    %slice3A_379 = vector.extract_strided_slice %convert_element_type3A_62 {offsets = [3328, 0], sizes = [128, 128], strides = [1, 1]} : vector<4096x128xf32> to vector<128x128xf32>
    %dot_general3A_380 = arith.constant dense<0.000000e+00> : vector<128x128xf32>
    %dot_general3A_381 = tpu.matmul %get3A_58, %slice3A_378, %dot_general3A_380 {dimension_numbers = #tpu.dot_dimension_numbers<[1], [0], [0], [1], [0, 0, 1, 1], [], []>, transpose_lhs_hint = false} : vector<128x128xf32>, vector<128x128xf32>, vector<128x128xf32> -> vector<128x128xf32>
    %add3A_382 = vector.broadcast %slice3A_376 : vector<1x128xf32> to vector<128x128xf32>
    %add3A_383 = arith.addf %dot_general3A_381, %add3A_382 : vector<128x128xf32>
    %dot_general3A_384 = arith.constant dense<0.000000e+00> : vector<128x128xf32>
    %dot_general3A_385 = tpu.matmul %get3A_58, %slice3A_379, %dot_general3A_384 {dimension_numbers = #tpu.dot_dimension_numbers<[1], [0], [0], [1], [0, 0, 1, 1], [], []>, transpose_lhs_hint = false} : vector<128x128xf32>, vector<128x128xf32>, vector<128x128xf32> -> vector<128x128xf32>
    %add3A_386 = vector.broadcast %slice3A_377 : vector<1x128xf32> to vector<128x128xf32>
    %add3A_387 = arith.addf %dot_general3A_385, %add3A_386 : vector<128x128xf32>
    %slice3A_388 = vector.extract_strided_slice %add3A_383 {offsets = [127, 0], sizes = [1, 128], strides = [1, 1]} : vector<128x128xf32> to vector<1x128xf32>
    %slice3A_389 = vector.extract_strided_slice %add3A_387 {offsets = [127, 0], sizes = [1, 128], strides = [1, 1]} : vector<128x128xf32> to vector<1x128xf32>
    %slice3A_390 = vector.extract_strided_slice %convert_element_type3A_60 {offsets = [3456, 0], sizes = [128, 128], strides = [1, 1]} : vector<4096x128xf32> to vector<128x128xf32>
    %slice3A_391 = vector.extract_strided_slice %convert_element_type3A_62 {offsets = [3456, 0], sizes = [128, 128], strides = [1, 1]} : vector<4096x128xf32> to vector<128x128xf32>
    %dot_general3A_392 = arith.constant dense<0.000000e+00> : vector<128x128xf32>
    %dot_general3A_393 = tpu.matmul %get3A_58, %slice3A_390, %dot_general3A_392 {dimension_numbers = #tpu.dot_dimension_numbers<[1], [0], [0], [1], [0, 0, 1, 1], [], []>, transpose_lhs_hint = false} : vector<128x128xf32>, vector<128x128xf32>, vector<128x128xf32> -> vector<128x128xf32>
    %add3A_394 = vector.broadcast %slice3A_388 : vector<1x128xf32> to vector<128x128xf32>
    %add3A_395 = arith.addf %dot_general3A_393, %add3A_394 : vector<128x128xf32>
    %dot_general3A_396 = arith.constant dense<0.000000e+00> : vector<128x128xf32>
    %dot_general3A_397 = tpu.matmul %get3A_58, %slice3A_391, %dot_general3A_396 {dimension_numbers = #tpu.dot_dimension_numbers<[1], [0], [0], [1], [0, 0, 1, 1], [], []>, transpose_lhs_hint = false} : vector<128x128xf32>, vector<128x128xf32>, vector<128x128xf32> -> vector<128x128xf32>
    %add3A_398 = vector.broadcast %slice3A_389 : vector<1x128xf32> to vector<128x128xf32>
    %add3A_399 = arith.addf %dot_general3A_397, %add3A_398 : vector<128x128xf32>
    %slice3A_400 = vector.extract_strided_slice %add3A_395 {offsets = [127, 0], sizes = [1, 128], strides = [1, 1]} : vector<128x128xf32> to vector<1x128xf32>
    %slice3A_401 = vector.extract_strided_slice %add3A_399 {offsets = [127, 0], sizes = [1, 128], strides = [1, 1]} : vector<128x128xf32> to vector<1x128xf32>
    %slice3A_402 = vector.extract_strided_slice %convert_element_type3A_60 {offsets = [3584, 0], sizes = [128, 128], strides = [1, 1]} : vector<4096x128xf32> to vector<128x128xf32>
    %slice3A_403 = vector.extract_strided_slice %convert_element_type3A_62 {offsets = [3584, 0], sizes = [128, 128], strides = [1, 1]} : vector<4096x128xf32> to vector<128x128xf32>
    %dot_general3A_404 = arith.constant dense<0.000000e+00> : vector<128x128xf32>
    %dot_general3A_405 = tpu.matmul %get3A_58, %slice3A_402, %dot_general3A_404 {dimension_numbers = #tpu.dot_dimension_numbers<[1], [0], [0], [1], [0, 0, 1, 1], [], []>, transpose_lhs_hint = false} : vector<128x128xf32>, vector<128x128xf32>, vector<128x128xf32> -> vector<128x128xf32>
    %add3A_406 = vector.broadcast %slice3A_400 : vector<1x128xf32> to vector<128x128xf32>
    %add3A_407 = arith.addf %dot_general3A_405, %add3A_406 : vector<128x128xf32>
    %dot_general3A_408 = arith.constant dense<0.000000e+00> : vector<128x128xf32>
    %dot_general3A_409 = tpu.matmul %get3A_58, %slice3A_403, %dot_general3A_408 {dimension_numbers = #tpu.dot_dimension_numbers<[1], [0], [0], [1], [0, 0, 1, 1], [], []>, transpose_lhs_hint = false} : vector<128x128xf32>, vector<128x128xf32>, vector<128x128xf32> -> vector<128x128xf32>
    %add3A_410 = vector.broadcast %slice3A_401 : vector<1x128xf32> to vector<128x128xf32>
    %add3A_411 = arith.addf %dot_general3A_409, %add3A_410 : vector<128x128xf32>
    %slice3A_412 = vector.extract_strided_slice %add3A_407 {offsets = [127, 0], sizes = [1, 128], strides = [1, 1]} : vector<128x128xf32> to vector<1x128xf32>
    %slice3A_413 = vector.extract_strided_slice %add3A_411 {offsets = [127, 0], sizes = [1, 128], strides = [1, 1]} : vector<128x128xf32> to vector<1x128xf32>
    %slice3A_414 = vector.extract_strided_slice %convert_element_type3A_60 {offsets = [3712, 0], sizes = [128, 128], strides = [1, 1]} : vector<4096x128xf32> to vector<128x128xf32>
    %slice3A_415 = vector.extract_strided_slice %convert_element_type3A_62 {offsets = [3712, 0], sizes = [128, 128], strides = [1, 1]} : vector<4096x128xf32> to vector<128x128xf32>
    %dot_general3A_416 = arith.constant dense<0.000000e+00> : vector<128x128xf32>
    %dot_general3A_417 = tpu.matmul %get3A_58, %slice3A_414, %dot_general3A_416 {dimension_numbers = #tpu.dot_dimension_numbers<[1], [0], [0], [1], [0, 0, 1, 1], [], []>, transpose_lhs_hint = false} : vector<128x128xf32>, vector<128x128xf32>, vector<128x128xf32> -> vector<128x128xf32>
    %add3A_418 = vector.broadcast %slice3A_412 : vector<1x128xf32> to vector<128x128xf32>
    %add3A_419 = arith.addf %dot_general3A_417, %add3A_418 : vector<128x128xf32>
    %dot_general3A_420 = arith.constant dense<0.000000e+00> : vector<128x128xf32>
    %dot_general3A_421 = tpu.matmul %get3A_58, %slice3A_415, %dot_general3A_420 {dimension_numbers = #tpu.dot_dimension_numbers<[1], [0], [0], [1], [0, 0, 1, 1], [], []>, transpose_lhs_hint = false} : vector<128x128xf32>, vector<128x128xf32>, vector<128x128xf32> -> vector<128x128xf32>
    %add3A_422 = vector.broadcast %slice3A_413 : vector<1x128xf32> to vector<128x128xf32>
    %add3A_423 = arith.addf %dot_general3A_421, %add3A_422 : vector<128x128xf32>
    %slice3A_424 = vector.extract_strided_slice %add3A_419 {offsets = [127, 0], sizes = [1, 128], strides = [1, 1]} : vector<128x128xf32> to vector<1x128xf32>
    %slice3A_425 = vector.extract_strided_slice %add3A_423 {offsets = [127, 0], sizes = [1, 128], strides = [1, 1]} : vector<128x128xf32> to vector<1x128xf32>
    %slice3A_426 = vector.extract_strided_slice %convert_element_type3A_60 {offsets = [3840, 0], sizes = [128, 128], strides = [1, 1]} : vector<4096x128xf32> to vector<128x128xf32>
    %slice3A_427 = vector.extract_strided_slice %convert_element_type3A_62 {offsets = [3840, 0], sizes = [128, 128], strides = [1, 1]} : vector<4096x128xf32> to vector<128x128xf32>
    %dot_general3A_428 = arith.constant dense<0.000000e+00> : vector<128x128xf32>
    %dot_general3A_429 = tpu.matmul %get3A_58, %slice3A_426, %dot_general3A_428 {dimension_numbers = #tpu.dot_dimension_numbers<[1], [0], [0], [1], [0, 0, 1, 1], [], []>, transpose_lhs_hint = false} : vector<128x128xf32>, vector<128x128xf32>, vector<128x128xf32> -> vector<128x128xf32>
    %add3A_430 = vector.broadcast %slice3A_424 : vector<1x128xf32> to vector<128x128xf32>
    %add3A_431 = arith.addf %dot_general3A_429, %add3A_430 : vector<128x128xf32>
    %dot_general3A_432 = arith.constant dense<0.000000e+00> : vector<128x128xf32>
    %dot_general3A_433 = tpu.matmul %get3A_58, %slice3A_427, %dot_general3A_432 {dimension_numbers = #tpu.dot_dimension_numbers<[1], [0], [0], [1], [0, 0, 1, 1], [], []>, transpose_lhs_hint = false} : vector<128x128xf32>, vector<128x128xf32>, vector<128x128xf32> -> vector<128x128xf32>
    %add3A_434 = vector.broadcast %slice3A_425 : vector<1x128xf32> to vector<128x128xf32>
    %add3A_435 = arith.addf %dot_general3A_433, %add3A_434 : vector<128x128xf32>
    %slice3A_436 = vector.extract_strided_slice %add3A_431 {offsets = [127, 0], sizes = [1, 128], strides = [1, 1]} : vector<128x128xf32> to vector<1x128xf32>
    %slice3A_437 = vector.extract_strided_slice %add3A_435 {offsets = [127, 0], sizes = [1, 128], strides = [1, 1]} : vector<128x128xf32> to vector<1x128xf32>
    %slice3A_438 = vector.extract_strided_slice %convert_element_type3A_60 {offsets = [3968, 0], sizes = [128, 128], strides = [1, 1]} : vector<4096x128xf32> to vector<128x128xf32>
    %slice3A_439 = vector.extract_strided_slice %convert_element_type3A_62 {offsets = [3968, 0], sizes = [128, 128], strides = [1, 1]} : vector<4096x128xf32> to vector<128x128xf32>
    %dot_general3A_440 = arith.constant dense<0.000000e+00> : vector<128x128xf32>
    %dot_general3A_441 = tpu.matmul %get3A_58, %slice3A_438, %dot_general3A_440 {dimension_numbers = #tpu.dot_dimension_numbers<[1], [0], [0], [1], [0, 0, 1, 1], [], []>, transpose_lhs_hint = false} : vector<128x128xf32>, vector<128x128xf32>, vector<128x128xf32> -> vector<128x128xf32>
    %add3A_442 = vector.broadcast %slice3A_436 : vector<1x128xf32> to vector<128x128xf32>
    %add3A_443 = arith.addf %dot_general3A_441, %add3A_442 : vector<128x128xf32>
    %dot_general3A_444 = arith.constant dense<0.000000e+00> : vector<128x128xf32>
    %dot_general3A_445 = tpu.matmul %get3A_58, %slice3A_439, %dot_general3A_444 {dimension_numbers = #tpu.dot_dimension_numbers<[1], [0], [0], [1], [0, 0, 1, 1], [], []>, transpose_lhs_hint = false} : vector<128x128xf32>, vector<128x128xf32>, vector<128x128xf32> -> vector<128x128xf32>
    %add3A_446 = vector.broadcast %slice3A_437 : vector<1x128xf32> to vector<128x128xf32>
    %add3A_447 = arith.addf %dot_general3A_445, %add3A_446 : vector<128x128xf32>
    %slice3A_448 = vector.extract_strided_slice %add3A_443 {offsets = [127, 0], sizes = [1, 128], strides = [1, 1]} : vector<128x128xf32> to vector<1x128xf32>
    %slice3A_449 = vector.extract_strided_slice %add3A_447 {offsets = [127, 0], sizes = [1, 128], strides = [1, 1]} : vector<128x128xf32> to vector<1x128xf32>
    %concatenate3A = tpu.concatenate %add3A_71, %add3A_83, %add3A_95, %add3A_107, %add3A_119, %add3A_131, %add3A_143, %add3A_155, %add3A_167, %add3A_179, %add3A_191, %add3A_203, %add3A_215, %add3A_227, %add3A_239, %add3A_251, %add3A_263, %add3A_275, %add3A_287, %add3A_299, %add3A_311, %add3A_323, %add3A_335, %add3A_347, %add3A_359, %add3A_371, %add3A_383, %add3A_395, %add3A_407, %add3A_419, %add3A_431, %add3A_443 in 0 : vector<128x128xf32>, vector<128x128xf32>, vector<128x128xf32>, vector<128x128xf32>, vector<128x128xf32>, vector<128x128xf32>, vector<128x128xf32>, vector<128x128xf32>, vector<128x128xf32>, vector<128x128xf32>, vector<128x128xf32>, vector<128x128xf32>, vector<128x128xf32>, vector<128x128xf32>, vector<128x128xf32>, vector<128x128xf32>, vector<128x128xf32>, vector<128x128xf32>, vector<128x128xf32>, vector<128x128xf32>, vector<128x128xf32>, vector<128x128xf32>, vector<128x128xf32>, vector<128x128xf32>, vector<128x128xf32>, vector<128x128xf32>, vector<128x128xf32>, vector<128x128xf32>, vector<128x128xf32>, vector<128x128xf32>, vector<128x128xf32>, vector<128x128xf32> -> vector<4096x128xf32>
    %concatenate3A_450 = tpu.concatenate %add3A_75, %add3A_87, %add3A_99, %add3A_111, %add3A_123, %add3A_135, %add3A_147, %add3A_159, %add3A_171, %add3A_183, %add3A_195, %add3A_207, %add3A_219, %add3A_231, %add3A_243, %add3A_255, %add3A_267, %add3A_279, %add3A_291, %add3A_303, %add3A_315, %add3A_327, %add3A_339, %add3A_351, %add3A_363, %add3A_375, %add3A_387, %add3A_399, %add3A_411, %add3A_423, %add3A_435, %add3A_447 in 0 : vector<128x128xf32>, vector<128x128xf32>, vector<128x128xf32>, vector<128x128xf32>, vector<128x128xf32>, vector<128x128xf32>, vector<128x128xf32>, vector<128x128xf32>, vector<128x128xf32>, vector<128x128xf32>, vector<128x128xf32>, vector<128x128xf32>, vector<128x128xf32>, vector<128x128xf32>, vector<128x128xf32>, vector<128x128xf32>, vector<128x128xf32>, vector<128x128xf32>, vector<128x128xf32>, vector<128x128xf32>, vector<128x128xf32>, vector<128x128xf32>, vector<128x128xf32>, vector<128x128xf32>, vector<128x128xf32>, vector<128x128xf32>, vector<128x128xf32>, vector<128x128xf32>, vector<128x128xf32>, vector<128x128xf32>, vector<128x128xf32>, vector<128x128xf32> -> vector<4096x128xf32>
    %sub3A_451 = arith.constant 1.000000e+00 : f32
    %sub3A_452 = vector.broadcast %sub3A_451 : f32 to vector<4096x128xf32>
    %sub3A_453 = arith.subf %concatenate3A, %sub3A_452 : vector<4096x128xf32>
    %jit3A_454 = arith.constant 0.000000e+00 : f32
    %broadcast_in_dim3A_455 = vector.broadcast %jit3A_454 : f32 to vector<4096x128xf32>
    %select_n3A_456 = arith.select %eq3A_36, %sub3A_453, %broadcast_in_dim3A_455 : vector<4096x128xi1>, vector<4096x128xf32>
    %reduce_sum3A_457 = arith.constant dense<0.000000e+00> : vector<4096xf32>
    %reduce_sum3A_458 = vector.multi_reduction <add>, %select_n3A_456, %reduce_sum3A_457 [1] : vector<4096x128xf32> to vector<4096xf32>
    %broadcast_in_dim3A_459 = vector.shape_cast %reduce_sum3A_458 : vector<4096xf32> to vector<4096x1xf32>
    %sub3A_460 = arith.constant 1.000000e+00 : f32
    %sub3A_461 = vector.broadcast %sub3A_460 : f32 to vector<4096x128xf32>
    %sub3A_462 = arith.subf %concatenate3A_450, %sub3A_461 : vector<4096x128xf32>
    %add3A_463 = vector.broadcast %slice3A_448 : vector<1x128xf32> to vector<4096x128xf32>
    %add3A_464 = arith.addf %sub3A_462, %add3A_463 : vector<4096x128xf32>
    %jit3A_465 = arith.constant 0.000000e+00 : f32
    %broadcast_in_dim3A_466 = vector.broadcast %jit3A_465 : f32 to vector<4096x128xf32>
    %select_n3A_467 = arith.select %eq3A_55, %add3A_464, %broadcast_in_dim3A_466 : vector<4096x128xi1>, vector<4096x128xf32>
    %reduce_sum3A_468 = arith.constant dense<0.000000e+00> : vector<4096xf32>
    %reduce_sum3A_469 = vector.multi_reduction <add>, %select_n3A_467, %reduce_sum3A_468 [1] : vector<4096x128xf32> to vector<4096xf32>
    %broadcast_in_dim3A_470 = vector.shape_cast %reduce_sum3A_469 : vector<4096xf32> to vector<4096x1xf32>
    %convert_element_type3A_471 = arith.fptosi %broadcast_in_dim3A_459 : vector<4096x1xf32> to vector<4096x1xi32>
    %convert_element_type3A_472 = arith.fptosi %broadcast_in_dim3A_470 : vector<4096x1xf32> to vector<4096x1xi32>
    %lt3A_473 = arith.constant 640 : i32
    %lt3A_474 = vector.broadcast %lt3A_473 : i32 to vector<4096x1xi32>
    %lt3A_475 = arith.cmpi slt, %convert_element_type3A_471, %lt3A_474 : vector<4096x1xi32>
    %lt3A_476 = arith.constant 640 : i32
    %lt3A_477 = vector.broadcast %lt3A_476 : i32 to vector<4096x1xi32>
    %lt3A_478 = arith.cmpi slt, %convert_element_type3A_472, %lt3A_477 : vector<4096x1xi32>
    %jit3A_479 = arith.constant 0.000000e+00 : f32
    %broadcast_in_dim3A_480 = vector.broadcast %jit3A_479 : f32 to vector<4096x128xf32>
    %select_n3A_481 = arith.select %eq3A_36, %div3A_25, %broadcast_in_dim3A_480 : vector<4096x128xi1>, vector<4096x128xf32>
    %reduce_sum3A_482 = arith.constant dense<0.000000e+00> : vector<4096xf32>
    %reduce_sum3A_483 = vector.multi_reduction <add>, %select_n3A_481, %reduce_sum3A_482 [1] : vector<4096x128xf32> to vector<4096xf32>
    %broadcast_in_dim3A_484 = vector.shape_cast %reduce_sum3A_483 : vector<4096xf32> to vector<4096x1xf32>
    %jit3A_485 = arith.constant 0.000000e+00 : f32
    %broadcast_in_dim3A_486 = vector.broadcast %jit3A_485 : f32 to vector<4096x128xf32>
    %select_n3A_487 = arith.select %eq3A_55, %div3A_25, %broadcast_in_dim3A_486 : vector<4096x128xi1>, vector<4096x128xf32>
    %reduce_sum3A_488 = arith.constant dense<0.000000e+00> : vector<4096xf32>
    %reduce_sum3A_489 = vector.multi_reduction <add>, %select_n3A_487, %reduce_sum3A_488 [1] : vector<4096x128xf32> to vector<4096xf32>
    %broadcast_in_dim3A_490 = vector.shape_cast %reduce_sum3A_489 : vector<4096xf32> to vector<4096x1xf32>
    %mul3A = arith.constant 640 : i32
    %mul3A_491 = vector.broadcast %mul3A : i32 to vector<4096x1xi32>
    %mul3A_492 = arith.muli %broadcast_in_dim3A_34, %mul3A_491 : vector<4096x1xi32>
    %add3A_493 = arith.addi %mul3A_492, %convert_element_type3A_471 : vector<4096x1xi32>
    %jit3A_494 = arith.constant 5120 : i32
    %broadcast_in_dim3A_495 = vector.broadcast %jit3A_494 : i32 to vector<4096x1xi32>
    %select_n3A_496 = arith.select %lt3A_475, %add3A_493, %broadcast_in_dim3A_495 : vector<4096x1xi1>, vector<4096x1xi32>
    %mul3A_497 = arith.constant 640 : i32
    %mul3A_498 = vector.broadcast %mul3A_497 : i32 to vector<4096x1xi32>
    %mul3A_499 = arith.muli %broadcast_in_dim3A_53, %mul3A_498 : vector<4096x1xi32>
    %add3A_500 = arith.addi %mul3A_499, %convert_element_type3A_472 : vector<4096x1xi32>
    %jit3A_501 = arith.constant 5120 : i32
    %broadcast_in_dim3A_502 = vector.broadcast %jit3A_501 : i32 to vector<4096x1xi32>
    %select_n3A_503 = arith.select %lt3A_478, %add3A_500, %broadcast_in_dim3A_502 : vector<4096x1xi1>, vector<4096x1xi32>
    %swap3A_504 = arith.constant 0 : index
    %swap3A_505 = arith.constant 0 : index
    %swap3A_506 = vector.load %arg3[%swap3A_504, %swap3A_505] : memref<4096x2xi32, #tpu.memory_space<vmem>>, vector<4096x1xi32>
    tpu.vector_store %arg3[%swap3A_504, %swap3A_505], %select_n3A_496 {strides = array<i32>} : memref<4096x2xi32, #tpu.memory_space<vmem>>, vector<4096x1xi32>,
    %swap3A_507 = arith.constant 0 : index
    %swap3A_508 = arith.constant 1 : index
    %swap3A_509 = vector.load %arg3[%swap3A_507, %swap3A_508] : memref<4096x2xi32, #tpu.memory_space<vmem>>, vector<4096x1xi32>
    tpu.vector_store %arg3[%swap3A_507, %swap3A_508], %select_n3A_503 {strides = array<i32>} : memref<4096x2xi32, #tpu.memory_space<vmem>>, vector<4096x1xi32>,
    %broadcast_in_dim3A_510 = arith.constant 1.000000e+00 : f32
    %broadcast_in_dim3A_511 = vector.broadcast %broadcast_in_dim3A_510 : f32 to vector<1x16xf32>
    %jit3A_512 = arith.constant 0.000000e+00 : f32
    %broadcast_in_dim3A_513 = vector.broadcast %jit3A_512 : f32 to vector<4096x1xf32>
    %select_n3A_514 = arith.select %lt3A_475, %broadcast_in_dim3A_484, %broadcast_in_dim3A_513 : vector<4096x1xi1>, vector<4096x1xf32>
    %mul3A_515 = vector.broadcast %select_n3A_514 : vector<4096x1xf32> to vector<4096x16xf32>
    %mul3A_516 = vector.broadcast %broadcast_in_dim3A_511 : vector<1x16xf32> to vector<4096x16xf32>
    %mul3A_517 = arith.mulf %mul3A_515, %mul3A_516 : vector<4096x16xf32>
    %swap3A_518 = arith.constant 0 : index
    %swap3A_519 = arith.constant 0 : index
    %swap3A_520 = vector.load %arg4[%swap3A_518, %swap3A_519] : memref<4096x16xf32, #tpu.memory_space<vmem>>, vector<4096x16xf32>
    tpu.vector_store %arg4[%swap3A_518, %swap3A_519], %mul3A_517 {strides = array<i32>} : memref<4096x16xf32, #tpu.memory_space<vmem>>, vector<4096x16xf32>,
    %jit3A_521 = arith.constant 0.000000e+00 : f32
    %broadcast_in_dim3A_522 = vector.broadcast %jit3A_521 : f32 to vector<4096x1xf32>
    %select_n3A_523 = arith.select %lt3A_478, %broadcast_in_dim3A_490, %broadcast_in_dim3A_522 : vector<4096x1xi1>, vector<4096x1xf32>
    %mul3A_524 = vector.broadcast %select_n3A_523 : vector<4096x1xf32> to vector<4096x16xf32>
    %mul3A_525 = vector.broadcast %broadcast_in_dim3A_511 : vector<1x16xf32> to vector<4096x16xf32>
    %mul3A_526 = arith.mulf %mul3A_524, %mul3A_525 : vector<4096x16xf32>
    %swap3A_527 = arith.constant 0 : index
    %swap3A_528 = arith.constant 0 : index
    %swap3A_529 = vector.load %arg5[%swap3A_527, %swap3A_528] : memref<4096x16xf32, #tpu.memory_space<vmem>>, vector<4096x16xf32>
    tpu.vector_store %arg5[%swap3A_527, %swap3A_528], %mul3A_526 {strides = array<i32>} : memref<4096x16xf32, #tpu.memory_space<vmem>>, vector<4096x16xf32>,
    %add3A_530 = arith.addf %slice3A_448, %slice3A_449 : vector<1x128xf32>
    %min3A = arith.constant 6.400000e+02 : f32
    %min3A_531 = vector.broadcast %min3A : f32 to vector<1x128xf32>
    %min3A_532 = arith.minimumf %min3A_531, %add3A_530 : vector<1x128xf32>
    %reduce_sum3A_533 = arith.constant dense<0.000000e+00> : vector<128xf32>
    %reduce_sum3A_534 = vector.multi_reduction <add>, %div3A_25, %reduce_sum3A_533 [0] : vector<4096x128xf32> to vector<128xf32>
    %broadcast_in_dim3A_535 = vector.shape_cast %reduce_sum3A_534 : vector<128xf32> to vector<1x128xf32>
    %div3A_536 = arith.constant 4.096000e+03 : f32
    %div3A_537 = vector.broadcast %div3A_536 : f32 to vector<1x128xf32>
    %div3A_538 = arith.divf %broadcast_in_dim3A_535, %div3A_537 : vector<1x128xf32>
    %mul3A_539 = arith.mulf %div3A_538, %min3A_532 : vector<1x128xf32>
    %reduce_sum3A_540 = vector.shape_cast %mul3A_539 : vector<1x128xf32> to vector<1x1x128xf32>
    %reduce_sum3A_541 = arith.constant dense<0.000000e+00> : vector<1xf32>
    %reduce_sum3A_542 = vector.multi_reduction <add>, %reduce_sum3A_540, %reduce_sum3A_541 [1, 2] : vector<1x1x128xf32> to vector<1xf32>
    %reduce_sum3A_543 = vector.shape_cast %reduce_sum3A_542 : vector<1xf32> to vector<1x1x1xf32>
    %reduce_sum3A_544 = vector.extract %reduce_sum3A_543[0, 0, 0] : f32 from vector<1x1x1xf32>
    %broadcast_in_dim3A_545 = vector.broadcast %reduce_sum3A_544 : f32 to vector<1x1xf32>
    %mul3A_546 = arith.constant 8.000000e+00 : f32
    %mul3A_547 = vector.broadcast %mul3A_546 : f32 to vector<1x1xf32>
    %mul3A_548 = arith.mulf %mul3A_547, %broadcast_in_dim3A_545 : vector<1x1xf32>
    %div3A_549 = arith.constant 4.096000e+03 : f32
    %div3A_550 = vector.broadcast %div3A_549 : f32 to vector<1x1xf32>
    %div3A_551 = arith.divf %mul3A_548, %div3A_550 : vector<1x1xf32>
    %swap3A_552 = arith.constant 0 : index
    %swap3A_553 = arith.constant 0 : index
    %swap3A_554 = vector.load %arg6[%swap3A_552, %swap3A_553] : memref<1x1xf32, #tpu.memory_space<vmem>>, vector<1x1xf32>
    tpu.vector_store %arg6[%swap3A_552, %swap3A_553], %div3A_551 {strides = array<i32>} : memref<1x1xf32, #tpu.memory_space<vmem>>, vector<1x1xf32>,
    %log3A = math.log %broadcast_in_dim3A_24 : vector<4096x1xf32>
    %add3A_555 = arith.addf %broadcast_in_dim3A_18, %log3A : vector<4096x1xf32>
    %mul3A_556 = arith.mulf %add3A_555, %add3A_555 : vector<4096x1xf32>
    %reduce_sum3A_557 = vector.shape_cast %mul3A_556 : vector<4096x1xf32> to vector<1x4096x1xf32>
    %reduce_sum3A_558 = arith.constant dense<0.000000e+00> : vector<1xf32>
    %reduce_sum3A_559 = vector.multi_reduction <add>, %reduce_sum3A_557, %reduce_sum3A_558 [1, 2] : vector<1x4096x1xf32> to vector<1xf32>
    %reduce_sum3A_560 = vector.shape_cast %reduce_sum3A_559 : vector<1xf32> to vector<1x1x1xf32>
    %reduce_sum3A_561 = vector.extract %reduce_sum3A_560[0, 0, 0] : f32 from vector<1x1x1xf32>
    %broadcast_in_dim3A_562 = vector.broadcast %reduce_sum3A_561 : f32 to vector<1x1xf32>
    %div3A_563 = arith.constant 4.096000e+03 : f32
    %div3A_564 = vector.broadcast %div3A_563 : f32 to vector<1x1xf32>
    %div3A_565 = arith.divf %broadcast_in_dim3A_562, %div3A_564 : vector<1x1xf32>
    %swap3A_566 = arith.constant 0 : index
    %swap3A_567 = arith.constant 0 : index
    %swap3A_568 = vector.load %arg7[%swap3A_566, %swap3A_567] : memref<1x1xf32, #tpu.memory_space<vmem>>, vector<1x1xf32>
    tpu.vector_store %arg7[%swap3A_566, %swap3A_567], %div3A_565 {strides = array<i32>} : memref<1x1xf32, #tpu.memory_space<vmem>>, vector<1x1xf32>,
    return
  }
}

module attributes {stable_mosaic.version = 14 : i64} {
  func.func @_ffn_body(%arg0: i32, %arg1: i32, %arg2: memref<640x512xi32, #tpu.memory_space<vmem>>, %arg3: memref<1x1024x1024xf32, #tpu.memory_space<vmem>>, %arg4: memref<1x1x1024xf32, #tpu.memory_space<vmem>>, %arg5: memref<1x1024x1024xf32, #tpu.memory_space<vmem>>, %arg6: memref<1x1x1024xf32, #tpu.memory_space<vmem>>, %arg7: memref<1x1024x1024xf32, #tpu.memory_space<vmem>>, %arg8: memref<1x1x1024xf32, #tpu.memory_space<vmem>>, %arg9: memref<640x512xi32, #tpu.memory_space<vmem>>, %arg10: memref<640x1024xf32, #tpu.memory_space<vmem>>, %arg11: memref<640x1024xbf16, #tpu.memory_space<vmem>>) attributes {dimension_semantics = [#tpu.dimension_semantics<arbitrary>, #tpu.dimension_semantics<arbitrary>], iteration_bounds = array<i64: 8, 4>, scalar_prefetch = 0 : i64, scratch_operands = 2 : i64, tpu.core_type = #tpu.core_type<tc>, window_params = [{transform_indices = @transform_0, window_bounds = array<i64: 640, 512>}, {transform_indices = @transform_1, window_bounds = array<i64: 1, 1024, 1024>}, {transform_indices = @transform_2, window_bounds = array<i64: 1, 1, 1024>}, {transform_indices = @transform_3, window_bounds = array<i64: 1, 1024, 1024>}, {transform_indices = @transform_4, window_bounds = array<i64: 1, 1, 1024>}, {transform_indices = @transform_5, window_bounds = array<i64: 1, 1024, 1024>}, {transform_indices = @transform_6, window_bounds = array<i64: 1, 1, 1024>}, {transform_indices = @transform_7, window_bounds = array<i64: 640, 512>}]} {
    %eq3A = arith.constant 0 : i32
    %eq3A_0 = arith.cmpi eq, %arg1, %eq3A : i32
    %convert_element_type3A = arith.extui %eq3A_0 : i1 to i32
    %cond3A = arith.constant 0 : i32
    %cond3A_1 = arith.cmpi ne, %convert_element_type3A, %cond3A : i32
    scf.if %cond3A_1 {
      %get3A_59 = arith.constant 0 : index
      %get3A_60 = arith.constant 0 : index
      %get3A_61 = vector.load %arg2[%get3A_59, %get3A_60] : memref<640x512xi32, #tpu.memory_space<vmem>>, vector<640x512xi32>
      %bitcast_convert_type3A = tpu.bitcast %get3A_61 : vector<640x512xi32> -> vector<640x512xi32>
      %and3A = arith.constant 65535 : i32
      %and3A_62 = vector.broadcast %and3A : i32 to vector<640x512xi32>
      %and3A_63 = arith.andi %bitcast_convert_type3A, %and3A_62 : vector<640x512xi32>
      %convert_element_type3A_64 = arith.trunci %and3A_63 : vector<640x512xi32> to vector<640x512xi16>
      %bitcast_convert_type3A_65 = tpu.bitcast %convert_element_type3A_64 : vector<640x512xi16> -> vector<640x512xbf16>
      %shift_right_logical3A = arith.constant 16 : i32
      %shift_right_logical3A_66 = vector.broadcast %shift_right_logical3A : i32 to vector<640x512xi32>
      %shift_right_logical3A_67 = arith.shrui %bitcast_convert_type3A, %shift_right_logical3A_66 : vector<640x512xi32>
      %convert_element_type3A_68 = arith.trunci %shift_right_logical3A_67 : vector<640x512xi32> to vector<640x512xi16>
      %bitcast_convert_type3A_69 = tpu.bitcast %convert_element_type3A_68 : vector<640x512xi16> -> vector<640x512xbf16>
      %concatenate3A = tpu.concatenate %bitcast_convert_type3A_65, %bitcast_convert_type3A_69 in 1 : vector<640x512xbf16>, vector<640x512xbf16> -> vector<640x1024xbf16>
      %swap3A = arith.constant 0 : index
      %swap3A_70 = arith.constant 0 : index
      %swap3A_71 = vector.load %arg11[%swap3A, %swap3A_70] : memref<640x1024xbf16, #tpu.memory_space<vmem>>, vector<640x1024xbf16>
      tpu.vector_store %arg11[%swap3A, %swap3A_70], %concatenate3A {strides = array<i32>} : memref<640x1024xbf16, #tpu.memory_space<vmem>>, vector<640x1024xbf16>,
    } else {
    }
    %get3A = arith.constant 0 : index
    %get3A_2 = arith.constant 0 : index
    %get3A_3 = vector.load %arg11[%get3A, %get3A_2] : memref<640x1024xbf16, #tpu.memory_space<vmem>>, vector<640x1024xbf16>
    %get3A_4 = arith.constant 0 : index
    %get3A_5 = arith.constant 0 : index
    %get3A_6 = arith.constant 0 : index
    %get3A_7 = vector.load %arg3[%get3A_4, %get3A_5, %get3A_6] : memref<1x1024x1024xf32, #tpu.memory_space<vmem>>, vector<1x1024x1024xf32>
    %get3A_8 = vector.shape_cast %get3A_7 : vector<1x1024x1024xf32> to vector<1024x1024xf32>
    %dot_general3A = arith.constant dense<0.000000e+00> : vector<640x1024xf32>
    %dot_general3A_9 = tpu.matmul %get3A_3, %get3A_8, %dot_general3A {dimension_numbers = #tpu.dot_dimension_numbers<[1], [0], [0], [1], [0, 0, 1, 1], [], []>, transpose_lhs_hint = false} : vector<640x1024xbf16>, vector<1024x1024xf32>, vector<640x1024xf32> -> vector<640x1024xf32>
    %get3A_10 = arith.constant 0 : index
    %get3A_11 = arith.constant 0 : index
    %get3A_12 = arith.constant 0 : index
    %get3A_13 = vector.load %arg4[%get3A_10, %get3A_11, %get3A_12] : memref<1x1x1024xf32, #tpu.memory_space<vmem>>, vector<1x1x1024xf32>
    %get3A_14 = vector.shape_cast %get3A_13 : vector<1x1x1024xf32> to vector<1x1024xf32>
    %add3A = vector.broadcast %get3A_14 : vector<1x1024xf32> to vector<640x1024xf32>
    %add3A_15 = arith.addf %dot_general3A_9, %add3A : vector<640x1024xf32>
    %get3A_16 = arith.constant 0 : index
    %get3A_17 = arith.constant 0 : index
    %get3A_18 = arith.constant 0 : index
    %get3A_19 = vector.load %arg5[%get3A_16, %get3A_17, %get3A_18] : memref<1x1024x1024xf32, #tpu.memory_space<vmem>>, vector<1x1024x1024xf32>
    %get3A_20 = vector.shape_cast %get3A_19 : vector<1x1024x1024xf32> to vector<1024x1024xf32>
    %dot_general3A_21 = arith.constant dense<0.000000e+00> : vector<640x1024xf32>
    %dot_general3A_22 = tpu.matmul %get3A_3, %get3A_20, %dot_general3A_21 {dimension_numbers = #tpu.dot_dimension_numbers<[1], [0], [0], [1], [0, 0, 1, 1], [], []>, transpose_lhs_hint = false} : vector<640x1024xbf16>, vector<1024x1024xf32>, vector<640x1024xf32> -> vector<640x1024xf32>
    %get3A_23 = arith.constant 0 : index
    %get3A_24 = arith.constant 0 : index
    %get3A_25 = arith.constant 0 : index
    %get3A_26 = vector.load %arg6[%get3A_23, %get3A_24, %get3A_25] : memref<1x1x1024xf32, #tpu.memory_space<vmem>>, vector<1x1x1024xf32>
    %get3A_27 = vector.shape_cast %get3A_26 : vector<1x1x1024xf32> to vector<1x1024xf32>
    %add3A_28 = vector.broadcast %get3A_27 : vector<1x1024xf32> to vector<640x1024xf32>
    %add3A_29 = arith.addf %dot_general3A_22, %add3A_28 : vector<640x1024xf32>
    %neg3A = arith.constant 0.000000e+00 : f32
    %neg3A_30 = vector.broadcast %neg3A : f32 to vector<640x1024xf32>
    %neg3A_31 = arith.subf %neg3A_30, %add3A_15 : vector<640x1024xf32>
    %exp3A = math.exp %neg3A_31 : vector<640x1024xf32>
    %add3A_32 = arith.constant 1.000000e+00 : f32
    %add3A_33 = vector.broadcast %add3A_32 : f32 to vector<640x1024xf32>
    %add3A_34 = arith.addf %add3A_33, %exp3A : vector<640x1024xf32>
    %div3A = arith.constant 1.000000e+00 : f32
    %div3A_35 = vector.broadcast %div3A : f32 to vector<640x1024xf32>
    %div3A_36 = arith.divf %div3A_35, %add3A_34 : vector<640x1024xf32>
    %mul3A = arith.mulf %add3A_15, %div3A_36 : vector<640x1024xf32>
    %mul3A_37 = arith.mulf %mul3A, %add3A_29 : vector<640x1024xf32>
    %get3A_38 = arith.constant 0 : index
    %get3A_39 = arith.constant 0 : index
    %get3A_40 = arith.constant 0 : index
    %get3A_41 = vector.load %arg7[%get3A_38, %get3A_39, %get3A_40] : memref<1x1024x1024xf32, #tpu.memory_space<vmem>>, vector<1x1024x1024xf32>
    %get3A_42 = vector.shape_cast %get3A_41 : vector<1x1024x1024xf32> to vector<1024x1024xf32>
    %dot_general3A_43 = arith.constant dense<0.000000e+00> : vector<640x1024xf32>
    %dot_general3A_44 = tpu.matmul %mul3A_37, %get3A_42, %dot_general3A_43 {dimension_numbers = #tpu.dot_dimension_numbers<[1], [0], [0], [1], [0, 0, 1, 1], [], []>, transpose_lhs_hint = false} : vector<640x1024xf32>, vector<1024x1024xf32>, vector<640x1024xf32> -> vector<640x1024xf32>
    %eq3A_45 = arith.constant 0 : i32
    %eq3A_46 = arith.cmpi eq, %arg1, %eq3A_45 : i32
    %convert_element_type3A_47 = arith.extui %eq3A_46 : i1 to i32
    %cond3A_48 = arith.constant 0 : i32
    %cond3A_49 = arith.cmpi ne, %convert_element_type3A_47, %cond3A_48 : i32
    scf.if %cond3A_49 {
      %get3A_59 = arith.constant 0 : index
      %get3A_60 = arith.constant 0 : index
      %get3A_61 = arith.constant 0 : index
      %get3A_62 = vector.load %arg8[%get3A_59, %get3A_60, %get3A_61] : memref<1x1x1024xf32, #tpu.memory_space<vmem>>, vector<1x1x1024xf32>
      %get3A_63 = vector.shape_cast %get3A_62 : vector<1x1x1024xf32> to vector<1x1024xf32>
      %add3A_64 = vector.broadcast %get3A_63 : vector<1x1024xf32> to vector<640x1024xf32>
      %add3A_65 = arith.addf %dot_general3A_44, %add3A_64 : vector<640x1024xf32>
      %swap3A = arith.constant 0 : index
      %swap3A_66 = arith.constant 0 : index
      %swap3A_67 = vector.load %arg10[%swap3A, %swap3A_66] : memref<640x1024xf32, #tpu.memory_space<vmem>>, vector<640x1024xf32>
      tpu.vector_store %arg10[%swap3A, %swap3A_66], %add3A_65 {strides = array<i32>} : memref<640x1024xf32, #tpu.memory_space<vmem>>, vector<640x1024xf32>,
    } else {
    }
    %gt3A = arith.constant 0 : i32
    %gt3A_50 = arith.cmpi sgt, %arg1, %gt3A : i32
    %convert_element_type3A_51 = arith.extui %gt3A_50 : i1 to i32
    %cond3A_52 = arith.constant 0 : i32
    %cond3A_53 = arith.cmpi ne, %convert_element_type3A_51, %cond3A_52 : i32
    scf.if %cond3A_53 {
      %get3A_59 = arith.constant 0 : index
      %get3A_60 = arith.constant 0 : index
      %get3A_61 = vector.load %arg10[%get3A_59, %get3A_60] : memref<640x1024xf32, #tpu.memory_space<vmem>>, vector<640x1024xf32>
      %add3A_62 = arith.addf %get3A_61, %dot_general3A_44 : vector<640x1024xf32>
      %swap3A = arith.constant 0 : index
      %swap3A_63 = arith.constant 0 : index
      %swap3A_64 = vector.load %arg10[%swap3A, %swap3A_63] : memref<640x1024xf32, #tpu.memory_space<vmem>>, vector<640x1024xf32>
      tpu.vector_store %arg10[%swap3A, %swap3A_63], %add3A_62 {strides = array<i32>} : memref<640x1024xf32, #tpu.memory_space<vmem>>, vector<640x1024xf32>,
    } else {
    }
    %eq3A_54 = arith.constant 3 : i32
    %eq3A_55 = arith.cmpi eq, %arg1, %eq3A_54 : i32
    %convert_element_type3A_56 = arith.extui %eq3A_55 : i1 to i32
    %cond3A_57 = arith.constant 0 : i32
    %cond3A_58 = arith.cmpi ne, %convert_element_type3A_56, %cond3A_57 : i32
    scf.if %cond3A_58 {
      %get3A_59 = arith.constant 0 : index
      %get3A_60 = arith.constant 0 : index
      %get3A_61 = vector.load %arg10[%get3A_59, %get3A_60] : memref<640x1024xf32, #tpu.memory_space<vmem>>, vector<640x1024xf32>
      %convert_element_type3A_62 = arith.truncf %get3A_61 : vector<640x1024xf32> to vector<640x1024xbf16>
      %slice3A = vector.extract_strided_slice %convert_element_type3A_62 {offsets = [0, 0], sizes = [640, 512], strides = [1, 1]} : vector<640x1024xbf16> to vector<640x512xbf16>
      %bitcast_convert_type3A = tpu.bitcast %slice3A : vector<640x512xbf16> -> vector<640x512xi16>
      %convert_element_type3A_63 = arith.extui %bitcast_convert_type3A : vector<640x512xi16> to vector<640x512xi32>
      %slice3A_64 = vector.extract_strided_slice %convert_element_type3A_62 {offsets = [0, 512], sizes = [640, 512], strides = [1, 1]} : vector<640x1024xbf16> to vector<640x512xbf16>
      %bitcast_convert_type3A_65 = tpu.bitcast %slice3A_64 : vector<640x512xbf16> -> vector<640x512xi16>
      %convert_element_type3A_66 = arith.extui %bitcast_convert_type3A_65 : vector<640x512xi16> to vector<640x512xi32>
      %shift_left3A = arith.constant 16 : i32
      %shift_left3A_67 = vector.broadcast %shift_left3A : i32 to vector<640x512xi32>
      %shift_left3A_68 = arith.shli %convert_element_type3A_66, %shift_left3A_67 : vector<640x512xi32>
      %or3A = arith.ori %convert_element_type3A_63, %shift_left3A_68 : vector<640x512xi32>
      %bitcast_convert_type3A_69 = tpu.bitcast %or3A : vector<640x512xi32> -> vector<640x512xi32>
      %swap3A = arith.constant 0 : index
      %swap3A_70 = arith.constant 0 : index
      %swap3A_71 = vector.load %arg9[%swap3A, %swap3A_70] : memref<640x512xi32, #tpu.memory_space<vmem>>, vector<640x512xi32>
      tpu.vector_store %arg9[%swap3A, %swap3A_70], %bitcast_convert_type3A_69 {strides = array<i32>} : memref<640x512xi32, #tpu.memory_space<vmem>>, vector<640x512xi32>,
    } else {
    }
    return
  }
  func.func @transform_0(%arg0: i32, %arg1: i32) -> (i32, i32) {
    %c0_i32 = arith.constant 0 : i32
    %c0_i32_0 = arith.constant 0 : i32
    return %arg0, %c0_i32 : i32, i32
  }
  func.func @transform_1(%arg0: i32, %arg1: i32) -> (i32, i32, i32) {
    %c0_i32 = arith.constant 0 : i32
    %c0_i32_0 = arith.constant 0 : i32
    return %arg0, %c0_i32, %arg1 : i32, i32, i32
  }
  func.func @transform_2(%arg0: i32, %arg1: i32) -> (i32, i32, i32) {
    %c0_i32 = arith.constant 0 : i32
    %c0_i32_0 = arith.constant 0 : i32
    return %arg0, %c0_i32, %arg1 : i32, i32, i32
  }
  func.func @transform_3(%arg0: i32, %arg1: i32) -> (i32, i32, i32) {
    %c0_i32 = arith.constant 0 : i32
    %c0_i32_0 = arith.constant 0 : i32
    return %arg0, %c0_i32, %arg1 : i32, i32, i32
  }
  func.func @transform_4(%arg0: i32, %arg1: i32) -> (i32, i32, i32) {
    %c0_i32 = arith.constant 0 : i32
    %c0_i32_0 = arith.constant 0 : i32
    return %arg0, %c0_i32, %arg1 : i32, i32, i32
  }
  func.func @transform_5(%arg0: i32, %arg1: i32) -> (i32, i32, i32) {
    %c0_i32 = arith.constant 0 : i32
    %c0_i32_0 = arith.constant 0 : i32
    return %arg0, %arg1, %c0_i32 : i32, i32, i32
  }
  func.func @transform_6(%arg0: i32, %arg1: i32) -> (i32, i32, i32) {
    %c0_i32 = arith.constant 0 : i32
    %c0_i32_0 = arith.constant 0 : i32
    %c0_i32_1 = arith.constant 0 : i32
    return %arg0, %c0_i32, %c0_i32_0 : i32, i32, i32
  }
  func.func @transform_7(%arg0: i32, %arg1: i32) -> (i32, i32) {
    %c0_i32 = arith.constant 0 : i32
    %c0_i32_0 = arith.constant 0 : i32
    return %arg0, %c0_i32 : i32, i32
  }
}

module attributes {stable_mosaic.version = 14 : i64} {
  func.func @_wsum_body(%arg0: i32, %arg1: memref<512x512xi32, #tpu.memory_space<vmem>>, %arg2: memref<512x512xi32, #tpu.memory_space<vmem>>, %arg3: memref<512x16xf32, #tpu.memory_space<vmem>>, %arg4: memref<512x16xf32, #tpu.memory_space<vmem>>, %arg5: memref<512x1024xf32, #tpu.memory_space<vmem>>) attributes {dimension_semantics = [#tpu.dimension_semantics<arbitrary>], iteration_bounds = array<i64: 8>, scalar_prefetch = 0 : i64, scratch_operands = 0 : i64, tpu.core_type = #tpu.core_type<tc>, window_params = [{transform_indices = @transform_0, window_bounds = array<i64: 512, 512>}, {transform_indices = @transform_1, window_bounds = array<i64: 512, 512>}, {transform_indices = @transform_2, window_bounds = array<i64: 512, 16>}, {transform_indices = @transform_3, window_bounds = array<i64: 512, 16>}, {transform_indices = @transform_4, window_bounds = array<i64: 512, 1024>}]} {
    %get3A = arith.constant 0 : index
    %get3A_0 = arith.constant 0 : index
    %get3A_1 = vector.load %arg3[%get3A, %get3A_0] : memref<512x16xf32, #tpu.memory_space<vmem>>, vector<512x1xf32>
    %get3A_2 = arith.constant 0 : index
    %get3A_3 = arith.constant 0 : index
    %get3A_4 = vector.load %arg4[%get3A_2, %get3A_3] : memref<512x16xf32, #tpu.memory_space<vmem>>, vector<512x1xf32>
    %gt3A = arith.constant 0.000000e+00 : f32
    %gt3A_5 = vector.broadcast %gt3A : f32 to vector<512x1xf32>
    %gt3A_6 = arith.cmpf ogt, %get3A_1, %gt3A_5 : vector<512x1xf32>
    %get3A_7 = arith.constant 0 : index
    %get3A_8 = arith.constant 0 : index
    %get3A_9 = vector.load %arg1[%get3A_7, %get3A_8] : memref<512x512xi32, #tpu.memory_space<vmem>>, vector<512x512xi32>
    %bitcast_convert_type3A = tpu.bitcast %get3A_9 : vector<512x512xi32> -> vector<512x512xi32>
    %and3A = arith.constant 65535 : i32
    %and3A_10 = vector.broadcast %and3A : i32 to vector<512x512xi32>
    %and3A_11 = arith.andi %bitcast_convert_type3A, %and3A_10 : vector<512x512xi32>
    %convert_element_type3A = arith.trunci %and3A_11 : vector<512x512xi32> to vector<512x512xi16>
    %bitcast_convert_type3A_12 = tpu.bitcast %convert_element_type3A : vector<512x512xi16> -> vector<512x512xbf16>
    %shift_right_logical3A = arith.constant 16 : i32
    %shift_right_logical3A_13 = vector.broadcast %shift_right_logical3A : i32 to vector<512x512xi32>
    %shift_right_logical3A_14 = arith.shrui %bitcast_convert_type3A, %shift_right_logical3A_13 : vector<512x512xi32>
    %convert_element_type3A_15 = arith.trunci %shift_right_logical3A_14 : vector<512x512xi32> to vector<512x512xi16>
    %bitcast_convert_type3A_16 = tpu.bitcast %convert_element_type3A_15 : vector<512x512xi16> -> vector<512x512xbf16>
    %concatenate3A = tpu.concatenate %bitcast_convert_type3A_12, %bitcast_convert_type3A_16 in 1 : vector<512x512xbf16>, vector<512x512xbf16> -> vector<512x1024xbf16>
    %convert_element_type3A_17 = arith.extf %concatenate3A : vector<512x1024xbf16> to vector<512x1024xf32>
    %mul3A = vector.broadcast %get3A_1 : vector<512x1xf32> to vector<512x1024xf32>
    %mul3A_18 = arith.mulf %convert_element_type3A_17, %mul3A : vector<512x1024xf32>
    %jit3A = arith.constant 0.000000e+00 : f32
    %broadcast_in_dim3A = vector.shape_cast %gt3A_6 : vector<512x1xi1> to vector<512x1xi1>
    %broadcast_in_dim3A_19 = vector.broadcast %broadcast_in_dim3A : vector<512x1xi1> to vector<512x1024xi1>
    %broadcast_in_dim3A_20 = vector.broadcast %jit3A : f32 to vector<512x1024xf32>
    %select_n3A = arith.select %broadcast_in_dim3A_19, %mul3A_18, %broadcast_in_dim3A_20 : vector<512x1024xi1>, vector<512x1024xf32>
    %gt3A_21 = arith.constant 0.000000e+00 : f32
    %gt3A_22 = vector.broadcast %gt3A_21 : f32 to vector<512x1xf32>
    %gt3A_23 = arith.cmpf ogt, %get3A_4, %gt3A_22 : vector<512x1xf32>
    %get3A_24 = arith.constant 0 : index
    %get3A_25 = arith.constant 0 : index
    %get3A_26 = vector.load %arg2[%get3A_24, %get3A_25] : memref<512x512xi32, #tpu.memory_space<vmem>>, vector<512x512xi32>
    %bitcast_convert_type3A_27 = tpu.bitcast %get3A_26 : vector<512x512xi32> -> vector<512x512xi32>
    %and3A_28 = arith.constant 65535 : i32
    %and3A_29 = vector.broadcast %and3A_28 : i32 to vector<512x512xi32>
    %and3A_30 = arith.andi %bitcast_convert_type3A_27, %and3A_29 : vector<512x512xi32>
    %convert_element_type3A_31 = arith.trunci %and3A_30 : vector<512x512xi32> to vector<512x512xi16>
    %bitcast_convert_type3A_32 = tpu.bitcast %convert_element_type3A_31 : vector<512x512xi16> -> vector<512x512xbf16>
    %shift_right_logical3A_33 = arith.constant 16 : i32
    %shift_right_logical3A_34 = vector.broadcast %shift_right_logical3A_33 : i32 to vector<512x512xi32>
    %shift_right_logical3A_35 = arith.shrui %bitcast_convert_type3A_27, %shift_right_logical3A_34 : vector<512x512xi32>
    %convert_element_type3A_36 = arith.trunci %shift_right_logical3A_35 : vector<512x512xi32> to vector<512x512xi16>
    %bitcast_convert_type3A_37 = tpu.bitcast %convert_element_type3A_36 : vector<512x512xi16> -> vector<512x512xbf16>
    %concatenate3A_38 = tpu.concatenate %bitcast_convert_type3A_32, %bitcast_convert_type3A_37 in 1 : vector<512x512xbf16>, vector<512x512xbf16> -> vector<512x1024xbf16>
    %convert_element_type3A_39 = arith.extf %concatenate3A_38 : vector<512x1024xbf16> to vector<512x1024xf32>
    %mul3A_40 = vector.broadcast %get3A_4 : vector<512x1xf32> to vector<512x1024xf32>
    %mul3A_41 = arith.mulf %convert_element_type3A_39, %mul3A_40 : vector<512x1024xf32>
    %jit3A_42 = arith.constant 0.000000e+00 : f32
    %broadcast_in_dim3A_43 = vector.shape_cast %gt3A_23 : vector<512x1xi1> to vector<512x1xi1>
    %broadcast_in_dim3A_44 = vector.broadcast %broadcast_in_dim3A_43 : vector<512x1xi1> to vector<512x1024xi1>
    %broadcast_in_dim3A_45 = vector.broadcast %jit3A_42 : f32 to vector<512x1024xf32>
    %select_n3A_46 = arith.select %broadcast_in_dim3A_44, %mul3A_41, %broadcast_in_dim3A_45 : vector<512x1024xi1>, vector<512x1024xf32>
    %add3A = arith.addf %select_n3A, %select_n3A_46 : vector<512x1024xf32>
    %swap3A = arith.constant 0 : index
    %swap3A_47 = arith.constant 0 : index
    %swap3A_48 = vector.load %arg5[%swap3A, %swap3A_47] : memref<512x1024xf32, #tpu.memory_space<vmem>>, vector<512x1024xf32>
    tpu.vector_store %arg5[%swap3A, %swap3A_47], %add3A {strides = array<i32>} : memref<512x1024xf32, #tpu.memory_space<vmem>>, vector<512x1024xf32>,
    return
  }
  func.func @transform_0(%arg0: i32) -> (i32, i32) {
    %c0_i32 = arith.constant 0 : i32
    %c0_i32_0 = arith.constant 0 : i32
    return %arg0, %c0_i32 : i32, i32
  }
  func.func @transform_1(%arg0: i32) -> (i32, i32) {
    %add3A = arith.constant 8 : i32
    %add3A_0 = arith.addi %arg0, %add3A : i32
    %c0_i32 = arith.constant 0 : i32
    %c0_i32_1 = arith.constant 0 : i32
    return %add3A_0, %c0_i32 : i32, i32
  }
  func.func @transform_2(%arg0: i32) -> (i32, i32) {
    %c0_i32 = arith.constant 0 : i32
    %c0_i32_0 = arith.constant 0 : i32
    return %arg0, %c0_i32 : i32, i32
  }
  func.func @transform_3(%arg0: i32) -> (i32, i32) {
    %c0_i32 = arith.constant 0 : i32
    %c0_i32_0 = arith.constant 0 : i32
    return %arg0, %c0_i32 : i32, i32
  }
  func.func @transform_4(%arg0: i32) -> (i32, i32) {
    %c0_i32 = arith.constant 0 : i32
    %c0_i32_0 = arith.constant 0 : i32
    return %arg0, %c0_i32 : i32, i32
  }
}

</mosaic_0001>

<sc_bundles>
// kernel: kernel.10.cloned.1.call-start
scs
__scs_entry_jumppad:
0x0: {  	(pc) =	sbr.rel $0x88, $3  }
0x1: {  	(tag) =	ssettag $0x0;
	lr =	simm.s32 $0x1  }
0x2: {  	[smem:$0x3F99] =	sst lr;
	_ =	strace $0xD0000000  }
0x3: {  	_ = 	snop  }
0x4: {  	_ = 	snop  }
0x5: {  	_ = 	snop  }
0x6: {  	_ = 	snop  }
0x7: {  	_ = 	snop  }
__scs_overlays_trampoline_lowered:
0x8: {  	[smem:$0x3FA8] =	sst s0  }
0x9: {  	[smem:$0x3FA9] =	sst s1  }
0xa: {  	[smem:$0x3FAA] =	sst s2  }
0xb: {  	[smem:$0x3FAB] =	sst s3  }
0xc: {  	[smem:$0x3FAC] =	sst s4  }
0xd: {  	[smem:$0x3FAD] =	sst s5  }
0xe: {  	[smem:$0x3FAE] =	sst s6  }
0xf: {  	[smem:$0x3FAF] =	sst s7  }
0x10: {  	[smem:$0x3FB0] =	sst s8  }
0x11: {  	[smem:$0x3FB1] =	sst s9;
	s0 =	simm.s32 @!p0 $0x0  }
0x12: {  	s1 =	sld [smem:$0x3F97];
	s0 =	simm.s32 @p0 $0x1  }
0x13: {  	[smem:$0x3FB2] =	sst s0;
	s0 =	simm.s32 @!p1 $0x0  }
0x14: {  	s2 =	sld [smem:$0x3F96];
	s0 =	simm.s32 @p1 $0x1  }
0x15: {  	[smem:$0x3FB3] =	sst s0;
	s0 =	simm.s32 @!p2 $0x0  }
0x16: {  	s3 =	sld [smem:$0x3FDB];
	s0 =	simm.s32 @p2 $0x1  }
0x17: {  	s4 =	simm.s32 $0x1BF5;
	[smem:$0x3FB5] =	sst s0  }
0x18: {  	s0 =	sld [smem:$0x3F98];
	_ =	swait.ge [sflag:s4], $0x0  }
0x19: {  	s7 =	sld [smem:$0x3F99]  }
0x1a: {  	s8 =	sadd.s32 $0xFFFFE003, lr  }
0x1b: {  	s9 =	sadd.s32 $0xFFFFFEF7, lr;
	s5 =	simm.s32 $0xFFFFFFFF;
	p2 =	slt.u32 s8, $0xFFFFF086  }
0x1c: {  	p1 =	slt.u32 s9, $0xF7A;
	s5 =	simm.s32 @!p2 $0x0  }
0x1d: {  	s5 =	simm.s32 @p1 $0x1;
	p0 =	seq.s32 s7, s2  }
0x1e: {  	s7 =	smul.u32 @!p0 $0xF7A, s2;
	p2 =	seq.s32 @!p0 s5, $0x0  }
0x1f: {  	s9 =	smul.u32 $0xF7A, s1;
	s8 =	simm.s32 @!p0 $0x1BF5;
	p2 =	por !p2, p0  }
0x20: {  	[sflag:s8] =	ssyncset.s32 @!p0 $0xFFFFF086;
	s6 =	sadd.s32 @!p0 s3, s7;
	s7 =	simm.s32 @!p0 $0x108  }
0x21: {  	s3 =	sadd.s32 s3, s9;
	s6 =	sadd.s32 @!p0 $0x88, s6;
	s7 =	simm.s32 @p2 $0x1082  }
0x22: {  	[simem:s7], [sflag:s8] =	dma.local @!p0 [hbm:s6], $0xF7A  }
0x23: {  	s9 =	sor.u32 $0xD0000000, s2;
	s6 =	simm.s32 $0x108;
	_ =	swait.ge @!p0 [sflag:s8], $0x0  }
0x24: {  	s3 =	sadd.s32 $0x88, s3;
	s6 =	simm.s32 @!p1 $0x1082;
	[sflag:s4] =	ssyncset.s32 $0xFFFFF086  }
0x25: {  	[simem:s6], [sflag:s4] =	dma.local [hbm:s3], $0xF7A  }
0x26: {  	[smem:$0x3F99] =	sst s1;
	(tag) =	ssettag s2;
	_ =	strace s9  }
0x27: {  	s1 =	sld [smem:$0x3FA9]  }
0x28: {  	s2 =	sld [smem:$0x3FAA]  }
0x29: {  	s4 =	sld [smem:$0x3FAC]  }
0x2a: {  	p0 =	seq.s32 s5, $0x0;
	s5 =	sld [smem:$0x3FAD]  }
0x2b: {  	s6 =	sld [smem:$0x3FAE]  }
0x2c: {  	s7 =	sld [smem:$0x3FAF]  }
0x2d: {  	s3 =	simm.s32 $0x108;
	s8 =	sld [smem:$0x3FB0]  }
0x2e: {  	s3 =	simm.s32 @!p0 $0x1082;
	s9 =	sld [smem:$0x3FB1]  }
0x2f: {  	lr =	sadd.s32 s0, s3;
	s0 =	sld [smem:$0x3FA8]  }
0x30: {  	s3 =	sld [smem:$0x3FAB]  }
0x31: {  	[smem:$0x3FB4] =	sst s10  }
0x32: {  	s10 =	sld [smem:$0x3FB2];
	_ =	sdelay $0x3  }
0x33: {  	p0 =	seq.s32 s10, $0x1;
	s10 =	sld [smem:$0x3FB4];
	_ =	sdelay $0x3  }
0x34: {  	[smem:$0x3FB4] =	sst s10  }
0x35: {  	s10 =	sld [smem:$0x3FB3];
	_ =	sdelay $0x3  }
0x36: {  	p1 =	seq.s32 s10, $0x1;
	s10 =	sld [smem:$0x3FB4];
	_ =	sdelay $0x3  }
0x37: {  	[smem:$0x3FB4] =	sst s10  }
0x38: {  	s10 =	sld [smem:$0x3FB5]  }
0x39: {  	_ = 	snop;
	(pc) =	sbr.ind lr, $3  }
0x3a: {  	_ = 	snop  }
0x3b: {  	_ = 	snop  }
0x3c: {  	p2 =	seq.s32 s10, $0x1;
	s10 =	sld [smem:$0x3FB4]  }
0x3d: {  	_ =	shalt  }
0x3e: {  	_ =	shalt  }
0x3f: {  	_ =	shalt  }
0x40: {  	_ =	shalt  }
0x41: {  	_ =	shalt  }
0x42: {  	_ =	shalt  }
0x43: {  	_ =	shalt  }
0x44: {  	_ =	shalt  }
0x45: {  	_ =	shalt  }
0x46: {  	_ =	shalt  }
0x47: {  	_ =	shalt  }
0x48: {  	_ =	shalt  }
0x49: {  	_ =	shalt  }
0x4a: {  	_ =	shalt  }
0x4b: {  	_ =	shalt  }
0x4c: {  	_ =	shalt  }
0x4d: {  	_ =	shalt  }
0x4e: {  	_ =	shalt  }
0x4f: {  	_ =	shalt  }
0x50: {  	_ =	shalt  }
0x51: {  	_ =	shalt  }
0x52: {  	_ =	shalt  }
0x53: {  	_ =	shalt  }
0x54: {  	_ =	shalt  }
0x55: {  	_ =	shalt  }
0x56: {  	_ =	shalt  }
0x57: {  	_ =	shalt  }
0x58: {  	_ =	shalt  }
0x59: {  	_ =	shalt  }
0x5a: {  	_ =	shalt  }
0x5b: {  	_ =	shalt  }
0x5c: {  	_ =	shalt  }
0x5d: {  	_ =	shalt  }
0x5e: {  	_ =	shalt  }
0x5f: {  	_ =	shalt  }
0x60: {  	_ =	shalt  }
0x61: {  	_ =	shalt  }
0x62: {  	_ =	shalt  }
0x63: {  	_ =	shalt  }
0x64: {  	_ =	shalt  }
0x65: {  	_ =	shalt  }
0x66: {  	_ =	shalt  }
0x67: {  	_ =	shalt  }
0x68: {  	_ =	shalt  }
0x69: {  	_ =	shalt  }
0x6a: {  	_ =	shalt  }
0x6b: {  	_ =	shalt  }
0x6c: {  	_ =	shalt  }
0x6d: {  	_ =	shalt  }
0x6e: {  	_ =	shalt  }
0x6f: {  	_ =	shalt  }
0x70: {  	_ =	shalt  }
0x71: {  	_ =	shalt  }
0x72: {  	_ =	shalt  }
0x73: {  	_ =	shalt  }
0x74: {  	_ =	shalt  }
0x75: {  	_ =	shalt  }
0x76: {  	_ =	shalt  }
0x77: {  	_ =	shalt  }
0x78: {  	_ =	shalt  }
0x79: {  	_ =	shalt  }
0x7a: {  	_ =	shalt  }
0x7b: {  	_ =	shalt  }
0x7c: {  	_ =	shalt  }
0x7d: {  	_ =	shalt  }
0x7e: {  	_ =	shalt  }
0x7f: {  	_ =	shalt  }
0x80: {  	_ =	shalt  }
0x81: {  	_ =	shalt  }
0x82: {  	_ =	shalt  }
0x83: {  	_ =	shalt  }
0x84: {  	_ =	shalt  }
0x85: {  	_ =	shalt  }
0x86: {  	_ =	shalt  }
0x87: {  	_ =	shalt  }
.Lfunc_end0:
.L_simem_size_0:
called_computation.1_lowered:
.L_overlay_start_0:
0x88: {  	s2 =	sld [smem:$0x3FD9]  }
0x89: {  	s3 =	sld [smem:$0x3FFE];
	_ =	sdelay $0x1  }
0x8a: {  	s1 =	srdreg.scid  }
0x8b: {  	s0 =	sand.u32 $0x1, s1  }
0x8c: {  	s14 =	sshll.u32 s0, $0xA;
	s2 =	sadd.s32 s3, s2  }
0x8d: {  	s2 =	sadd.s32 s2, s14  }
0x8e: {  	[smem:$0x3FC0] =	sst s2  }
0x8f: {  	_ = 	snop  }
0x90: {  	s2 =	sld [smem:$0x3FD0];
	_ =	sdelay $0x2  }
0x91: {  	s15 =	simm.s32 $0xA;
	s4 =	simm.s32 $0x10  }
0x92: {  	[smem:s4], [sflag:s15] =	dma.local [hbm:s2], $0x1  }
0x93: {  	_ =	swait.eq [sflag:s15], $0x1  }
0x94: {  	[sflag:s15] =	ssyncset.done $0x0  }
0x95: {  	[sflag:s15] =	ssyncadd.s32 $0xFFFFFFFF  }
0x96: {  	s16 =	sld [smem:$0x10];
	(tm) =	ssettm $0x1  }
0x97: {  	s17 =	sld [smem:$0x3FFB];
	_ =	sdelay $0x3  }
0x98: {  	_ =	strace s17  }
0x99: {  	s3 =	sld [smem:$0x3FFC];
	_ =	sdelay $0x3  }
0x9a: {  	_ =	strace s3  }
0x9b: {  	s3 =	sld [smem:$0x3FFD];
	_ =	sdelay $0x3  }
0x9c: {  	_ =	strace s3  }
0x9d: {  	_ =	strace $0x8FFFFFFF  }
0x9e: {  	s18 =	sld [smem:$0x3FDB];
	_ =	sdelay $0x1  }
0x9f: {  	s19 =	simm.s32 $_scs_section_size  }
0xa0: {  	s5 =	simm.s32 $_size__tile_overlayer_lowered;
	s6 =	simm.s32 $_tile_overlayer_lowered  }
0xa1: {  	s22 =	simm.s32 $0x1BFF;
	s21 =	sshll.u32 s6, $0x1;
	s3 =	sadd.s32 s19, s18  }
0xa2: {  	s7 =	simm.s32 $0x0;
	s20 =	sshll.u32 s5, $0x1;
	s5 =	sadd.s32 s21, s3  }
0xa3: {  	[timem:s7], [sflag:s22] =	dma.local [hbm:s5], s20  }
0xa4: {  	_ =	swait.ge [sflag:s22], s20  }
0xa5: {  	s4 =	ssub.s32 $0x0, s20;
	[sflag:s22] =	ssyncset.done $0x0  }
0xa6: {  	[sflag:s22] =	ssyncadd.s32 s4;
	_ =	sdelay $0x1  }
0xa7: {  	s23 =	simm.s32 $0x1B8B  }
0xa8: {  	_ =	swait.ge [sflag:s23], $0x1  }
0xa9: {  	[sflag:s23] =	ssyncset.done $0x0  }
0xaa: {  	s25 =	simm.s32 $0x1B8E;
	s24 =	sld [smem:$0x3FFE];
	[sflag:s23] =	ssyncadd.s32 $0xFFFFFFFF  }
0xab: {  	s26 =	simm.s32 $execute0_lowered;
	[smem:$0x3FD2] =	sst s25  }
0xac: {  	s5 =	sshll.u32 s26, $0x1;
	_ =	strace $0x80000049;
	[dreg:$0x1] =	wrdreg $0xFFFFFFFF  }
0xad: {  	s28 =	simm.s32 $_size_execute0_lowered;
	s3 =	sadd.s32 s3, s5;
	[dreg:$0x0] =	wrdreg $0x0  }
0xae: {  	s5 =	sshll.u32 s28, $0x1;
	[dreg:$0x2] =	wrdreg s3  }
0xaf: {  	[dreg:$0x3] =	wrdreg s5  }
0xb0: {  	[dreg:$0x4] =	wrdreg $0xC0  }
0xb1: {  	_ =	task [dreg:s7], $0x5FFFF  }
0xb2: {  	[dreg:$0x1] =	wrdreg $0xFFFFFFFF  }
0xb3: {  	[dreg:$0x0] =	wrdreg $0x60  }
0xb4: {  	[dreg:$0x2] =	wrdreg s16  }
0xb5: {  	[dreg:$0x3] =	wrdreg s24  }
0xb6: {  	[dreg:$0x4] =	wrdreg $0x9  }
0xb7: {  	_ =	task.clear_ibuf [dreg:s7], $0x5FFFF;
	_ =	strace $0x90000049  }
0xb8: {  	s29 =	simm.s32 $0x9;
	_ =	strace $0x8000004B  }
0xb9: {  	_ =	swait.ge [sflag:s29], $0x1  }
0xba: {  	[sflag:s29] =	ssyncadd.s32 $0xFFFFFFFF  }
0xbb: {  	_ =	strace $0x9000004B  }
0xbc: {  	_ =	sfence  }
0xbd: {  	s30 =	sld [smem:$0x0];
	_ =	sdelay $0x2  }
0xbe: {  	s31 =	sshll.u32 s1, $0xD;
	s1 =	sshrl.u32 s1, $0x2  }
0xbf: {  	s3 =	sand.u32 $0x4000, s31;
	s1 =	sadd.s32 s1, s30  }
0xc0: {  	s0 =	sor.u32 s3, s0;
	s1 =	sshll.u32 s1, $0x11  }
0xc1: {  	s0 =	sor.u32 s1, s0  }
0xc2: {  	s0 =	sadd.s32 $0x8F2B, s0  }
0xc3: {  	[sflag:s0] =	ssyncadd.remote.s32 $0x1  }
0xc4: {  	_ =	sfence.sel $0xFFFF  }
0xc5: {  	[dreg:$0x0] =	wrdreg $0xFFFFFFFF;
	(pc) =	sbr.abs _section_cstart, $3  }
0xc6: {  	[dreg:$0x1] =	wrdreg $0xFFFFFFFF  }
0xc7: {  	_ =	task.clear_ibuf [dreg:s7], $0x2FFFF;
	_ =	strace $0x9FFFFFFF  }
0xc8: {  	(tm) =	ssettm $0x7FFFFFFF  }
0xc9: {  	_ =	shalt  }
tec
execute0_lowered:
.L_overlay_start_1:
0x0: {  	(tag) =	ssettag $0x1  }
0x1: {  	s0 =	rddreg [dreg:$0x0]  }
0x2: {  	s1 =	rddreg [dreg:$0x1]  }
0x3: {  	s3 =	srdreg.scid;
	s5 =	stileid.u32  }
0x4: {  	s2 =	simm.s32 $0x0;
	s12 =	simm.s32 $0x3;
	s13 =	simm.s32 $0x2000  }
0x5: {  	s14 =	simm.s32 $0x2400;
	s15 =	simm.s32 $0x6400;
	s16 =	simm.s32 $0xA400  }
0x6: {  	s17 =	simm.s32 $0x1;
	s18 =	simm.s32 $0x2C00;
	s19 =	simm.s32 $0x3400  }
0x7: {  	s20 =	simm.s32 $0x3C00;
	s21 =	simm.s32 $0x4400;
	s22 =	simm.s32 $0x4C00  }
0x8: {  	s23 =	simm.s32 $0x5400;
	s24 =	simm.s32 $0x5C00;
	s25 =	simm.s32 $0xE400  }
0x9: {  	s26 =	simm.s32 $0x2;
	s4 =	sand.u32 $0x1, s3;
	s31 =	sshll.u32 s5, $0x1  }
0xa: {  	s30 =	simm.s32 $0x0;
	[smem:$0x7FF] =	sst s2;
	s5 =	sor.u32 s4, s31  }
0xb: {  	s3 =	sadd.s32 $0x62200, s1;
	s7 =	ssub.s32 $0x2, s4;
	s6 =	smul.u32 $0x14000, s5  }
0xc: {  	_ =	strace $0x8000004A;
	s28 =	smul.u32 $0xA0, s5;
	s8 =	sshrl.u32 s7, $0x1  }
0xd: {  	s4 =	sadd.s32 $0x62600, s1;
	s5 =	smul.u32 $0x2800, s5;
	s11 =	ssub.s32 s7, s8  }
0xe: {  	v1 =	vlaneseq.u32;
	v3 =	vimm.s32 $0x2000;
	s8 =	sadd.s32 $0x62700, s1;
	s6 =	sshrl.u32 s6, $0x3;
	s29 =	sadd.s32 $0xA0, s28  }
0xf: {  	vm0 =	vmmov $0xffff;
	v4 =	vand.u32 $0x1, v1;
	v5 =	vand.u32 $0x7, v1;
	s5 =	sadd.s32 s0, s5;
	s11 =	smax.u32 s11, $0x1;
	s10 =	sadd.s32 s0, s6  }
0x10: {  	v6 =	vshrl.u32 v1, $0x3;
	v0 =	vmov s28;
	s28 =	simm.s32 $0x11400;
	v2 =	vmov s29;
	s29 =	simm.s32 $0x11C00;
	s6 =	sadd.s32 $0x800, s10  }
0x11: {  	v7 =	vor.u32 $0x8, v1;
	v4 =	vmul.u32 $0x1000, v4;
	v6 =	vmul.u32 $0x8, v6;
	s7 =	sadd.s32 $0x1000, s10;
	s9 =	sadd.s32 $0x1800, s10;
	s10 =	sadd.s32 $0x2000, s10  }
.LBB2_1:
0x12: {  	[tilespmem:s2], [sflag:$0x3] =	stream.linear.gather [hbm4b:s3+s2], $0x2000, $0x38;
	[tilespmem:$0x12400] =	vst v63  }
0x13: {  	_ =	swait.ge [sflag:s12], $0x2000  }
0x14: {  	[sflag:s12] =	ssyncset.done $0x0  }
0x15: {  	[sflag:s12] =	ssyncadd.s32 $0xFFFFE000  }
0x16: {  	[tilespmem:$0x2000] =	vst v3  }
0x17: {  	[tilespmem:$0x2010] =	vst v3  }
0x18: {  	[tilespmem:$0x2080] =	vst v3  }
0x19: {  	[tilespmem:$0x2090] =	vst v3  }
0x1a: {  	[tilespmem:$0x2100] =	vst v3  }
0x1b: {  	[tilespmem:$0x2110] =	vst v3  }
0x1c: {  	[tilespmem:$0x2180] =	vst v3  }
0x1d: {  	[tilespmem:$0x2190] =	vst v3  }
0x1e: {  	[tilespmem:$0x2200] =	vst v3  }
0x1f: {  	[tilespmem:$0x2210] =	vst v3  }
0x20: {  	s0 =	simm.s32 $0x10;
	s31 =	simm.s32 $0x0;
	s1 =	simm.s32 $0x0;
	v8 =	vld [tilespmem:s2+$0x0]  }
.LBB2_2:
0x21: {  	p0 =	sne.s32 s0, $0x1FF0;
	_ =	sdelay $0x3  }
0x22: {  	vm1 =	vge.s32 v8, v0;
	vm2 =	vlt.s32 v8, v2  }
0x23: {  	v8 =	vsub.s32 v8, v0;
	vm1 =	vmand vm1, vm2  }
0x24: {  	v8 =	vnsel vm1, $0x0, v8  }
0x25: {  	v9 =	vshll.u32 v8, $0x2  }
0x26: {  	v8 =	vand.u32 $0x1F, v8;
	v9 =	vand.u32 $0xFFFFFF80, v9  }
0x27: {  	v8 =	vor.u32 v8, v9;
	_ =	sdelay $0x1  }
.Ltmp0:
0x28: {  	v9 =	vor.u32 s31, v1;
	s31 =	smov.u32 s0;
	(pc) =	sbr.rel @p0 .LBB2_2-.Ltmp0, $4  }
0x29: {  	v9 =	vshrl.u32 v9, $0x1  }
0x2a: {  	v9 =	vor.u32 v4, v9  }
0x2b: {  	s1 =	sadd.s32 $0x10, s1;
	[tilespmem:v8+s13+$0x0] =	vst.idx.msk vm1, v9  }
0x2c: {  	s0 =	sadd.s32 $0x10, s0;
	v8 =	vld [tilespmem:s1+$0x0]  }
0x2d: {  	_ =	sdelay $0x3  }
0x2e: {  	vm1 =	vge.s32 v8, v0;
	vm2 =	vlt.s32 v8, v2  }
0x2f: {  	v8 =	vsub.s32 v8, v0;
	vm1 =	vmand vm1, vm2  }
0x30: {  	v8 =	vnsel vm1, $0x0, v8  }
0x31: {  	v9 =	vshll.u32 v8, $0x2  }
0x32: {  	v8 =	vand.u32 $0x1F, v8;
	v9 =	vand.u32 $0xFFFFFF80, v9  }
0x33: {  	v8 =	vor.u32 v8, v9;
	_ =	sdelay $0x1  }
0x34: {  	v53 =	vor.u32 s31, v1  }
0x35: {  	v9 =	vshrl.u32 v53, $0x1  }
0x36: {  	v9 =	vor.u32 v4, v9  }
0x37: {  	[tilespmem:v8+s13+$0x0] =	vst.idx.msk vm1, v9  }
0x38: {  	[tilespmem:s14], [sflag:$0x1] =	stream.linear.gather [hbm4b:s5+s2], $0x4000, $0x38;
	[tilespmem:$0x12400] =	vst v63  }
0x39: {  	_ = 	snop  }
0x3a: {  	[tilespmem:s15], [sflag:$0x1] =	stream.linear.gather [hbm4b:s6+s2], $0x4000, $0x38;
	[tilespmem:$0x12400] =	vst v63  }
0x3b: {  	_ = 	snop  }
0x3c: {  	[tilespmem:s16], [sflag:$0x1] =	stream.linear.gather [hbm4b:s7+s2], $0x4000, $0x38;
	[tilespmem:$0x12400] =	vst v63  }
0x3d: {  	_ =	swait.ge [sflag:s17], $0x4000  }
0x3e: {  	[sflag:s17] =	ssyncset.done $0x0  }
0x3f: {  	[sflag:s17] =	ssyncadd.s32 $0xFFFFC000  }
0x40: {  	v8 =	vld [tilespmem:$0x2000];
	_ =	sdelay $0x4  }
0x41: {  	v54 =	vshll.u32 v8, $0x2  }
0x42: {  	v8 =	vand.u32 $0x7, v8;
	v9 =	vand.u32 $0xFFFFFFE0, v54  }
0x43: {  	v8 =	vor.u32 v8, v9  }
0x44: {  	v9 =	vperm.xlane v8, v5;
	_ =	sdelay $0x1  }
0x45: {  	v9 =	vadd.s32 v6, v9;
	_ =	sdelay $0x1  }
0x46: {  	v8 =	vperm.xlane v8, v7;
	_ =	sdelay $0x1  }
0x47: {  	v8 =	vadd.s32 v6, v8  }
0x48: {  	[hbm4b:s4+s2] =	stream.indirect_vreg.scatter [tilespmem:s14], [sflag:$0x2], $0x80, v9, vm0, $0xb8;
	[tilespmem:$0x12400] =	vst v63  }
0x49: {  	_ = 	snop  }
0x4a: {  	[hbm4b:s8+s2] =	stream.indirect_vreg.scatter [tilespmem:s18], [sflag:$0x2], $0x80, v9, vm0, $0xb8;
	[tilespmem:$0x12400] =	vst v63  }
0x4b: {  	_ = 	snop  }
0x4c: {  	[hbm4b:s4+s2] =	stream.indirect_vreg.scatter [tilespmem:s19], [sflag:$0x2], $0x80, v8, vm0, $0xb8;
	[tilespmem:$0x12400] =	vst v63  }
0x4d: {  	_ = 	snop  }
0x4e: {  	[hbm4b:s8+s2] =	stream.indirect_vreg.scatter [tilespmem:s20], [sflag:$0x2], $0x80, v8, vm0, $0xb8;
	[tilespmem:$0x12400] =	vst v63  }
0x4f: {  	v8 =	vld [tilespmem:$0x2010];
	_ =	sdelay $0x4  }
0x50: {  	v55 =	vshll.u32 v8, $0x2  }
0x51: {  	v8 =	vand.u32 $0x7, v8;
	v9 =	vand.u32 $0xFFFFFFE0, v55  }
0x52: {  	v8 =	vor.u32 v8, v9  }
0x53: {  	v9 =	vperm.xlane v8, v5;
	_ =	sdelay $0x1  }
0x54: {  	v9 =	vadd.s32 v6, v9;
	_ =	sdelay $0x1  }
0x55: {  	v8 =	vperm.xlane v8, v7;
	_ =	sdelay $0x1  }
0x56: {  	v8 =	vadd.s32 v6, v8  }
0x57: {  	[hbm4b:s4+s2] =	stream.indirect_vreg.scatter [tilespmem:s21], [sflag:$0x2], $0x80, v9, vm0, $0xb8;
	[tilespmem:$0x12400] =	vst v63  }
0x58: {  	_ = 	snop  }
0x59: {  	[hbm4b:s8+s2] =	stream.indirect_vreg.scatter [tilespmem:s22], [sflag:$0x2], $0x80, v9, vm0, $0xb8;
	[tilespmem:$0x12400] =	vst v63  }
0x5a: {  	_ = 	snop  }
0x5b: {  	[hbm4b:s4+s2] =	stream.indirect_vreg.scatter [tilespmem:s23], [sflag:$0x2], $0x80, v8, vm0, $0xb8;
	[tilespmem:$0x12400] =	vst v63  }
0x5c: {  	_ = 	snop  }
0x5d: {  	[hbm4b:s8+s2] =	stream.indirect_vreg.scatter [tilespmem:s24], [sflag:$0x2], $0x80, v8, vm0, $0xb8;
	[tilespmem:$0x12400] =	vst v63  }
0x5e: {  	_ = 	snop  }
0x5f: {  	[tilespmem:s25], [sflag:$0x1] =	stream.linear.gather [hbm4b:s9+s2], $0x4000, $0x38;
	[tilespmem:$0x12400] =	vst v63  }
0x60: {  	_ =	swait.ge [sflag:s17], $0x4000  }
0x61: {  	[sflag:s17] =	ssyncset.done $0x0  }
0x62: {  	[sflag:s17] =	ssyncadd.s32 $0xFFFFC000  }
0x63: {  	v8 =	vld [tilespmem:$0x2080];
	_ =	sdelay $0x4  }
0x64: {  	v56 =	vshll.u32 v8, $0x2  }
0x65: {  	v8 =	vand.u32 $0x7, v8;
	v9 =	vand.u32 $0xFFFFFFE0, v56  }
0x66: {  	v8 =	vor.u32 v8, v9  }
0x67: {  	v9 =	vperm.xlane v8, v5;
	_ =	sdelay $0x1  }
0x68: {  	v9 =	vadd.s32 v6, v9;
	_ =	sdelay $0x1  }
0x69: {  	v8 =	vperm.xlane v8, v7;
	_ =	sdelay $0x1  }
0x6a: {  	v8 =	vadd.s32 v6, v8  }
0x6b: {  	[hbm4b:s4+s2] =	stream.indirect_vreg.scatter [tilespmem:s15], [sflag:$0x2], $0x80, v9, vm0, $0xb8;
	[tilespmem:$0x12400] =	vst v63  }
0x6c: {  	s0 =	simm.s32 $0x6C00  }
0x6d: {  	[hbm4b:s8+s2] =	stream.indirect_vreg.scatter [tilespmem:s0], [sflag:$0x2], $0x80, v9, vm0, $0xb8;
	[tilespmem:$0x12400] =	vst v63  }
0x6e: {  	s1 =	simm.s32 $0x7400  }
0x6f: {  	[hbm4b:s4+s2] =	stream.indirect_vreg.scatter [tilespmem:s1], [sflag:$0x2], $0x80, v8, vm0, $0xb8;
	[tilespmem:$0x12400] =	vst v63  }
0x70: {  	s31 =	simm.s32 $0x7C00  }
0x71: {  	[hbm4b:s8+s2] =	stream.indirect_vreg.scatter [tilespmem:s31], [sflag:$0x2], $0x80, v8, vm0, $0xb8;
	[tilespmem:$0x12400] =	vst v63  }
0x72: {  	v8 =	vld [tilespmem:$0x2090];
	_ =	sdelay $0x4  }
0x73: {  	v57 =	vshll.u32 v8, $0x2  }
0x74: {  	v8 =	vand.u32 $0x7, v8;
	v9 =	vand.u32 $0xFFFFFFE0, v57  }
0x75: {  	v8 =	vor.u32 v8, v9  }
0x76: {  	v9 =	vperm.xlane v8, v5;
	_ =	sdelay $0x1  }
0x77: {  	v9 =	vadd.s32 v6, v9;
	_ =	sdelay $0x1  }
0x78: {  	v8 =	vperm.xlane v8, v7;
	_ =	sdelay $0x1  }
0x79: {  	s1 =	simm.s32 $0x8400;
	v8 =	vadd.s32 v6, v8  }
0x7a: {  	[hbm4b:s4+s2] =	stream.indirect_vreg.scatter [tilespmem:s1], [sflag:$0x2], $0x80, v9, vm0, $0xb8;
	[tilespmem:$0x12400] =	vst v63  }
0x7b: {  	s31 =	simm.s32 $0x8C00  }
0x7c: {  	[hbm4b:s8+s2] =	stream.indirect_vreg.scatter [tilespmem:s31], [sflag:$0x2], $0x80, v9, vm0, $0xb8;
	[tilespmem:$0x12400] =	vst v63  }
0x7d: {  	s1 =	simm.s32 $0x9400  }
0x7e: {  	[hbm4b:s4+s2] =	stream.indirect_vreg.scatter [tilespmem:s1], [sflag:$0x2], $0x80, v8, vm0, $0xb8;
	[tilespmem:$0x12400] =	vst v63  }
0x7f: {  	s31 =	simm.s32 $0x9C00  }
0x80: {  	[hbm4b:s8+s2] =	stream.indirect_vreg.scatter [tilespmem:s31], [sflag:$0x2], $0x80, v8, vm0, $0xb8;
	[tilespmem:$0x12400] =	vst v63  }
0x81: {  	_ =	swait.ge [sflag:s26], $0x4000  }
0x82: {  	[sflag:s26] =	ssyncset.done $0x0  }
0x83: {  	[sflag:s26] =	ssyncadd.s32 $0xFFFFC000  }
0x84: {  	[tilespmem:s14], [sflag:$0x1] =	stream.linear.gather [hbm4b:s10+s2], $0x4000, $0x38;
	[tilespmem:$0x12400] =	vst v63  }
0x85: {  	_ =	swait.ge [sflag:s17], $0x4000  }
0x86: {  	[sflag:s17] =	ssyncset.done $0x0  }
0x87: {  	[sflag:s17] =	ssyncadd.s32 $0xFFFFC000  }
0x88: {  	v8 =	vld [tilespmem:$0x2100];
	_ =	sdelay $0x4  }
0x89: {  	v58 =	vshll.u32 v8, $0x2  }
0x8a: {  	v8 =	vand.u32 $0x7, v8;
	v9 =	vand.u32 $0xFFFFFFE0, v58  }
0x8b: {  	v8 =	vor.u32 v8, v9  }
0x8c: {  	v9 =	vperm.xlane v8, v5;
	_ =	sdelay $0x1  }
0x8d: {  	v9 =	vadd.s32 v6, v9;
	_ =	sdelay $0x1  }
0x8e: {  	v8 =	vperm.xlane v8, v7;
	_ =	sdelay $0x1  }
0x8f: {  	v8 =	vadd.s32 v6, v8  }
0x90: {  	[hbm4b:s4+s2] =	stream.indirect_vreg.scatter [tilespmem:s16], [sflag:$0x2], $0x80, v9, vm0, $0xb8;
	[tilespmem:$0x12400] =	vst v63  }
0x91: {  	s1 =	simm.s32 $0xAC00  }
0x92: {  	[hbm4b:s8+s2] =	stream.indirect_vreg.scatter [tilespmem:s1], [sflag:$0x2], $0x80, v9, vm0, $0xb8;
	[tilespmem:$0x12400] =	vst v63  }
0x93: {  	s31 =	simm.s32 $0xB400  }
0x94: {  	[hbm4b:s4+s2] =	stream.indirect_vreg.scatter [tilespmem:s31], [sflag:$0x2], $0x80, v8, vm0, $0xb8;
	[tilespmem:$0x12400] =	vst v63  }
0x95: {  	s1 =	simm.s32 $0xBC00  }
0x96: {  	[hbm4b:s8+s2] =	stream.indirect_vreg.scatter [tilespmem:s1], [sflag:$0x2], $0x80, v8, vm0, $0xb8;
	[tilespmem:$0x12400] =	vst v63  }
0x97: {  	v8 =	vld [tilespmem:$0x2110];
	_ =	sdelay $0x4  }
0x98: {  	v59 =	vshll.u32 v8, $0x2  }
0x99: {  	v8 =	vand.u32 $0x7, v8;
	v9 =	vand.u32 $0xFFFFFFE0, v59  }
0x9a: {  	v8 =	vor.u32 v8, v9  }
0x9b: {  	v9 =	vperm.xlane v8, v5;
	_ =	sdelay $0x1  }
0x9c: {  	v9 =	vadd.s32 v6, v9;
	_ =	sdelay $0x1  }
0x9d: {  	v8 =	vperm.xlane v8, v7;
	_ =	sdelay $0x1  }
0x9e: {  	s31 =	simm.s32 $0xC400;
	v8 =	vadd.s32 v6, v8  }
0x9f: {  	[hbm4b:s4+s2] =	stream.indirect_vreg.scatter [tilespmem:s31], [sflag:$0x2], $0x80, v9, vm0, $0xb8;
	[tilespmem:$0x12400] =	vst v63  }
0xa0: {  	s1 =	simm.s32 $0xCC00  }
0xa1: {  	[hbm4b:s8+s2] =	stream.indirect_vreg.scatter [tilespmem:s1], [sflag:$0x2], $0x80, v9, vm0, $0xb8;
	[tilespmem:$0x12400] =	vst v63  }
0xa2: {  	s31 =	simm.s32 $0xD400  }
0xa3: {  	[hbm4b:s4+s2] =	stream.indirect_vreg.scatter [tilespmem:s31], [sflag:$0x2], $0x80, v8, vm0, $0xb8;
	[tilespmem:$0x12400] =	vst v63  }
0xa4: {  	s1 =	simm.s32 $0xDC00  }
0xa5: {  	[hbm4b:s8+s2] =	stream.indirect_vreg.scatter [tilespmem:s1], [sflag:$0x2], $0x80, v8, vm0, $0xb8;
	[tilespmem:$0x12400] =	vst v63  }
0xa6: {  	_ =	swait.ge [sflag:s17], $0x4000  }
0xa7: {  	[sflag:s17] =	ssyncset.done $0x0  }
0xa8: {  	[sflag:s17] =	ssyncadd.s32 $0xFFFFC000  }
0xa9: {  	v8 =	vld [tilespmem:$0x2180];
	_ =	sdelay $0x4  }
0xaa: {  	v60 =	vshll.u32 v8, $0x2  }
0xab: {  	v8 =	vand.u32 $0x7, v8;
	v9 =	vand.u32 $0xFFFFFFE0, v60  }
0xac: {  	v8 =	vor.u32 v8, v9  }
0xad: {  	v9 =	vperm.xlane v8, v5;
	_ =	sdelay $0x1  }
0xae: {  	v9 =	vadd.s32 v6, v9;
	_ =	sdelay $0x1  }
0xaf: {  	v8 =	vperm.xlane v8, v7;
	_ =	sdelay $0x1  }
0xb0: {  	v8 =	vadd.s32 v6, v8  }
0xb1: {  	[hbm4b:s4+s2] =	stream.indirect_vreg.scatter [tilespmem:s25], [sflag:$0x2], $0x80, v9, vm0, $0xb8;
	[tilespmem:$0x12400] =	vst v63  }
0xb2: {  	s31 =	simm.s32 $0xEC00  }
0xb3: {  	[hbm4b:s8+s2] =	stream.indirect_vreg.scatter [tilespmem:s31], [sflag:$0x2], $0x80, v9, vm0, $0xb8;
	[tilespmem:$0x12400] =	vst v63  }
0xb4: {  	s1 =	simm.s32 $0xF400  }
0xb5: {  	[hbm4b:s4+s2] =	stream.indirect_vreg.scatter [tilespmem:s1], [sflag:$0x2], $0x80, v8, vm0, $0xb8;
	[tilespmem:$0x12400] =	vst v63  }
0xb6: {  	s31 =	simm.s32 $0xFC00  }
0xb7: {  	[hbm4b:s8+s2] =	stream.indirect_vreg.scatter [tilespmem:s31], [sflag:$0x2], $0x80, v8, vm0, $0xb8;
	[tilespmem:$0x12400] =	vst v63  }
0xb8: {  	v8 =	vld [tilespmem:$0x2190];
	_ =	sdelay $0x4  }
0xb9: {  	v61 =	vshll.u32 v8, $0x2  }
0xba: {  	v8 =	vand.u32 $0x7, v8;
	v9 =	vand.u32 $0xFFFFFFE0, v61  }
0xbb: {  	v8 =	vor.u32 v8, v9  }
0xbc: {  	v9 =	vperm.xlane v8, v5;
	_ =	sdelay $0x1  }
0xbd: {  	v9 =	vadd.s32 v6, v9;
	_ =	sdelay $0x1  }
0xbe: {  	v8 =	vperm.xlane v8, v7;
	_ =	sdelay $0x1  }
0xbf: {  	s1 =	simm.s32 $0x10400;
	v8 =	vadd.s32 v6, v8  }
0xc0: {  	[hbm4b:s4+s2] =	stream.indirect_vreg.scatter [tilespmem:s1], [sflag:$0x2], $0x80, v9, vm0, $0xb8;
	[tilespmem:$0x12400] =	vst v63  }
0xc1: {  	s31 =	simm.s32 $0x10C00  }
0xc2: {  	[hbm4b:s8+s2] =	stream.indirect_vreg.scatter [tilespmem:s31], [sflag:$0x2], $0x80, v9, vm0, $0xb8;
	[tilespmem:$0x12400] =	vst v63  }
0xc3: {  	_ = 	snop  }
0xc4: {  	[hbm4b:s4+s2] =	stream.indirect_vreg.scatter [tilespmem:s28], [sflag:$0x2], $0x80, v8, vm0, $0xb8;
	[tilespmem:$0x12400] =	vst v63  }
0xc5: {  	_ = 	snop  }
0xc6: {  	[hbm4b:s8+s2] =	stream.indirect_vreg.scatter [tilespmem:s29], [sflag:$0x2], $0x80, v8, vm0, $0xb8;
	[tilespmem:$0x12400] =	vst v63  }
0xc7: {  	_ =	swait.ge [sflag:s17], $0x4000  }
0xc8: {  	[sflag:s17] =	ssyncset.done $0x0  }
0xc9: {  	[sflag:s17] =	ssyncadd.s32 $0xFFFFC000  }
0xca: {  	v8 =	vld [tilespmem:$0x2200];
	_ =	sdelay $0x4  }
0xcb: {  	v62 =	vshll.u32 v8, $0x2  }
0xcc: {  	v8 =	vand.u32 $0x7, v8;
	v9 =	vand.u32 $0xFFFFFFE0, v62  }
0xcd: {  	v8 =	vor.u32 v8, v9  }
0xce: {  	v9 =	vperm.xlane v8, v5;
	_ =	sdelay $0x1  }
0xcf: {  	v9 =	vadd.s32 v6, v9;
	_ =	sdelay $0x1  }
0xd0: {  	v8 =	vperm.xlane v8, v7;
	_ =	sdelay $0x1  }
0xd1: {  	v8 =	vadd.s32 v6, v8  }
0xd2: {  	[hbm4b:s4+s2] =	stream.indirect_vreg.scatter [tilespmem:s14], [sflag:$0x2], $0x80, v9, vm0, $0xb8;
	[tilespmem:$0x12400] =	vst v63  }
0xd3: {  	_ = 	snop  }
0xd4: {  	[hbm4b:s8+s2] =	stream.indirect_vreg.scatter [tilespmem:s18], [sflag:$0x2], $0x80, v9, vm0, $0xb8;
	[tilespmem:$0x12400] =	vst v63  }
0xd5: {  	_ = 	snop  }
0xd6: {  	[hbm4b:s4+s2] =	stream.indirect_vreg.scatter [tilespmem:s19], [sflag:$0x2], $0x80, v8, vm0, $0xb8;
	[tilespmem:$0x12400] =	vst v63  }
0xd7: {  	_ = 	snop  }
0xd8: {  	[hbm4b:s8+s2] =	stream.indirect_vreg.scatter [tilespmem:s20], [sflag:$0x2], $0x80, v8, vm0, $0xb8;
	[tilespmem:$0x12400] =	vst v63  }
0xd9: {  	v8 =	vld [tilespmem:$0x2210];
	_ =	sdelay $0x4  }
0xda: {  	v63 =	vshll.u32 v8, $0x2  }
0xdb: {  	v8 =	vand.u32 $0x7, v8;
	v9 =	vand.u32 $0xFFFFFFE0, v63  }
0xdc: {  	v8 =	vor.u32 v8, v9  }
0xdd: {  	v9 =	vperm.xlane v8, v5;
	_ =	sdelay $0x1  }
0xde: {  	v9 =	vadd.s32 v6, v9;
	_ =	sdelay $0x1  }
0xdf: {  	v8 =	vperm.xlane v8, v7;
	_ =	sdelay $0x1  }
0xe0: {  	v8 =	vadd.s32 v6, v8  }
0xe1: {  	[hbm4b:s4+s2] =	stream.indirect_vreg.scatter [tilespmem:s21], [sflag:$0x2], $0x80, v9, vm0, $0xb8;
	[tilespmem:$0x12400] =	vst v63  }
0xe2: {  	_ = 	snop  }
0xe3: {  	[hbm4b:s8+s2] =	stream.indirect_vreg.scatter [tilespmem:s22], [sflag:$0x2], $0x80, v9, vm0, $0xb8;
	[tilespmem:$0x12400] =	vst v63  }
0xe4: {  	_ = 	snop  }
0xe5: {  	[hbm4b:s4+s2] =	stream.indirect_vreg.scatter [tilespmem:s23], [sflag:$0x2], $0x80, v8, vm0, $0xb8;
	[tilespmem:$0x12400] =	vst v63  }
0xe6: {  	_ = 	snop  }
0xe7: {  	[hbm4b:s8+s2] =	stream.indirect_vreg.scatter [tilespmem:s24], [sflag:$0x2], $0x80, v8, vm0, $0xb8;
	[tilespmem:$0x12400] =	vst v63  }
0xe8: {  	_ =	swait.ge [sflag:s26], $0x4000  }
0xe9: {  	[sflag:s26] =	ssyncset.done $0x0  }
0xea: {  	[sflag:s26] =	ssyncadd.s32 $0xFFFFC000  }
0xeb: {  	_ =	swait.ge [sflag:s26], $0x4000  }
0xec: {  	[sflag:s26] =	ssyncset.done $0x0  }
0xed: {  	s30 =	sadd.s32 $0x1, s30;
	[sflag:s26] =	ssyncadd.s32 $0xFFFFC000  }
0xee: {  	p0 =	sne.s32 s30, s11;
	_ =	swait.ge [sflag:s26], $0x4000  }
.Ltmp1:
0xef: {  	[sflag:s26] =	ssyncset.done $0x0;
	(pc) =	sbr.rel @p0 .LBB2_1-.Ltmp1, $4  }
0xf0: {  	[sflag:s26] =	ssyncadd.s32 $0xFFFFC000  }
0xf1: {  	_ =	swait.ge [sflag:s26], $0x4000  }
0xf2: {  	[sflag:s26] =	ssyncset.done $0x0  }
0xf3: {  	[sflag:s26] =	ssyncadd.s32 $0xFFFFC000  }
0xf4: {  	_ =	sfence.sel $0x180000  }
0xf5: {  	[bflag:$0x0] =	sbarrier.arrive $0xFFFF  }
0xf6: {  	_ =	strace $0x9000004A  }
0xf7: {  	s0 =	stileid.u32;
	[bflag:$0x2] =	sbarrier.arrive $0xFFFF  }
0xf8: {  	p0 =	sne.s32 s0, $0x0;
	s0 =	rddreg [dreg:$0x2]  }
0xf9: {  	s0 =	sadd.s32 @!p0 $0x100000, s0  }
0xfa: {  	[sflag:s0] =	ssyncadd.tile.s32 @!p0 $0x1;
	_ =	shalt  }
.Lfunc_end2:
_tile_overlayer_lowered:
.L_overlay_start_2:
0xfb: {  	(tag) =	ssettag $0x2  }
0xfc: {  	s0 =	rddreg [dreg:$0x0];
	s2 =	stileid.u32  }
0xfd: {  	s1 =	rddreg [dreg:$0x1];
	p0 =	sne.s32 s2, $0x0  }
0xfe: {  	s3 =	rddreg [dreg:$0x2];
	[bflag:$0x3] =	sbarrier.arrive $0xFFFF;
	s2 =	simm.s32 @!p0 $0x1C03  }
0xff: {  	[timem:s3], [sflag:s2] =	dma.local @!p0 [hbm:s0], s1  }
0x100: {  	s0 =	simm.s32 @!p0 $0x3  }
0x101: {  	_ =	swait.ge @!p0 [sflag:s0], s1  }
0x102: {  	s1 =	ssub.s32 @!p0 $0x0, s1;
	[sflag:s0] =	ssyncset.done @!p0 $0x0  }
0x103: {  	[sflag:s0] =	ssyncadd.s32 @!p0 s1  }
0x104: {  	[bflag:$0x3] =	sbarrier.arrive $0xFFFF  }
0x105: {  	_ =	shalt  }

// kernel: kernel.7.cloned.1.call-start
scs
__scs_entry_jumppad:
0x0: {  	(pc) =	sbr.rel $0x88, $3  }
0x1: {  	(tag) =	ssettag $0x0;
	lr =	simm.s32 $0x1  }
0x2: {  	[smem:$0x3F99] =	sst lr;
	_ =	strace $0xD0000000  }
0x3: {  	_ = 	snop  }
0x4: {  	_ = 	snop  }
0x5: {  	_ = 	snop  }
0x6: {  	_ = 	snop  }
0x7: {  	_ = 	snop  }
__scs_overlays_trampoline_lowered:
0x8: {  	[smem:$0x3FA8] =	sst s0  }
0x9: {  	[smem:$0x3FA9] =	sst s1  }
0xa: {  	[smem:$0x3FAA] =	sst s2  }
0xb: {  	[smem:$0x3FAB] =	sst s3  }
0xc: {  	[smem:$0x3FAC] =	sst s4  }
0xd: {  	[smem:$0x3FAD] =	sst s5  }
0xe: {  	[smem:$0x3FAE] =	sst s6  }
0xf: {  	[smem:$0x3FAF] =	sst s7  }
0x10: {  	[smem:$0x3FB0] =	sst s8  }
0x11: {  	[smem:$0x3FB1] =	sst s9;
	s0 =	simm.s32 @!p0 $0x0  }
0x12: {  	s1 =	sld [smem:$0x3F97];
	s0 =	simm.s32 @p0 $0x1  }
0x13: {  	[smem:$0x3FB2] =	sst s0;
	s0 =	simm.s32 @!p1 $0x0  }
0x14: {  	s2 =	sld [smem:$0x3F96];
	s0 =	simm.s32 @p1 $0x1  }
0x15: {  	[smem:$0x3FB3] =	sst s0;
	s0 =	simm.s32 @!p2 $0x0  }
0x16: {  	s3 =	sld [smem:$0x3FDB];
	s0 =	simm.s32 @p2 $0x1  }
0x17: {  	s4 =	simm.s32 $0x1BF5;
	[smem:$0x3FB5] =	sst s0  }
0x18: {  	s0 =	sld [smem:$0x3F98];
	_ =	swait.ge [sflag:s4], $0x0  }
0x19: {  	s7 =	sld [smem:$0x3F99]  }
0x1a: {  	s8 =	sadd.s32 $0xFFFFE003, lr  }
0x1b: {  	s9 =	sadd.s32 $0xFFFFFEF7, lr;
	s5 =	simm.s32 $0xFFFFFFFF;
	p2 =	slt.u32 s8, $0xFFFFF086  }
0x1c: {  	p1 =	slt.u32 s9, $0xF7A;
	s5 =	simm.s32 @!p2 $0x0  }
0x1d: {  	s5 =	simm.s32 @p1 $0x1;
	p0 =	seq.s32 s7, s2  }
0x1e: {  	s7 =	smul.u32 @!p0 $0xF7A, s2;
	p2 =	seq.s32 @!p0 s5, $0x0  }
0x1f: {  	s9 =	smul.u32 $0xF7A, s1;
	s8 =	simm.s32 @!p0 $0x1BF5;
	p2 =	por !p2, p0  }
0x20: {  	[sflag:s8] =	ssyncset.s32 @!p0 $0xFFFFF086;
	s6 =	sadd.s32 @!p0 s3, s7;
	s7 =	simm.s32 @!p0 $0x108  }
0x21: {  	s3 =	sadd.s32 s3, s9;
	s6 =	sadd.s32 @!p0 $0x88, s6;
	s7 =	simm.s32 @p2 $0x1082  }
0x22: {  	[simem:s7], [sflag:s8] =	dma.local @!p0 [hbm:s6], $0xF7A  }
0x23: {  	s9 =	sor.u32 $0xD0000000, s2;
	s6 =	simm.s32 $0x108;
	_ =	swait.ge @!p0 [sflag:s8], $0x0  }
0x24: {  	s3 =	sadd.s32 $0x88, s3;
	s6 =	simm.s32 @!p1 $0x1082;
	[sflag:s4] =	ssyncset.s32 $0xFFFFF086  }
0x25: {  	[simem:s6], [sflag:s4] =	dma.local [hbm:s3], $0xF7A  }
0x26: {  	[smem:$0x3F99] =	sst s1;
	(tag) =	ssettag s2;
	_ =	strace s9  }
0x27: {  	s1 =	sld [smem:$0x3FA9]  }
0x28: {  	s2 =	sld [smem:$0x3FAA]  }
0x29: {  	s4 =	sld [smem:$0x3FAC]  }
0x2a: {  	p0 =	seq.s32 s5, $0x0;
	s5 =	sld [smem:$0x3FAD]  }
0x2b: {  	s6 =	sld [smem:$0x3FAE]  }
0x2c: {  	s7 =	sld [smem:$0x3FAF]  }
0x2d: {  	s3 =	simm.s32 $0x108;
	s8 =	sld [smem:$0x3FB0]  }
0x2e: {  	s3 =	simm.s32 @!p0 $0x1082;
	s9 =	sld [smem:$0x3FB1]  }
0x2f: {  	lr =	sadd.s32 s0, s3;
	s0 =	sld [smem:$0x3FA8]  }
0x30: {  	s3 =	sld [smem:$0x3FAB]  }
0x31: {  	[smem:$0x3FB4] =	sst s10  }
0x32: {  	s10 =	sld [smem:$0x3FB2];
	_ =	sdelay $0x3  }
0x33: {  	p0 =	seq.s32 s10, $0x1;
	s10 =	sld [smem:$0x3FB4];
	_ =	sdelay $0x3  }
0x34: {  	[smem:$0x3FB4] =	sst s10  }
0x35: {  	s10 =	sld [smem:$0x3FB3];
	_ =	sdelay $0x3  }
0x36: {  	p1 =	seq.s32 s10, $0x1;
	s10 =	sld [smem:$0x3FB4];
	_ =	sdelay $0x3  }
0x37: {  	[smem:$0x3FB4] =	sst s10  }
0x38: {  	s10 =	sld [smem:$0x3FB5]  }
0x39: {  	_ = 	snop;
	(pc) =	sbr.ind lr, $3  }
0x3a: {  	_ = 	snop  }
0x3b: {  	_ = 	snop  }
0x3c: {  	p2 =	seq.s32 s10, $0x1;
	s10 =	sld [smem:$0x3FB4]  }
0x3d: {  	_ =	shalt  }
0x3e: {  	_ =	shalt  }
0x3f: {  	_ =	shalt  }
0x40: {  	_ =	shalt  }
0x41: {  	_ =	shalt  }
0x42: {  	_ =	shalt  }
0x43: {  	_ =	shalt  }
0x44: {  	_ =	shalt  }
0x45: {  	_ =	shalt  }
0x46: {  	_ =	shalt  }
0x47: {  	_ =	shalt  }
0x48: {  	_ =	shalt  }
0x49: {  	_ =	shalt  }
0x4a: {  	_ =	shalt  }
0x4b: {  	_ =	shalt  }
0x4c: {  	_ =	shalt  }
0x4d: {  	_ =	shalt  }
0x4e: {  	_ =	shalt  }
0x4f: {  	_ =	shalt  }
0x50: {  	_ =	shalt  }
0x51: {  	_ =	shalt  }
0x52: {  	_ =	shalt  }
0x53: {  	_ =	shalt  }
0x54: {  	_ =	shalt  }
0x55: {  	_ =	shalt  }
0x56: {  	_ =	shalt  }
0x57: {  	_ =	shalt  }
0x58: {  	_ =	shalt  }
0x59: {  	_ =	shalt  }
0x5a: {  	_ =	shalt  }
0x5b: {  	_ =	shalt  }
0x5c: {  	_ =	shalt  }
0x5d: {  	_ =	shalt  }
0x5e: {  	_ =	shalt  }
0x5f: {  	_ =	shalt  }
0x60: {  	_ =	shalt  }
0x61: {  	_ =	shalt  }
0x62: {  	_ =	shalt  }
0x63: {  	_ =	shalt  }
0x64: {  	_ =	shalt  }
0x65: {  	_ =	shalt  }
0x66: {  	_ =	shalt  }
0x67: {  	_ =	shalt  }
0x68: {  	_ =	shalt  }
0x69: {  	_ =	shalt  }
0x6a: {  	_ =	shalt  }
0x6b: {  	_ =	shalt  }
0x6c: {  	_ =	shalt  }
0x6d: {  	_ =	shalt  }
0x6e: {  	_ =	shalt  }
0x6f: {  	_ =	shalt  }
0x70: {  	_ =	shalt  }
0x71: {  	_ =	shalt  }
0x72: {  	_ =	shalt  }
0x73: {  	_ =	shalt  }
0x74: {  	_ =	shalt  }
0x75: {  	_ =	shalt  }
0x76: {  	_ =	shalt  }
0x77: {  	_ =	shalt  }
0x78: {  	_ =	shalt  }
0x79: {  	_ =	shalt  }
0x7a: {  	_ =	shalt  }
0x7b: {  	_ =	shalt  }
0x7c: {  	_ =	shalt  }
0x7d: {  	_ =	shalt  }
0x7e: {  	_ =	shalt  }
0x7f: {  	_ =	shalt  }
0x80: {  	_ =	shalt  }
0x81: {  	_ =	shalt  }
0x82: {  	_ =	shalt  }
0x83: {  	_ =	shalt  }
0x84: {  	_ =	shalt  }
0x85: {  	_ =	shalt  }
0x86: {  	_ =	shalt  }
0x87: {  	_ =	shalt  }
.Lfunc_end0:
.L_simem_size_0:
called_computation_lowered:
.L_overlay_start_0:
0x88: {  	s2 =	sld [smem:$0x3FD9]  }
0x89: {  	s3 =	sld [smem:$0x3FFE];
	_ =	sdelay $0x1  }
0x8a: {  	s1 =	srdreg.scid  }
0x8b: {  	s0 =	sand.u32 $0x1, s1  }
0x8c: {  	s14 =	sshll.u32 s0, $0xA;
	s2 =	sadd.s32 s3, s2  }
0x8d: {  	s2 =	sadd.s32 s2, s14  }
0x8e: {  	[smem:$0x3FC0] =	sst s2  }
0x8f: {  	_ = 	snop  }
0x90: {  	s2 =	sld [smem:$0x3FD0];
	_ =	sdelay $0x2  }
0x91: {  	s15 =	simm.s32 $0xA;
	s4 =	simm.s32 $0x10  }
0x92: {  	[smem:s4], [sflag:s15] =	dma.local [hbm:s2], $0x1  }
0x93: {  	_ =	swait.eq [sflag:s15], $0x1  }
0x94: {  	[sflag:s15] =	ssyncset.done $0x0  }
0x95: {  	[sflag:s15] =	ssyncadd.s32 $0xFFFFFFFF  }
0x96: {  	s16 =	sld [smem:$0x10];
	(tm) =	ssettm $0x1  }
0x97: {  	s17 =	sld [smem:$0x3FFB];
	_ =	sdelay $0x3  }
0x98: {  	_ =	strace s17  }
0x99: {  	s3 =	sld [smem:$0x3FFC];
	_ =	sdelay $0x3  }
0x9a: {  	_ =	strace s3  }
0x9b: {  	s3 =	sld [smem:$0x3FFD];
	_ =	sdelay $0x3  }
0x9c: {  	_ =	strace s3  }
0x9d: {  	_ =	strace $0x8FFFFFFF  }
0x9e: {  	s18 =	sld [smem:$0x3FDB];
	_ =	sdelay $0x1  }
0x9f: {  	s19 =	simm.s32 $_scs_section_size  }
0xa0: {  	s5 =	simm.s32 $_size__tile_overlayer_lowered;
	s6 =	simm.s32 $_tile_overlayer_lowered  }
0xa1: {  	s22 =	simm.s32 $0x1BFF;
	s21 =	sshll.u32 s6, $0x1;
	s3 =	sadd.s32 s19, s18  }
0xa2: {  	s7 =	simm.s32 $0x0;
	s20 =	sshll.u32 s5, $0x1;
	s5 =	sadd.s32 s21, s3  }
0xa3: {  	[timem:s7], [sflag:s22] =	dma.local [hbm:s5], s20  }
0xa4: {  	_ =	swait.ge [sflag:s22], s20  }
0xa5: {  	s4 =	ssub.s32 $0x0, s20;
	[sflag:s22] =	ssyncset.done $0x0  }
0xa6: {  	[sflag:s22] =	ssyncadd.s32 s4;
	_ =	sdelay $0x1  }
0xa7: {  	s23 =	simm.s32 $0x1B8B  }
0xa8: {  	_ =	swait.ge [sflag:s23], $0x1  }
0xa9: {  	[sflag:s23] =	ssyncset.done $0x0  }
0xaa: {  	s25 =	simm.s32 $0x1B8E;
	s24 =	sld [smem:$0x3FFE];
	[sflag:s23] =	ssyncadd.s32 $0xFFFFFFFF  }
0xab: {  	s26 =	simm.s32 $execute0_lowered;
	[smem:$0x3FD2] =	sst s25  }
0xac: {  	s5 =	sshll.u32 s26, $0x1;
	_ =	strace $0x80000046;
	[dreg:$0x1] =	wrdreg $0xFFFFFFFF  }
0xad: {  	s28 =	simm.s32 $_size_execute0_lowered;
	s3 =	sadd.s32 s3, s5;
	[dreg:$0x0] =	wrdreg $0x0  }
0xae: {  	s5 =	sshll.u32 s28, $0x1;
	[dreg:$0x2] =	wrdreg s3  }
0xaf: {  	[dreg:$0x3] =	wrdreg s5  }
0xb0: {  	[dreg:$0x4] =	wrdreg $0xC0  }
0xb1: {  	_ =	task [dreg:s7], $0x5FFFF  }
0xb2: {  	[dreg:$0x1] =	wrdreg $0xFFFFFFFF  }
0xb3: {  	[dreg:$0x0] =	wrdreg $0x60  }
0xb4: {  	[dreg:$0x2] =	wrdreg s24  }
0xb5: {  	[dreg:$0x3] =	wrdreg s16  }
0xb6: {  	[dreg:$0x4] =	wrdreg $0x9  }
0xb7: {  	_ =	task.clear_ibuf [dreg:s7], $0x5FFFF;
	_ =	strace $0x90000046  }
0xb8: {  	s29 =	simm.s32 $0x9;
	_ =	strace $0x80000048  }
0xb9: {  	_ =	swait.ge [sflag:s29], $0x1  }
0xba: {  	[sflag:s29] =	ssyncadd.s32 $0xFFFFFFFF  }
0xbb: {  	_ =	strace $0x90000048  }
0xbc: {  	_ =	sfence  }
0xbd: {  	s30 =	sld [smem:$0x0];
	_ =	sdelay $0x2  }
0xbe: {  	s31 =	sshll.u32 s1, $0xD;
	s1 =	sshrl.u32 s1, $0x2  }
0xbf: {  	s3 =	sand.u32 $0x4000, s31;
	s1 =	sadd.s32 s1, s30  }
0xc0: {  	s0 =	sor.u32 s3, s0;
	s1 =	sshll.u32 s1, $0x11  }
0xc1: {  	s0 =	sor.u32 s1, s0  }
0xc2: {  	s0 =	sadd.s32 $0x8F2B, s0  }
0xc3: {  	[sflag:s0] =	ssyncadd.remote.s32 $0x1  }
0xc4: {  	_ =	sfence.sel $0xFFFF  }
0xc5: {  	[dreg:$0x0] =	wrdreg $0xFFFFFFFF;
	(pc) =	sbr.abs _section_cstart, $3  }
0xc6: {  	[dreg:$0x1] =	wrdreg $0xFFFFFFFF  }
0xc7: {  	_ =	task.clear_ibuf [dreg:s7], $0x2FFFF;
	_ =	strace $0x9FFFFFFF  }
0xc8: {  	(tm) =	ssettm $0x7FFFFFFF  }
0xc9: {  	_ =	shalt  }
tec
execute0_lowered:
.L_overlay_start_1:
0x0: {  	(tag) =	ssettag $0x1  }
0x1: {  	s0 =	rddreg [dreg:$0x0]  }
0x2: {  	s1 =	rddreg [dreg:$0x1]  }
0x3: {  	s3 =	srdreg.scid;
	s5 =	stileid.u32  }
0x4: {  	s2 =	simm.s32 $0x0;
	s12 =	simm.s32 $0x3;
	s13 =	simm.s32 $0x2000  }
0x5: {  	s14 =	simm.s32 $0x2400;
	s15 =	simm.s32 $0x2C00;
	s16 =	simm.s32 $0x3400  }
0x6: {  	s17 =	simm.s32 $0x3C00;
	s18 =	simm.s32 $0x4400;
	s19 =	simm.s32 $0x4C00  }
0x7: {  	s20 =	simm.s32 $0x5400;
	s21 =	simm.s32 $0x5C00;
	s22 =	simm.s32 $0x6400  }
0x8: {  	s31 =	simm.s32 $0xA400;
	s29 =	simm.s32 $0x1;
	s30 =	simm.s32 $0xE400  }
0x9: {  	s28 =	simm.s32 $0x11C00;
	s4 =	sand.u32 $0x1, s3;
	s25 =	sshll.u32 s5, $0x1  }
0xa: {  	[smem:$0x7FF] =	sst s2;
	s3 =	sadd.s32 $0x2200, s0;
	s5 =	sor.u32 s4, s25  }
0xb: {  	_ =	strace $0x80000047;
	s6 =	ssub.s32 $0x2, s4;
	s23 =	smul.u32 $0xA0, s5  }
0xc: {  	s4 =	sadd.s32 $0x62200, s0;
	s7 =	smul.u32 $0x14000, s5;
	s8 =	sshrl.u32 s6, $0x1  }
0xd: {  	s9 =	smul.u32 $0x2800, s5;
	s5 =	sadd.s32 $0x2300, s0;
	s0 =	simm.s32 $0x2  }
0xe: {  	s11 =	ssub.s32 s6, s8;
	s24 =	sadd.s32 $0xA0, s23;
	s7 =	sshrl.u32 s7, $0x3  }
0xf: {  	v2 =	vlaneseq.u32;
	v3 =	vimm.s32 $0x0;
	vm0 =	vmmov $0xffff;
	s6 =	sadd.s32 s1, s9;
	s11 =	smax.u32 s11, $0x1;
	s26 =	sadd.s32 s1, s7  }
0x10: {  	v4 =	vand.u32 $0x7, v2;
	v5 =	vshrl.u32 v2, $0x3;
	v6 =	vor.u32 $0x8, v2;
	s1 =	simm.s32 $0x0;
	s7 =	sadd.s32 $0x800, s26;
	s8 =	sadd.s32 $0x1000, s26  }
0x11: {  	v5 =	vmul.u32 $0x8, v5;
	v0 =	vmov s23;
	v1 =	vmov s24;
	s9 =	sadd.s32 $0x1800, s26;
	s10 =	sadd.s32 $0x2000, s26;
	s26 =	simm.s32 $0x11400  }
.LBB2_1:
0x12: {  	[tilespmem:s2], [sflag:$0x3] =	stream.linear.gather [hbm4b:s4+s2], $0x2000, $0x38;
	[tilespmem:$0x12400] =	vst v63  }
0x13: {  	_ =	swait.ge [sflag:s12], $0x2000  }
0x14: {  	[sflag:s12] =	ssyncset.done $0x0  }
0x15: {  	[sflag:s12] =	ssyncadd.s32 $0xFFFFE000  }
0x16: {  	[tilespmem:$0x2000] =	vst v3  }
0x17: {  	[tilespmem:$0x2010] =	vst v3  }
0x18: {  	[tilespmem:$0x2080] =	vst v3  }
0x19: {  	[tilespmem:$0x2090] =	vst v3  }
0x1a: {  	[tilespmem:$0x2100] =	vst v3  }
0x1b: {  	[tilespmem:$0x2110] =	vst v3  }
0x1c: {  	[tilespmem:$0x2180] =	vst v3  }
0x1d: {  	[tilespmem:$0x2190] =	vst v3  }
0x1e: {  	[tilespmem:$0x2200] =	vst v3  }
0x1f: {  	[tilespmem:$0x2210] =	vst v3  }
0x20: {  	s24 =	simm.s32 $0x10;
	s23 =	simm.s32 $0x0;
	s25 =	simm.s32 $0x0;
	v7 =	vld [tilespmem:s2+$0x0]  }
.LBB2_2:
0x21: {  	p0 =	sne.s32 s24, $0x1FF0;
	_ =	sdelay $0x3  }
0x22: {  	vm1 =	vge.s32 v7, v0;
	vm2 =	vlt.s32 v7, v1  }
0x23: {  	v7 =	vsub.s32 v7, v0;
	vm1 =	vmand vm1, vm2  }
0x24: {  	v7 =	vnsel vm1, $0x0, v7  }
0x25: {  	v8 =	vshll.u32 v7, $0x2  }
0x26: {  	v7 =	vand.u32 $0x1F, v7;
	v8 =	vand.u32 $0xFFFFFF80, v8  }
0x27: {  	v7 =	vor.u32 v7, v8;
	_ =	sdelay $0x1  }
.Ltmp0:
0x28: {  	(pc) =	sbr.rel @p0 .LBB2_2-.Ltmp0, $4  }
0x29: {  	v8 =	vor.u32 s23, v2;
	s23 =	smov.u32 s24  }
0x2a: {  	v8 =	vshrl.u32 v8, $0x1  }
0x2b: {  	s25 =	sadd.s32 $0x10, s25;
	[tilespmem:v7+s13+$0x0] =	vst.idx.msk vm1, v8  }
0x2c: {  	s24 =	sadd.s32 $0x10, s24;
	v7 =	vld [tilespmem:s25+$0x0]  }
0x2d: {  	_ =	sdelay $0x3  }
0x2e: {  	vm1 =	vge.s32 v7, v0;
	vm2 =	vlt.s32 v7, v1  }
0x2f: {  	v7 =	vsub.s32 v7, v0;
	vm1 =	vmand vm1, vm2  }
0x30: {  	v7 =	vnsel vm1, $0x0, v7  }
0x31: {  	v8 =	vshll.u32 v7, $0x2  }
0x32: {  	v7 =	vand.u32 $0x1F, v7;
	v8 =	vand.u32 $0xFFFFFF80, v8  }
0x33: {  	v7 =	vor.u32 v7, v8;
	_ =	sdelay $0x2  }
0x34: {  	v8 =	vor.u32 s23, v2  }
0x35: {  	v8 =	vshrl.u32 v8, $0x1  }
0x36: {  	[tilespmem:v7+s13+$0x0] =	vst.idx.msk vm1, v8  }
0x37: {  	v7 =	vld [tilespmem:$0x2000];
	_ =	sdelay $0x4  }
0x38: {  	v8 =	vshll.u32 v7, $0x2  }
0x39: {  	v7 =	vand.u32 $0x7, v7;
	v8 =	vand.u32 $0xFFFFFFE0, v8  }
0x3a: {  	v7 =	vor.u32 v7, v8  }
0x3b: {  	v8 =	vperm.xlane v7, v4;
	_ =	sdelay $0x1  }
0x3c: {  	v8 =	vadd.s32 v5, v8;
	_ =	sdelay $0x1  }
0x3d: {  	v7 =	vperm.xlane v7, v6;
	_ =	sdelay $0x1  }
0x3e: {  	v7 =	vadd.s32 v5, v7  }
0x3f: {  	[tilespmem:s14], [sflag:$0x1] =	stream.indirect_vreg.gather [hbm4b:s3+s2], $0x80, v8, vm0, $0xb8;
	[tilespmem:$0x12400] =	vst v63  }
0x40: {  	_ = 	snop  }
0x41: {  	[tilespmem:s15], [sflag:$0x1] =	stream.indirect_vreg.gather [hbm4b:s5+s2], $0x80, v8, vm0, $0xb8;
	[tilespmem:$0x12400] =	vst v63  }
0x42: {  	_ = 	snop  }
0x43: {  	[tilespmem:s16], [sflag:$0x1] =	stream.indirect_vreg.gather [hbm4b:s3+s2], $0x80, v7, vm0, $0xb8;
	[tilespmem:$0x12400] =	vst v63  }
0x44: {  	_ = 	snop  }
0x45: {  	[tilespmem:s17], [sflag:$0x1] =	stream.indirect_vreg.gather [hbm4b:s5+s2], $0x80, v7, vm0, $0xb8;
	[tilespmem:$0x12400] =	vst v63  }
0x46: {  	v7 =	vld [tilespmem:$0x2010];
	_ =	sdelay $0x4  }
0x47: {  	v8 =	vshll.u32 v7, $0x2  }
0x48: {  	v7 =	vand.u32 $0x7, v7;
	v8 =	vand.u32 $0xFFFFFFE0, v8  }
0x49: {  	v7 =	vor.u32 v7, v8  }
0x4a: {  	v8 =	vperm.xlane v7, v4;
	_ =	sdelay $0x1  }
0x4b: {  	v8 =	vadd.s32 v5, v8;
	_ =	sdelay $0x1  }
0x4c: {  	v7 =	vperm.xlane v7, v6;
	_ =	sdelay $0x1  }
0x4d: {  	v7 =	vadd.s32 v5, v7  }
0x4e: {  	[tilespmem:s18], [sflag:$0x1] =	stream.indirect_vreg.gather [hbm4b:s3+s2], $0x80, v8, vm0, $0xb8;
	[tilespmem:$0x12400] =	vst v63  }
0x4f: {  	_ = 	snop  }
0x50: {  	[tilespmem:s19], [sflag:$0x1] =	stream.indirect_vreg.gather [hbm4b:s5+s2], $0x80, v8, vm0, $0xb8;
	[tilespmem:$0x12400] =	vst v63  }
0x51: {  	_ = 	snop  }
0x52: {  	[tilespmem:s20], [sflag:$0x1] =	stream.indirect_vreg.gather [hbm4b:s3+s2], $0x80, v7, vm0, $0xb8;
	[tilespmem:$0x12400] =	vst v63  }
0x53: {  	_ = 	snop  }
0x54: {  	[tilespmem:s21], [sflag:$0x1] =	stream.indirect_vreg.gather [hbm4b:s5+s2], $0x80, v7, vm0, $0xb8;
	[tilespmem:$0x12400] =	vst v63  }
0x55: {  	v7 =	vld [tilespmem:$0x2080];
	_ =	sdelay $0x4  }
0x56: {  	v8 =	vshll.u32 v7, $0x2  }
0x57: {  	v7 =	vand.u32 $0x7, v7;
	v8 =	vand.u32 $0xFFFFFFE0, v8  }
0x58: {  	v7 =	vor.u32 v7, v8  }
0x59: {  	v8 =	vperm.xlane v7, v4;
	_ =	sdelay $0x1  }
0x5a: {  	v8 =	vadd.s32 v5, v8;
	_ =	sdelay $0x1  }
0x5b: {  	v7 =	vperm.xlane v7, v6;
	_ =	sdelay $0x1  }
0x5c: {  	v7 =	vadd.s32 v5, v7  }
0x5d: {  	[tilespmem:s22], [sflag:$0x1] =	stream.indirect_vreg.gather [hbm4b:s3+s2], $0x80, v8, vm0, $0xb8;
	[tilespmem:$0x12400] =	vst v63  }
0x5e: {  	s25 =	simm.s32 $0x6C00  }
0x5f: {  	[tilespmem:s25], [sflag:$0x1] =	stream.indirect_vreg.gather [hbm4b:s5+s2], $0x80, v8, vm0, $0xb8;
	[tilespmem:$0x12400] =	vst v63  }
0x60: {  	s24 =	simm.s32 $0x7400  }
0x61: {  	[tilespmem:s24], [sflag:$0x1] =	stream.indirect_vreg.gather [hbm4b:s3+s2], $0x80, v7, vm0, $0xb8;
	[tilespmem:$0x12400] =	vst v63  }
0x62: {  	s25 =	simm.s32 $0x7C00  }
0x63: {  	[tilespmem:s25], [sflag:$0x1] =	stream.indirect_vreg.gather [hbm4b:s5+s2], $0x80, v7, vm0, $0xb8;
	[tilespmem:$0x12400] =	vst v63  }
0x64: {  	v7 =	vld [tilespmem:$0x2090];
	_ =	sdelay $0x4  }
0x65: {  	v8 =	vshll.u32 v7, $0x2  }
0x66: {  	v7 =	vand.u32 $0x7, v7;
	v8 =	vand.u32 $0xFFFFFFE0, v8  }
0x67: {  	v7 =	vor.u32 v7, v8  }
0x68: {  	v8 =	vperm.xlane v7, v4;
	_ =	sdelay $0x1  }
0x69: {  	v8 =	vadd.s32 v5, v8;
	_ =	sdelay $0x1  }
0x6a: {  	v7 =	vperm.xlane v7, v6;
	_ =	sdelay $0x1  }
0x6b: {  	s24 =	simm.s32 $0x8400;
	v7 =	vadd.s32 v5, v7  }
0x6c: {  	[tilespmem:s24], [sflag:$0x1] =	stream.indirect_vreg.gather [hbm4b:s3+s2], $0x80, v8, vm0, $0xb8;
	[tilespmem:$0x12400] =	vst v63  }
0x6d: {  	s25 =	simm.s32 $0x8C00  }
0x6e: {  	[tilespmem:s25], [sflag:$0x1] =	stream.indirect_vreg.gather [hbm4b:s5+s2], $0x80, v8, vm0, $0xb8;
	[tilespmem:$0x12400] =	vst v63  }
0x6f: {  	s24 =	simm.s32 $0x9400  }
0x70: {  	[tilespmem:s24], [sflag:$0x1] =	stream.indirect_vreg.gather [hbm4b:s3+s2], $0x80, v7, vm0, $0xb8;
	[tilespmem:$0x12400] =	vst v63  }
0x71: {  	s25 =	simm.s32 $0x9C00  }
0x72: {  	[tilespmem:s25], [sflag:$0x1] =	stream.indirect_vreg.gather [hbm4b:s5+s2], $0x80, v7, vm0, $0xb8;
	[tilespmem:$0x12400] =	vst v63  }
0x73: {  	v7 =	vld [tilespmem:$0x2100];
	_ =	sdelay $0x4  }
0x74: {  	v8 =	vshll.u32 v7, $0x2  }
0x75: {  	v7 =	vand.u32 $0x7, v7;
	v8 =	vand.u32 $0xFFFFFFE0, v8  }
0x76: {  	v7 =	vor.u32 v7, v8  }
0x77: {  	v8 =	vperm.xlane v7, v4;
	_ =	sdelay $0x1  }
0x78: {  	v8 =	vadd.s32 v5, v8;
	_ =	sdelay $0x1  }
0x79: {  	v7 =	vperm.xlane v7, v6;
	_ =	sdelay $0x1  }
0x7a: {  	v7 =	vadd.s32 v5, v7  }
0x7b: {  	[tilespmem:s31], [sflag:$0x1] =	stream.indirect_vreg.gather [hbm4b:s3+s2], $0x80, v8, vm0, $0xb8;
	[tilespmem:$0x12400] =	vst v63  }
0x7c: {  	s24 =	simm.s32 $0xAC00  }
0x7d: {  	[tilespmem:s24], [sflag:$0x1] =	stream.indirect_vreg.gather [hbm4b:s5+s2], $0x80, v8, vm0, $0xb8;
	[tilespmem:$0x12400] =	vst v63  }
0x7e: {  	s25 =	simm.s32 $0xB400  }
0x7f: {  	[tilespmem:s25], [sflag:$0x1] =	stream.indirect_vreg.gather [hbm4b:s3+s2], $0x80, v7, vm0, $0xb8;
	[tilespmem:$0x12400] =	vst v63  }
0x80: {  	s24 =	simm.s32 $0xBC00  }
0x81: {  	[tilespmem:s24], [sflag:$0x1] =	stream.indirect_vreg.gather [hbm4b:s5+s2], $0x80, v7, vm0, $0xb8;
	[tilespmem:$0x12400] =	vst v63  }
0x82: {  	v7 =	vld [tilespmem:$0x2110];
	_ =	sdelay $0x4  }
0x83: {  	v8 =	vshll.u32 v7, $0x2  }
0x84: {  	v7 =	vand.u32 $0x7, v7;
	v8 =	vand.u32 $0xFFFFFFE0, v8  }
0x85: {  	v7 =	vor.u32 v7, v8  }
0x86: {  	v8 =	vperm.xlane v7, v4;
	_ =	sdelay $0x1  }
0x87: {  	v8 =	vadd.s32 v5, v8;
	_ =	sdelay $0x1  }
0x88: {  	v7 =	vperm.xlane v7, v6;
	_ =	sdelay $0x1  }
0x89: {  	s25 =	simm.s32 $0xC400;
	v7 =	vadd.s32 v5, v7  }
0x8a: {  	[tilespmem:s25], [sflag:$0x1] =	stream.indirect_vreg.gather [hbm4b:s3+s2], $0x80, v8, vm0, $0xb8;
	[tilespmem:$0x12400] =	vst v63  }
0x8b: {  	s24 =	simm.s32 $0xCC00  }
0x8c: {  	[tilespmem:s24], [sflag:$0x1] =	stream.indirect_vreg.gather [hbm4b:s5+s2], $0x80, v8, vm0, $0xb8;
	[tilespmem:$0x12400] =	vst v63  }
0x8d: {  	s25 =	simm.s32 $0xD400  }
0x8e: {  	[tilespmem:s25], [sflag:$0x1] =	stream.indirect_vreg.gather [hbm4b:s3+s2], $0x80, v7, vm0, $0xb8;
	[tilespmem:$0x12400] =	vst v63  }
0x8f: {  	s24 =	simm.s32 $0xDC00  }
0x90: {  	[tilespmem:s24], [sflag:$0x1] =	stream.indirect_vreg.gather [hbm4b:s5+s2], $0x80, v7, vm0, $0xb8;
	[tilespmem:$0x12400] =	vst v63  }
0x91: {  	_ =	swait.ge [sflag:s29], $0x4000  }
0x92: {  	[sflag:s29] =	ssyncset.done $0x0  }
0x93: {  	[sflag:s29] =	ssyncadd.s32 $0xFFFFC000  }
0x94: {  	[hbm4b:s6+s2] =	stream.linear.scatter [tilespmem:s14], [sflag:$0x2], $0x4000, $0x38;
	[tilespmem:$0x12400] =	vst v63  }
0x95: {  	v7 =	vld [tilespmem:$0x2180];
	_ =	sdelay $0x4  }
0x96: {  	v8 =	vshll.u32 v7, $0x2  }
0x97: {  	v7 =	vand.u32 $0x7, v7;
	v8 =	vand.u32 $0xFFFFFFE0, v8  }
0x98: {  	v7 =	vor.u32 v7, v8  }
0x99: {  	v8 =	vperm.xlane v7, v4;
	_ =	sdelay $0x1  }
0x9a: {  	v8 =	vadd.s32 v5, v8;
	_ =	sdelay $0x1  }
0x9b: {  	v7 =	vperm.xlane v7, v6;
	_ =	sdelay $0x1  }
0x9c: {  	v7 =	vadd.s32 v5, v7  }
0x9d: {  	[tilespmem:s30], [sflag:$0x1] =	stream.indirect_vreg.gather [hbm4b:s3+s2], $0x80, v8, vm0, $0xb8;
	[tilespmem:$0x12400] =	vst v63  }
0x9e: {  	s25 =	simm.s32 $0xEC00  }
0x9f: {  	[tilespmem:s25], [sflag:$0x1] =	stream.indirect_vreg.gather [hbm4b:s5+s2], $0x80, v8, vm0, $0xb8;
	[tilespmem:$0x12400] =	vst v63  }
0xa0: {  	s24 =	simm.s32 $0xF400  }
0xa1: {  	[tilespmem:s24], [sflag:$0x1] =	stream.indirect_vreg.gather [hbm4b:s3+s2], $0x80, v7, vm0, $0xb8;
	[tilespmem:$0x12400] =	vst v63  }
0xa2: {  	s25 =	simm.s32 $0xFC00  }
0xa3: {  	[tilespmem:s25], [sflag:$0x1] =	stream.indirect_vreg.gather [hbm4b:s5+s2], $0x80, v7, vm0, $0xb8;
	[tilespmem:$0x12400] =	vst v63  }
0xa4: {  	v7 =	vld [tilespmem:$0x2190];
	_ =	sdelay $0x4  }
0xa5: {  	v8 =	vshll.u32 v7, $0x2  }
0xa6: {  	v7 =	vand.u32 $0x7, v7;
	v8 =	vand.u32 $0xFFFFFFE0, v8  }
0xa7: {  	v7 =	vor.u32 v7, v8  }
0xa8: {  	v8 =	vperm.xlane v7, v4;
	_ =	sdelay $0x1  }
0xa9: {  	v8 =	vadd.s32 v5, v8;
	_ =	sdelay $0x1  }
0xaa: {  	v7 =	vperm.xlane v7, v6;
	_ =	sdelay $0x1  }
0xab: {  	s24 =	simm.s32 $0x10400;
	v7 =	vadd.s32 v5, v7  }
0xac: {  	[tilespmem:s24], [sflag:$0x1] =	stream.indirect_vreg.gather [hbm4b:s3+s2], $0x80, v8, vm0, $0xb8;
	[tilespmem:$0x12400] =	vst v63  }
0xad: {  	s25 =	simm.s32 $0x10C00  }
0xae: {  	[tilespmem:s25], [sflag:$0x1] =	stream.indirect_vreg.gather [hbm4b:s5+s2], $0x80, v8, vm0, $0xb8;
	[tilespmem:$0x12400] =	vst v63  }
0xaf: {  	_ = 	snop  }
0xb0: {  	[tilespmem:s26], [sflag:$0x1] =	stream.indirect_vreg.gather [hbm4b:s3+s2], $0x80, v7, vm0, $0xb8;
	[tilespmem:$0x12400] =	vst v63  }
0xb1: {  	_ = 	snop  }
0xb2: {  	[tilespmem:s28], [sflag:$0x1] =	stream.indirect_vreg.gather [hbm4b:s5+s2], $0x80, v7, vm0, $0xb8;
	[tilespmem:$0x12400] =	vst v63  }
0xb3: {  	_ =	swait.ge [sflag:s29], $0x4000  }
0xb4: {  	[sflag:s29] =	ssyncset.done $0x0  }
0xb5: {  	[sflag:s29] =	ssyncadd.s32 $0xFFFFC000  }
0xb6: {  	[hbm4b:s7+s2] =	stream.linear.scatter [tilespmem:s22], [sflag:$0x2], $0x4000, $0x38;
	[tilespmem:$0x12400] =	vst v63  }
0xb7: {  	_ =	swait.ge [sflag:s0], $0x4000  }
0xb8: {  	[sflag:s0] =	ssyncset.done $0x0  }
0xb9: {  	[sflag:s0] =	ssyncadd.s32 $0xFFFFC000  }
0xba: {  	v7 =	vld [tilespmem:$0x2200];
	_ =	sdelay $0x4  }
0xbb: {  	v8 =	vshll.u32 v7, $0x2  }
0xbc: {  	v7 =	vand.u32 $0x7, v7;
	v8 =	vand.u32 $0xFFFFFFE0, v8  }
0xbd: {  	v7 =	vor.u32 v7, v8  }
0xbe: {  	v8 =	vperm.xlane v7, v4;
	_ =	sdelay $0x1  }
0xbf: {  	v8 =	vadd.s32 v5, v8;
	_ =	sdelay $0x1  }
0xc0: {  	v7 =	vperm.xlane v7, v6;
	_ =	sdelay $0x1  }
0xc1: {  	v7 =	vadd.s32 v5, v7  }
0xc2: {  	[tilespmem:s14], [sflag:$0x1] =	stream.indirect_vreg.gather [hbm4b:s3+s2], $0x80, v8, vm0, $0xb8;
	[tilespmem:$0x12400] =	vst v63  }
0xc3: {  	_ = 	snop  }
0xc4: {  	[tilespmem:s15], [sflag:$0x1] =	stream.indirect_vreg.gather [hbm4b:s5+s2], $0x80, v8, vm0, $0xb8;
	[tilespmem:$0x12400] =	vst v63  }
0xc5: {  	_ = 	snop  }
0xc6: {  	[tilespmem:s16], [sflag:$0x1] =	stream.indirect_vreg.gather [hbm4b:s3+s2], $0x80, v7, vm0, $0xb8;
	[tilespmem:$0x12400] =	vst v63  }
0xc7: {  	_ = 	snop  }
0xc8: {  	[tilespmem:s17], [sflag:$0x1] =	stream.indirect_vreg.gather [hbm4b:s5+s2], $0x80, v7, vm0, $0xb8;
	[tilespmem:$0x12400] =	vst v63  }
0xc9: {  	v7 =	vld [tilespmem:$0x2210];
	_ =	sdelay $0x4  }
0xca: {  	v8 =	vshll.u32 v7, $0x2  }
0xcb: {  	v7 =	vand.u32 $0x7, v7;
	v8 =	vand.u32 $0xFFFFFFE0, v8  }
0xcc: {  	v7 =	vor.u32 v7, v8  }
0xcd: {  	v8 =	vperm.xlane v7, v4;
	_ =	sdelay $0x1  }
0xce: {  	v8 =	vadd.s32 v5, v8;
	_ =	sdelay $0x1  }
0xcf: {  	v7 =	vperm.xlane v7, v6;
	_ =	sdelay $0x1  }
0xd0: {  	v7 =	vadd.s32 v5, v7  }
0xd1: {  	[tilespmem:s18], [sflag:$0x1] =	stream.indirect_vreg.gather [hbm4b:s3+s2], $0x80, v8, vm0, $0xb8;
	[tilespmem:$0x12400] =	vst v63  }
0xd2: {  	_ = 	snop  }
0xd3: {  	[tilespmem:s19], [sflag:$0x1] =	stream.indirect_vreg.gather [hbm4b:s5+s2], $0x80, v8, vm0, $0xb8;
	[tilespmem:$0x12400] =	vst v63  }
0xd4: {  	_ = 	snop  }
0xd5: {  	[tilespmem:s20], [sflag:$0x1] =	stream.indirect_vreg.gather [hbm4b:s3+s2], $0x80, v7, vm0, $0xb8;
	[tilespmem:$0x12400] =	vst v63  }
0xd6: {  	_ = 	snop  }
0xd7: {  	[tilespmem:s21], [sflag:$0x1] =	stream.indirect_vreg.gather [hbm4b:s5+s2], $0x80, v7, vm0, $0xb8;
	[tilespmem:$0x12400] =	vst v63  }
0xd8: {  	_ =	swait.ge [sflag:s29], $0x4000  }
0xd9: {  	[sflag:s29] =	ssyncset.done $0x0  }
0xda: {  	[sflag:s29] =	ssyncadd.s32 $0xFFFFC000  }
0xdb: {  	[hbm4b:s8+s2] =	stream.linear.scatter [tilespmem:s31], [sflag:$0x2], $0x4000, $0x38;
	[tilespmem:$0x12400] =	vst v63  }
0xdc: {  	_ =	swait.ge [sflag:s29], $0x4000  }
0xdd: {  	[sflag:s29] =	ssyncset.done $0x0  }
0xde: {  	[sflag:s29] =	ssyncadd.s32 $0xFFFFC000  }
0xdf: {  	[hbm4b:s9+s2] =	stream.linear.scatter [tilespmem:s30], [sflag:$0x2], $0x4000, $0x38;
	[tilespmem:$0x12400] =	vst v63  }
0xe0: {  	_ =	swait.ge [sflag:s29], $0x4000  }
0xe1: {  	[sflag:s29] =	ssyncset.done $0x0  }
0xe2: {  	[sflag:s29] =	ssyncadd.s32 $0xFFFFC000  }
0xe3: {  	[hbm4b:s10+s2] =	stream.linear.scatter [tilespmem:s14], [sflag:$0x2], $0x4000, $0x38;
	[tilespmem:$0x12400] =	vst v63  }
0xe4: {  	_ =	swait.ge [sflag:s0], $0x4000  }
0xe5: {  	[sflag:s0] =	ssyncset.done $0x0  }
0xe6: {  	[sflag:s0] =	ssyncadd.s32 $0xFFFFC000  }
0xe7: {  	_ =	swait.ge [sflag:s0], $0x4000  }
0xe8: {  	[sflag:s0] =	ssyncset.done $0x0  }
0xe9: {  	s1 =	sadd.s32 $0x1, s1;
	[sflag:s0] =	ssyncadd.s32 $0xFFFFC000  }
0xea: {  	p0 =	sne.s32 s1, s11;
	_ =	swait.ge [sflag:s0], $0x4000  }
.Ltmp1:
0xeb: {  	[sflag:s0] =	ssyncset.done $0x0;
	(pc) =	sbr.rel @p0 .LBB2_1-.Ltmp1, $4  }
0xec: {  	[sflag:s0] =	ssyncadd.s32 $0xFFFFC000  }
0xed: {  	_ =	swait.ge [sflag:s0], $0x4000  }
0xee: {  	[sflag:s0] =	ssyncset.done $0x0  }
0xef: {  	[sflag:s0] =	ssyncadd.s32 $0xFFFFC000  }
0xf0: {  	_ =	sfence.sel $0x180000  }
0xf1: {  	[bflag:$0x0] =	sbarrier.arrive $0xFFFF  }
0xf2: {  	_ =	strace $0x90000047  }
0xf3: {  	s0 =	stileid.u32;
	[bflag:$0x2] =	sbarrier.arrive $0xFFFF  }
0xf4: {  	p0 =	sne.s32 s0, $0x0;
	s0 =	rddreg [dreg:$0x2]  }
0xf5: {  	s0 =	sadd.s32 @!p0 $0x100000, s0  }
0xf6: {  	[sflag:s0] =	ssyncadd.tile.s32 @!p0 $0x1;
	_ =	shalt  }
.Lfunc_end2:
_tile_overlayer_lowered:
.L_overlay_start_2:
0xf7: {  	(tag) =	ssettag $0x2  }
0xf8: {  	s0 =	rddreg [dreg:$0x0];
	s2 =	stileid.u32  }
0xf9: {  	s1 =	rddreg [dreg:$0x1];
	p0 =	sne.s32 s2, $0x0  }
0xfa: {  	s3 =	rddreg [dreg:$0x2];
	[bflag:$0x3] =	sbarrier.arrive $0xFFFF;
	s2 =	simm.s32 @!p0 $0x1C03  }
0xfb: {  	[timem:s3], [sflag:s2] =	dma.local @!p0 [hbm:s0], s1  }
0xfc: {  	s0 =	simm.s32 @!p0 $0x3  }
0xfd: {  	_ =	swait.ge @!p0 [sflag:s0], s1  }
0xfe: {  	s1 =	ssub.s32 @!p0 $0x0, s1;
	[sflag:s0] =	ssyncset.done @!p0 $0x0  }
0xff: {  	[sflag:s0] =	ssyncadd.s32 @!p0 s1  }
0x100: {  	[bflag:$0x3] =	sbarrier.arrive $0xFFFF  }
0x101: {  	_ =	shalt  }

</sc_bundles>
